<compile_context>
chip_gen: v7x
topology: tpu7x:2x2x1
jax: 0.10.2.dev20260603
libtpu: 0.0.44.dev20260713+nightly
codegen_flags: <defaults>
</compile_context>

<pallas_src>
import functools

import jax
import jax.numpy as jnp
from jax import lax
from jax.experimental import pallas as pl
from jax.experimental.pallas import tpu as pltpu
from jax.experimental.pallas import tpu_sc as plsc

N = 10000
E = 320000
D_IN = 128
D_H = 128
D_H2 = 64
DDEG = 8

NC = 2
NS = 16
NW = NC * NS
CBP = 128
CHP = 80
EPW = CHP * CBP
EPAD = NW * EPW - E
NPAD = 10240
RPT = NPAD // NS

_SC_MESH = dict(core_axis_name="c", subcore_axis_name="s",
                num_cores=NC, num_subcores=NS)
_SC_PARAMS = pltpu.CompilerParams(use_tc_tiling_on_sc=False)


def _make_agg(D):

    @functools.partial(
        pl.kernel,
        out_type=jax.ShapeDtypeStruct((NC, NPAD, D), jnp.float32),
        mesh=plsc.VectorSubcoreMesh(**_SC_MESH),
        scratch_types=[
            pltpu.VMEM((CBP,), jnp.int32),
            pltpu.VMEM((CBP,), jnp.int32),
            pltpu.VMEM((CBP,), jnp.int32),
            pltpu.VMEM((CBP,), jnp.int32),
            pltpu.VMEM((CBP, D), jnp.float32),
            pltpu.VMEM((CBP, D), jnp.float32),
            pltpu.VMEM_SHARED((NPAD, D), jnp.float32),
            pltpu.SemaphoreType.DMA,
            pltpu.SemaphoreType.DMA,
            pltpu.SemaphoreType.DMA,
            pltpu.SemaphoreType.DMA,
        ],
        compiler_params=_SC_PARAMS,
    )
    def agg(y_hbm, src_hbm, dst_hbm, zero_hbm, out_hbm, sa, da, sb, db,
            ra, rb, acc_sh, gsa, ssa, gsb, ssb):
        c = lax.axis_index("c")
        s = lax.axis_index("s")
        w = c * NS + s
        r0 = s * RPT
        pltpu.sync_copy(zero_hbm, acc_sh.at[pl.ds(r0, RPT)])
        plsc.subcore_barrier()

        def gather(sidx, rows, gsem, k):
            pltpu.sync_copy(src_hbm.at[w, k], sidx)
            pltpu.async_copy(y_hbm.at[sidx], rows, gsem)

        gather(sa, ra, gsa, 0)
        pltpu.make_async_copy(y_hbm.at[sa], ra, gsa).wait()
        pltpu.sync_copy(dst_hbm.at[w, 0], da)
        pltpu.async_copy(ra, acc_sh.at[da], ssa, add=True)
        gather(sb, rb, gsb, 1)

        def body(t, carry):
            k0 = 2 * t
            pltpu.make_async_copy(y_hbm.at[sb], rb, gsb).wait()
            pltpu.sync_copy(dst_hbm.at[w, k0 - 1], db)
            pltpu.async_copy(rb, acc_sh.at[db], ssb, add=True)
            pltpu.make_async_copy(ra, acc_sh.at[da], ssa).wait()
            gather(sa, ra, gsa, k0)
            pltpu.make_async_copy(y_hbm.at[sa], ra, gsa).wait()
            pltpu.sync_copy(dst_hbm.at[w, k0], da)
            pltpu.async_copy(ra, acc_sh.at[da], ssa, add=True)
            pltpu.make_async_copy(rb, acc_sh.at[db], ssb).wait()
            gather(sb, rb, gsb, k0 + 1)
            return carry

        lax.fori_loop(1, CHP // 2, body, 0)
        pltpu.make_async_copy(y_hbm.at[sb], rb, gsb).wait()
        pltpu.sync_copy(dst_hbm.at[w, CHP - 1], db)
        pltpu.async_copy(rb, acc_sh.at[db], ssb, add=True)
        pltpu.make_async_copy(ra, acc_sh.at[da], ssa).wait()
        pltpu.make_async_copy(rb, acc_sh.at[db], ssb).wait()
        plsc.subcore_barrier()
        pltpu.sync_copy(acc_sh.at[pl.ds(r0, RPT)],
                        out_hbm.at[c].at[pl.ds(r0, RPT)])

    return agg


_agg128 = _make_agg(128)
_agg64 = _make_agg(64)
_agg8 = _make_agg(8)


@functools.partial(
    pl.kernel,
    out_type=jax.ShapeDtypeStruct((NC, NPAD, DDEG), jnp.float32),
    mesh=plsc.VectorSubcoreMesh(**_SC_MESH),
    scratch_types=[
        pltpu.VMEM((CHP, CBP), jnp.int32),
        pltpu.VMEM((CBP, DDEG), jnp.float32),
        pltpu.VMEM_SHARED((NPAD, DDEG), jnp.float32),
        pltpu.SemaphoreType.DMA,
    ],
    compiler_params=_SC_PARAMS,
)
def _deg_sc(ones_hbm, dst_hbm, zero_hbm, out_hbm, dst_st, rows_v, acc_sh, sem):
    c = lax.axis_index("c")
    s = lax.axis_index("s")
    w = c * NS + s
    r0 = s * RPT
    pltpu.sync_copy(dst_hbm.at[w], dst_st)
    pltpu.sync_copy(zero_hbm, acc_sh.at[pl.ds(r0, RPT)])
    pltpu.sync_copy(ones_hbm, rows_v)
    plsc.subcore_barrier()

    def body(j, carry):
        pltpu.async_copy(rows_v, acc_sh.at[dst_st.at[j]], sem, add=True)
        return carry

    lax.fori_loop(0, CHP, body, 0)

    def drain(j, carry):
        pltpu.make_async_copy(rows_v, acc_sh.at[dst_st.at[0]], sem).wait()
        return carry

    lax.fori_loop(0, CHP, drain, 0)
    plsc.subcore_barrier()
    pltpu.sync_copy(acc_sh.at[pl.ds(r0, RPT)],
                    out_hbm.at[c].at[pl.ds(r0, RPT)])



_RB = 1000
_GRID = N // _RB


def _part_spec(core, d):
    return pl.BlockSpec((1, _RB, d), lambda i, c=core: (c, i, 0))


def _row_spec(d):
    return pl.BlockSpec((_RB, d), lambda i: (i, 0))


def _full_spec(shape):
    return pl.BlockSpec(shape, lambda i: tuple(0 for _ in shape))


def _bf16_dot(a, b):
    return jnp.dot(a.astype(jnp.bfloat16), b.astype(jnp.bfloat16),
                   preferred_element_type=jnp.float32)


def _k0_body(x, w1, xw_ref):
    xw_ref[...] = _bf16_dot(x[...], w1[...])


def _k1_body(d0, d1, xw, y_ref, dis_ref):
    deg = d0[0][:, 0:1] + d1[0][:, 0:1] + 1.0
    dis = 1.0 / jnp.sqrt(deg)
    dis_ref[...] = dis
    y_ref[...] = dis * xw[...]


def _k2_body(p0, p1, y1, dis, b1, w2, y2_ref):
    h = jnp.maximum(dis[...] * (p0[0] + p1[0] + y1[...]) + b1[...], 0.0)
    y2_ref[...] = dis[...] * _bf16_dot(h, w2[...])


def _k3_body(q0, q1, y2, dis, b2, w3p, y3_ref):
    h = jnp.maximum(dis[...] * (q0[0] + q1[0] + y2[...]) + b2[...], 0.0)
    y3_ref[...] = dis[...] * _bf16_dot(h, w3p[...])


def _k4_body(r0, r1, y3, dis, b3, out_ref):
    t = r0[0][:, 0:1] + r1[0][:, 0:1] + y3[:, 0:1]
    out_ref[...] = dis[...] * t + b3[...]


def kernel(x, edge_index, W1, b1, W2, b2, W3, b3):
    f32 = jnp.float32
    i32 = jnp.int32
    src = jnp.concatenate(
        [edge_index[0], jnp.zeros((EPAD,), i32)]).reshape(NW, CHP, CBP)
    dst = jnp.concatenate(
        [edge_index[1], jnp.full((EPAD,), N, i32)]).reshape(NW, CHP, CBP)
    onesb = jnp.ones((CBP, DDEG), f32)
    zdeg = jnp.zeros((RPT, DDEG), f32)
    z64 = jnp.zeros((RPT, 64), f32)
    z128 = jnp.zeros((RPT, 128), f32)
    b1r = b1.reshape(1, D_H)
    b2r = b2.reshape(1, D_H2)
    b3r = b3.reshape(1, 1)

    degp = _deg_sc(onesb, dst, zdeg)
    xw1 = pl.pallas_call(
        _k0_body,
        grid=(_GRID,),
        in_specs=[_row_spec(D_IN), _full_spec((D_IN, D_H))],
        out_specs=_row_spec(D_H),
        out_shape=jax.ShapeDtypeStruct((N, D_H), f32),
    )(x, W1)
    y1, dis = pl.pallas_call(
        _k1_body,
        grid=(_GRID,),
        in_specs=[_part_spec(0, DDEG), _part_spec(1, DDEG), _row_spec(D_H)],
        out_specs=[_row_spec(D_H), _row_spec(1)],
        out_shape=[jax.ShapeDtypeStruct((N, D_H), f32),
                   jax.ShapeDtypeStruct((N, 1), f32)],
    )(degp, degp, xw1)

    p = _agg128(y1, src, dst, z128)
    y2 = pl.pallas_call(
        _k2_body,
        grid=(_GRID,),
        in_specs=[_part_spec(0, D_H), _part_spec(1, D_H), _row_spec(D_H),
                  _row_spec(1), _full_spec((1, D_H)), _full_spec((D_H, D_H2))],
        out_specs=_row_spec(D_H2),
        out_shape=jax.ShapeDtypeStruct((N, D_H2), f32),
    )(p, p, y1, dis, b1r, W2)

    q = _agg64(y2, src, dst, z64)
    w3p = jnp.pad(W3, ((0, 0), (0, DDEG - 1)))
    y3 = pl.pallas_call(
        _k3_body,
        grid=(_GRID,),
        in_specs=[_part_spec(0, D_H2), _part_spec(1, D_H2), _row_spec(D_H2),
                  _row_spec(1), _full_spec((1, D_H2)),
                  _full_spec((D_H2, DDEG))],
        out_specs=_row_spec(DDEG),
        out_shape=jax.ShapeDtypeStruct((N, DDEG), f32),
    )(q, q, y2, dis, b2r, w3p)

    r = _agg8(y3, src, dst, zdeg)
    out = pl.pallas_call(
        _k4_body,
        grid=(_GRID,),
        in_specs=[_part_spec(0, DDEG), _part_spec(1, DDEG), _row_spec(DDEG),
                  _row_spec(1), _full_spec((1, 1))],
        out_specs=_row_spec(1),
        out_shape=jax.ShapeDtypeStruct((N, 1), f32),
    )(r, r, y3, dis, b3r)
    return out

# --- scband reference (transcript-rebuilt; emitter-appended) ---
"""Pipeline reference for scband-gnnregression-7868380086470 (READ-ONLY COPY).

The authoritative reference and input builder live on the scoring server;
editing this copy changes nothing except your own understanding.
"""

import jax
import jax.numpy as jnp
import numpy as np

N = 10000
E = 320000
D_IN = 128
D_H = 128
D_H2 = 64
D_OUT = 1


def setup_inputs(seed: int = 0) -> dict:
    key = jax.random.key(seed)
    k1, k2, k3, k4, k5 = jax.random.split(key, 5)
    x = jax.random.normal(k1, (N, D_IN), dtype=jnp.float32)
    edge_index = jax.random.randint(k2, (2, E), 0, N, dtype=jnp.int32)
    W1 = jax.random.normal(k3, (D_IN, D_H), dtype=jnp.float32) * (1.0 / np.sqrt(D_IN))
    b1 = jnp.zeros((D_H,), dtype=jnp.float32)
    W2 = jax.random.normal(k4, (D_H, D_H2), dtype=jnp.float32) * (1.0 / np.sqrt(D_H))
    b2 = jnp.zeros((D_H2,), dtype=jnp.float32)
    W3 = jax.random.normal(k5, (D_H2, D_OUT), dtype=jnp.float32) * (1.0 / np.sqrt(D_H2))
    b3 = jnp.zeros((D_OUT,), dtype=jnp.float32)
    return {"x": x, "edge_index": edge_index, "W1": W1, "b1": b1, "W2": W2, "b2": b2, "W3": W3, "b3": b3}


def gcn_layer(x, src, dst, W, b, n_nodes):
    # PyG GCNConv: add self-loops, symmetric normalization, linear transform, scatter-add aggregate
    loop = jnp.arange(n_nodes, dtype=src.dtype)
    s = jnp.concatenate([src, loop])
    d = jnp.concatenate([dst, loop])
    deg = jnp.zeros((n_nodes,), dtype=x.dtype).at[d].add(1.0)
    deg_inv_sqrt = jnp.where(deg > 0, 1.0 / jnp.sqrt(deg), 0.0)
    norm = deg_inv_sqrt[s] * deg_inv_sqrt[d]
    xw = x @ W
    msg = xw[s] * norm[:, None]
    out = jnp.zeros((n_nodes, W.shape[1]), dtype=x.dtype).at[d].add(msg)
    return out + b


def reference(x, edge_index, W1, b1, W2, b2, W3, b3):
    src = edge_index[0]
    dst = edge_index[1]
    h = gcn_layer(x, src, dst, W1, b1, N)
    h = jax.nn.relu(h)
    # dropout is identity in eval mode
    h = gcn_layer(h, src, dst, W2, b2, N)
    h = jax.nn.relu(h)
    out = gcn_layer(h, src, dst, W3, b3, N)
    return out

if __name__ == "__main__":
    import jax
    _d = setup_inputs()
    print(jax.jit(kernel)(*tuple(_d.values())))

</pallas_src>

<mosaic_0001>
#map = affine_map<(d0, d1) -> (0, 0)>
#map1 = affine_map<(d0, d1) -> (0, 0, 0)>
module attributes {stable_mosaic.version = 14 : i64} {
  func.func @agg(%arg0: i32, %arg1: i32, %arg2: memref<10000x8xf32, #tpu.memory_space<hbm>>, %arg3: memref<32x80x128xi32, #tpu.memory_space<hbm>>, %arg4: memref<32x80x128xi32, #tpu.memory_space<hbm>>, %arg5: memref<640x8xf32, #tpu.memory_space<hbm>>, %arg6: memref<2x10240x8xf32, #tpu.memory_space<hbm>>, %arg7: memref<128xi32, #tpu.memory_space<vmem>>, %arg8: memref<128xi32, #tpu.memory_space<vmem>>, %arg9: memref<128xi32, #tpu.memory_space<vmem>>, %arg10: memref<128xi32, #tpu.memory_space<vmem>>, %arg11: memref<128x8xf32, #tpu.memory_space<vmem>>, %arg12: memref<128x8xf32, #tpu.memory_space<vmem>>, %arg13: memref<10240x8xf32, #tpu.memory_space<vmem_shared>>, %arg14: memref<!tpu.dma_semaphore, #tpu.memory_space<semaphore_mem>>, %arg15: memref<!tpu.dma_semaphore, #tpu.memory_space<semaphore_mem>>, %arg16: memref<!tpu.dma_semaphore, #tpu.memory_space<semaphore_mem>>, %arg17: memref<!tpu.dma_semaphore, #tpu.memory_space<semaphore_mem>>) attributes {dimension_semantics = [#tpu.dimension_semantics<core_parallel>, #tpu.dimension_semantics<subcore_parallel>], iteration_bounds = array<i64: 2, 16>, scalar_prefetch = 0 : i64, scratch_operands = 11 : i64, tpu.core_type = #tpu.core_type<sc_vector_subcore>, window_params = [{transform_indices = #map}, {transform_indices = #map1}, {transform_indices = #map1}, {transform_indices = #map}, {transform_indices = #map1}]} {
    %mul3A = arith.constant 16 : i32
    %mul3A_0 = arith.muli %arg0, %mul3A : i32
    %add3A = arith.addi %mul3A_0, %arg1 : i32
    %mul3A_1 = arith.constant 640 : i32
    %mul3A_2 = arith.muli %arg1, %mul3A_1 : i32
    "tpu.region"() ({
      %run_scoped3A_34 = tpu.sem_alloc : memref<!tpu.dma_semaphore, #tpu.memory_space<semaphore_mem>>
      %dma_start3A_35 = arith.constant 0 : i32
      %dma_start3A_36 = tpu.memref_slice %arg13[%mul3A_2, %dma_start3A_35] : memref<10240x8xf32, #tpu.memory_space<vmem_shared>> -> memref<640x8xf32, #tpu.memory_space<vmem_shared>>
      tpu.enqueue_dma source(%arg5 : memref<640x8xf32, #tpu.memory_space<hbm>>) target(%dma_start3A_36 : memref<640x8xf32, #tpu.memory_space<vmem_shared>>) target_semaphore(%run_scoped3A_34 : memref<!tpu.dma_semaphore, #tpu.memory_space<semaphore_mem>>)
      %dma_wait3A_37 = arith.constant 0 : i32
      %dma_wait3A_38 = tpu.memref_slice %arg13[%mul3A_2, %dma_wait3A_37] : memref<10240x8xf32, #tpu.memory_space<vmem_shared>> -> memref<640x8xf32, #tpu.memory_space<vmem_shared>>
      tpu.wait_dma2 semaphore(%run_scoped3A_34 : memref<!tpu.dma_semaphore, #tpu.memory_space<semaphore_mem>>) src(%arg5 : memref<640x8xf32, #tpu.memory_space<hbm>>) dst(%dma_wait3A_38 : memref<640x8xf32, #tpu.memory_space<vmem_shared>>)
      tpu.yield
    }) : () -> ()
    %barrier3A = arith.constant 0 : index
    tpu.barrier barrier_id(%barrier3A)
    %run_scoped3A = arith.constant 0 : i32
    "tpu.region"() ({
      %run_scoped3A_34 = tpu.sem_alloc : memref<!tpu.dma_semaphore, #tpu.memory_space<semaphore_mem>>
      %dma_start3A_35 = arith.constant 0 : i32
      %dma_start3A_36 = tpu.memref_slice %arg3[%add3A, %run_scoped3A, %dma_start3A_35] : memref<32x80x128xi32, #tpu.memory_space<hbm>> -> memref<1x1x128xi32, #tpu.memory_space<hbm>>
      %dma_start3A_37 = tpu.memref_squeeze %dma_start3A_36 : memref<1x1x128xi32, #tpu.memory_space<hbm>> -> memref<128xi32, #tpu.memory_space<hbm>>
      %dma_start3A_38 = arith.constant 0 : i32
      %dma_start3A_39 = tpu.memref_slice %arg3[%add3A, %run_scoped3A, %dma_start3A_38] : memref<32x80x128xi32, #tpu.memory_space<hbm>> -> memref<1x1x128xi32, #tpu.memory_space<hbm>>
      %dma_start3A_40 = tpu.memref_squeeze %dma_start3A_39 : memref<1x1x128xi32, #tpu.memory_space<hbm>> -> memref<128xi32, #tpu.memory_space<hbm>>
      tpu.enqueue_dma source(%dma_start3A_40 : memref<128xi32, #tpu.memory_space<hbm>>) target(%arg7 : memref<128xi32, #tpu.memory_space<vmem>>) target_semaphore(%run_scoped3A_34 : memref<!tpu.dma_semaphore, #tpu.memory_space<semaphore_mem>>)
      %dma_wait3A_41 = arith.constant 0 : i32
      %dma_wait3A_42 = tpu.memref_slice %arg3[%add3A, %run_scoped3A, %dma_wait3A_41] : memref<32x80x128xi32, #tpu.memory_space<hbm>> -> memref<1x1x128xi32, #tpu.memory_space<hbm>>
      %dma_wait3A_43 = tpu.memref_squeeze %dma_wait3A_42 : memref<1x1x128xi32, #tpu.memory_space<hbm>> -> memref<128xi32, #tpu.memory_space<hbm>>
      %dma_wait3A_44 = arith.constant 0 : i32
      %dma_wait3A_45 = tpu.memref_slice %arg3[%add3A, %run_scoped3A, %dma_wait3A_44] : memref<32x80x128xi32, #tpu.memory_space<hbm>> -> memref<1x1x128xi32, #tpu.memory_space<hbm>>
      %dma_wait3A_46 = tpu.memref_squeeze %dma_wait3A_45 : memref<1x1x128xi32, #tpu.memory_space<hbm>> -> memref<128xi32, #tpu.memory_space<hbm>>
      tpu.wait_dma2 semaphore(%run_scoped3A_34 : memref<!tpu.dma_semaphore, #tpu.memory_space<semaphore_mem>>) src(%dma_wait3A_46 : memref<128xi32, #tpu.memory_space<hbm>>) dst(%arg7 : memref<128xi32, #tpu.memory_space<vmem>>)
      tpu.yield
    }) : () -> ()
    %dma_start3A = arith.constant 0 : i32
    %dma_start3A_3 = arith.constant 0 : i32
    %dma_start3A_4 = tpu.memref_slice %arg2[%dma_start3A, %dma_start3A_3] : memref<10000x8xf32, #tpu.memory_space<hbm>> -> memref<10000x8xf32, #tpu.memory_space<hbm>>
    tpu.enqueue_indirect_dma source(%dma_start3A_4 : memref<10000x8xf32, #tpu.memory_space<hbm>>) target(%arg11 : memref<128x8xf32, #tpu.memory_space<vmem>>) offsets(%arg7 : memref<128xi32, #tpu.memory_space<vmem>>) semaphore(%arg14 : memref<!tpu.dma_semaphore, #tpu.memory_space<semaphore_mem>>)
    %dma_wait3A = arith.constant 0 : i32
    %dma_wait3A_5 = arith.constant 0 : i32
    %dma_wait3A_6 = tpu.memref_slice %arg2[%dma_wait3A, %dma_wait3A_5] : memref<10000x8xf32, #tpu.memory_space<hbm>> -> memref<10000x8xf32, #tpu.memory_space<hbm>>
    tpu.wait_indirect_dma semaphore(%arg14 : memref<!tpu.dma_semaphore, #tpu.memory_space<semaphore_mem>>) src(%dma_wait3A_6 : memref<10000x8xf32, #tpu.memory_space<hbm>>) dst(%arg11 : memref<128x8xf32, #tpu.memory_space<vmem>>)
    %run_scoped3A_7 = arith.constant 0 : i32
    "tpu.region"() ({
      %run_scoped3A_34 = tpu.sem_alloc : memref<!tpu.dma_semaphore, #tpu.memory_space<semaphore_mem>>
      %dma_start3A_35 = arith.constant 0 : i32
      %dma_start3A_36 = tpu.memref_slice %arg4[%add3A, %run_scoped3A_7, %dma_start3A_35] : memref<32x80x128xi32, #tpu.memory_space<hbm>> -> memref<1x1x128xi32, #tpu.memory_space<hbm>>
      %dma_start3A_37 = tpu.memref_squeeze %dma_start3A_36 : memref<1x1x128xi32, #tpu.memory_space<hbm>> -> memref<128xi32, #tpu.memory_space<hbm>>
      %dma_start3A_38 = arith.constant 0 : i32
      %dma_start3A_39 = tpu.memref_slice %arg4[%add3A, %run_scoped3A_7, %dma_start3A_38] : memref<32x80x128xi32, #tpu.memory_space<hbm>> -> memref<1x1x128xi32, #tpu.memory_space<hbm>>
      %dma_start3A_40 = tpu.memref_squeeze %dma_start3A_39 : memref<1x1x128xi32, #tpu.memory_space<hbm>> -> memref<128xi32, #tpu.memory_space<hbm>>
      tpu.enqueue_dma source(%dma_start3A_40 : memref<128xi32, #tpu.memory_space<hbm>>) target(%arg8 : memref<128xi32, #tpu.memory_space<vmem>>) target_semaphore(%run_scoped3A_34 : memref<!tpu.dma_semaphore, #tpu.memory_space<semaphore_mem>>)
      %dma_wait3A_41 = arith.constant 0 : i32
      %dma_wait3A_42 = tpu.memref_slice %arg4[%add3A, %run_scoped3A_7, %dma_wait3A_41] : memref<32x80x128xi32, #tpu.memory_space<hbm>> -> memref<1x1x128xi32, #tpu.memory_space<hbm>>
      %dma_wait3A_43 = tpu.memref_squeeze %dma_wait3A_42 : memref<1x1x128xi32, #tpu.memory_space<hbm>> -> memref<128xi32, #tpu.memory_space<hbm>>
      %dma_wait3A_44 = arith.constant 0 : i32
      %dma_wait3A_45 = tpu.memref_slice %arg4[%add3A, %run_scoped3A_7, %dma_wait3A_44] : memref<32x80x128xi32, #tpu.memory_space<hbm>> -> memref<1x1x128xi32, #tpu.memory_space<hbm>>
      %dma_wait3A_46 = tpu.memref_squeeze %dma_wait3A_45 : memref<1x1x128xi32, #tpu.memory_space<hbm>> -> memref<128xi32, #tpu.memory_space<hbm>>
      tpu.wait_dma2 semaphore(%run_scoped3A_34 : memref<!tpu.dma_semaphore, #tpu.memory_space<semaphore_mem>>) src(%dma_wait3A_46 : memref<128xi32, #tpu.memory_space<hbm>>) dst(%arg8 : memref<128xi32, #tpu.memory_space<vmem>>)
      tpu.yield
    }) : () -> ()
    %dma_start3A_8 = arith.constant 0 : i32
    %dma_start3A_9 = arith.constant 0 : i32
    %dma_start3A_10 = tpu.memref_slice %arg13[%dma_start3A_8, %dma_start3A_9] : memref<10240x8xf32, #tpu.memory_space<vmem_shared>> -> memref<10240x8xf32, #tpu.memory_space<vmem_shared>>
    tpu.enqueue_indirect_dma source(%arg11 : memref<128x8xf32, #tpu.memory_space<vmem>>) target(%dma_start3A_10 : memref<10240x8xf32, #tpu.memory_space<vmem_shared>>) offsets(%arg8 : memref<128xi32, #tpu.memory_space<vmem>>) semaphore(%arg15 : memref<!tpu.dma_semaphore, #tpu.memory_space<semaphore_mem>>) {add = true}
    %run_scoped3A_11 = arith.constant 1 : i32
    "tpu.region"() ({
      %run_scoped3A_34 = tpu.sem_alloc : memref<!tpu.dma_semaphore, #tpu.memory_space<semaphore_mem>>
      %dma_start3A_35 = arith.constant 0 : i32
      %dma_start3A_36 = tpu.memref_slice %arg3[%add3A, %run_scoped3A_11, %dma_start3A_35] : memref<32x80x128xi32, #tpu.memory_space<hbm>> -> memref<1x1x128xi32, #tpu.memory_space<hbm>>
      %dma_start3A_37 = tpu.memref_squeeze %dma_start3A_36 : memref<1x1x128xi32, #tpu.memory_space<hbm>> -> memref<128xi32, #tpu.memory_space<hbm>>
      %dma_start3A_38 = arith.constant 0 : i32
      %dma_start3A_39 = tpu.memref_slice %arg3[%add3A, %run_scoped3A_11, %dma_start3A_38] : memref<32x80x128xi32, #tpu.memory_space<hbm>> -> memref<1x1x128xi32, #tpu.memory_space<hbm>>
      %dma_start3A_40 = tpu.memref_squeeze %dma_start3A_39 : memref<1x1x128xi32, #tpu.memory_space<hbm>> -> memref<128xi32, #tpu.memory_space<hbm>>
      tpu.enqueue_dma source(%dma_start3A_40 : memref<128xi32, #tpu.memory_space<hbm>>) target(%arg9 : memref<128xi32, #tpu.memory_space<vmem>>) target_semaphore(%run_scoped3A_34 : memref<!tpu.dma_semaphore, #tpu.memory_space<semaphore_mem>>)
      %dma_wait3A_41 = arith.constant 0 : i32
      %dma_wait3A_42 = tpu.memref_slice %arg3[%add3A, %run_scoped3A_11, %dma_wait3A_41] : memref<32x80x128xi32, #tpu.memory_space<hbm>> -> memref<1x1x128xi32, #tpu.memory_space<hbm>>
      %dma_wait3A_43 = tpu.memref_squeeze %dma_wait3A_42 : memref<1x1x128xi32, #tpu.memory_space<hbm>> -> memref<128xi32, #tpu.memory_space<hbm>>
      %dma_wait3A_44 = arith.constant 0 : i32
      %dma_wait3A_45 = tpu.memref_slice %arg3[%add3A, %run_scoped3A_11, %dma_wait3A_44] : memref<32x80x128xi32, #tpu.memory_space<hbm>> -> memref<1x1x128xi32, #tpu.memory_space<hbm>>
      %dma_wait3A_46 = tpu.memref_squeeze %dma_wait3A_45 : memref<1x1x128xi32, #tpu.memory_space<hbm>> -> memref<128xi32, #tpu.memory_space<hbm>>
      tpu.wait_dma2 semaphore(%run_scoped3A_34 : memref<!tpu.dma_semaphore, #tpu.memory_space<semaphore_mem>>) src(%dma_wait3A_46 : memref<128xi32, #tpu.memory_space<hbm>>) dst(%arg9 : memref<128xi32, #tpu.memory_space<vmem>>)
      tpu.yield
    }) : () -> ()
    %dma_start3A_12 = arith.constant 0 : i32
    %dma_start3A_13 = arith.constant 0 : i32
    %dma_start3A_14 = tpu.memref_slice %arg2[%dma_start3A_12, %dma_start3A_13] : memref<10000x8xf32, #tpu.memory_space<hbm>> -> memref<10000x8xf32, #tpu.memory_space<hbm>>
    tpu.enqueue_indirect_dma source(%dma_start3A_14 : memref<10000x8xf32, #tpu.memory_space<hbm>>) target(%arg12 : memref<128x8xf32, #tpu.memory_space<vmem>>) offsets(%arg9 : memref<128xi32, #tpu.memory_space<vmem>>) semaphore(%arg16 : memref<!tpu.dma_semaphore, #tpu.memory_space<semaphore_mem>>)
    %scan3A = arith.constant 0 : i32
    %scan3A_15 = arith.constant 1 : i32
    %scan3A_16 = arith.constant 39 : i32
    %scan3A_17 = arith.addi %scan3A_15, %scan3A_16 : i32
    %scan3A_18 = arith.constant 1 : i32
    scf.for %scan3A_34 = %scan3A_15 to %scan3A_17 step %scan3A_18  : i32 {
      %mul3A_35 = arith.constant 2 : i32
      %mul3A_36 = arith.muli %mul3A_35, %scan3A_34 : i32
      %dma_wait3A_37 = arith.constant 0 : i32
      %dma_wait3A_38 = arith.constant 0 : i32
      %dma_wait3A_39 = tpu.memref_slice %arg2[%dma_wait3A_37, %dma_wait3A_38] : memref<10000x8xf32, #tpu.memory_space<hbm>> -> memref<10000x8xf32, #tpu.memory_space<hbm>>
      tpu.wait_indirect_dma semaphore(%arg16 : memref<!tpu.dma_semaphore, #tpu.memory_space<semaphore_mem>>) src(%dma_wait3A_39 : memref<10000x8xf32, #tpu.memory_space<hbm>>) dst(%arg12 : memref<128x8xf32, #tpu.memory_space<vmem>>)
      %sub3A = arith.constant 1 : i32
      %sub3A_40 = arith.subi %mul3A_36, %sub3A : i32
      "tpu.region"() ({
        %run_scoped3A_64 = tpu.sem_alloc : memref<!tpu.dma_semaphore, #tpu.memory_space<semaphore_mem>>
        %dma_start3A_65 = arith.constant 0 : i32
        %dma_start3A_66 = tpu.memref_slice %arg4[%add3A, %sub3A_40, %dma_start3A_65] : memref<32x80x128xi32, #tpu.memory_space<hbm>> -> memref<1x1x128xi32, #tpu.memory_space<hbm>>
        %dma_start3A_67 = tpu.memref_squeeze %dma_start3A_66 : memref<1x1x128xi32, #tpu.memory_space<hbm>> -> memref<128xi32, #tpu.memory_space<hbm>>
        %dma_start3A_68 = arith.constant 0 : i32
        %dma_start3A_69 = tpu.memref_slice %arg4[%add3A, %sub3A_40, %dma_start3A_68] : memref<32x80x128xi32, #tpu.memory_space<hbm>> -> memref<1x1x128xi32, #tpu.memory_space<hbm>>
        %dma_start3A_70 = tpu.memref_squeeze %dma_start3A_69 : memref<1x1x128xi32, #tpu.memory_space<hbm>> -> memref<128xi32, #tpu.memory_space<hbm>>
        tpu.enqueue_dma source(%dma_start3A_70 : memref<128xi32, #tpu.memory_space<hbm>>) target(%arg10 : memref<128xi32, #tpu.memory_space<vmem>>) target_semaphore(%run_scoped3A_64 : memref<!tpu.dma_semaphore, #tpu.memory_space<semaphore_mem>>)
        %dma_wait3A_71 = arith.constant 0 : i32
        %dma_wait3A_72 = tpu.memref_slice %arg4[%add3A, %sub3A_40, %dma_wait3A_71] : memref<32x80x128xi32, #tpu.memory_space<hbm>> -> memref<1x1x128xi32, #tpu.memory_space<hbm>>
        %dma_wait3A_73 = tpu.memref_squeeze %dma_wait3A_72 : memref<1x1x128xi32, #tpu.memory_space<hbm>> -> memref<128xi32, #tpu.memory_space<hbm>>
        %dma_wait3A_74 = arith.constant 0 : i32
        %dma_wait3A_75 = tpu.memref_slice %arg4[%add3A, %sub3A_40, %dma_wait3A_74] : memref<32x80x128xi32, #tpu.memory_space<hbm>> -> memref<1x1x128xi32, #tpu.memory_space<hbm>>
        %dma_wait3A_76 = tpu.memref_squeeze %dma_wait3A_75 : memref<1x1x128xi32, #tpu.memory_space<hbm>> -> memref<128xi32, #tpu.memory_space<hbm>>
        tpu.wait_dma2 semaphore(%run_scoped3A_64 : memref<!tpu.dma_semaphore, #tpu.memory_space<semaphore_mem>>) src(%dma_wait3A_76 : memref<128xi32, #tpu.memory_space<hbm>>) dst(%arg10 : memref<128xi32, #tpu.memory_space<vmem>>)
        tpu.yield
      }) : () -> ()
      %dma_start3A_41 = arith.constant 0 : i32
      %dma_start3A_42 = arith.constant 0 : i32
      %dma_start3A_43 = tpu.memref_slice %arg13[%dma_start3A_41, %dma_start3A_42] : memref<10240x8xf32, #tpu.memory_space<vmem_shared>> -> memref<10240x8xf32, #tpu.memory_space<vmem_shared>>
      tpu.enqueue_indirect_dma source(%arg12 : memref<128x8xf32, #tpu.memory_space<vmem>>) target(%dma_start3A_43 : memref<10240x8xf32, #tpu.memory_space<vmem_shared>>) offsets(%arg10 : memref<128xi32, #tpu.memory_space<vmem>>) semaphore(%arg17 : memref<!tpu.dma_semaphore, #tpu.memory_space<semaphore_mem>>) {add = true}
      %dma_wait3A_44 = arith.constant 0 : i32
      %dma_wait3A_45 = arith.constant 0 : i32
      %dma_wait3A_46 = tpu.memref_slice %arg13[%dma_wait3A_44, %dma_wait3A_45] : memref<10240x8xf32, #tpu.memory_space<vmem_shared>> -> memref<10240x8xf32, #tpu.memory_space<vmem_shared>>
      tpu.wait_indirect_dma semaphore(%arg15 : memref<!tpu.dma_semaphore, #tpu.memory_space<semaphore_mem>>) src(%arg11 : memref<128x8xf32, #tpu.memory_space<vmem>>) dst(%dma_wait3A_46 : memref<10240x8xf32, #tpu.memory_space<vmem_shared>>)
      "tpu.region"() ({
        %run_scoped3A_64 = tpu.sem_alloc : memref<!tpu.dma_semaphore, #tpu.memory_space<semaphore_mem>>
        %dma_start3A_65 = arith.constant 0 : i32
        %dma_start3A_66 = tpu.memref_slice %arg3[%add3A, %mul3A_36, %dma_start3A_65] : memref<32x80x128xi32, #tpu.memory_space<hbm>> -> memref<1x1x128xi32, #tpu.memory_space<hbm>>
        %dma_start3A_67 = tpu.memref_squeeze %dma_start3A_66 : memref<1x1x128xi32, #tpu.memory_space<hbm>> -> memref<128xi32, #tpu.memory_space<hbm>>
        %dma_start3A_68 = arith.constant 0 : i32
        %dma_start3A_69 = tpu.memref_slice %arg3[%add3A, %mul3A_36, %dma_start3A_68] : memref<32x80x128xi32, #tpu.memory_space<hbm>> -> memref<1x1x128xi32, #tpu.memory_space<hbm>>
        %dma_start3A_70 = tpu.memref_squeeze %dma_start3A_69 : memref<1x1x128xi32, #tpu.memory_space<hbm>> -> memref<128xi32, #tpu.memory_space<hbm>>
        tpu.enqueue_dma source(%dma_start3A_70 : memref<128xi32, #tpu.memory_space<hbm>>) target(%arg7 : memref<128xi32, #tpu.memory_space<vmem>>) target_semaphore(%run_scoped3A_64 : memref<!tpu.dma_semaphore, #tpu.memory_space<semaphore_mem>>)
        %dma_wait3A_71 = arith.constant 0 : i32
        %dma_wait3A_72 = tpu.memref_slice %arg3[%add3A, %mul3A_36, %dma_wait3A_71] : memref<32x80x128xi32, #tpu.memory_space<hbm>> -> memref<1x1x128xi32, #tpu.memory_space<hbm>>
        %dma_wait3A_73 = tpu.memref_squeeze %dma_wait3A_72 : memref<1x1x128xi32, #tpu.memory_space<hbm>> -> memref<128xi32, #tpu.memory_space<hbm>>
        %dma_wait3A_74 = arith.constant 0 : i32
        %dma_wait3A_75 = tpu.memref_slice %arg3[%add3A, %mul3A_36, %dma_wait3A_74] : memref<32x80x128xi32, #tpu.memory_space<hbm>> -> memref<1x1x128xi32, #tpu.memory_space<hbm>>
        %dma_wait3A_76 = tpu.memref_squeeze %dma_wait3A_75 : memref<1x1x128xi32, #tpu.memory_space<hbm>> -> memref<128xi32, #tpu.memory_space<hbm>>
        tpu.wait_dma2 semaphore(%run_scoped3A_64 : memref<!tpu.dma_semaphore, #tpu.memory_space<semaphore_mem>>) src(%dma_wait3A_76 : memref<128xi32, #tpu.memory_space<hbm>>) dst(%arg7 : memref<128xi32, #tpu.memory_space<vmem>>)
        tpu.yield
      }) : () -> ()
      %dma_start3A_47 = arith.constant 0 : i32
      %dma_start3A_48 = arith.constant 0 : i32
      %dma_start3A_49 = tpu.memref_slice %arg2[%dma_start3A_47, %dma_start3A_48] : memref<10000x8xf32, #tpu.memory_space<hbm>> -> memref<10000x8xf32, #tpu.memory_space<hbm>>
      tpu.enqueue_indirect_dma source(%dma_start3A_49 : memref<10000x8xf32, #tpu.memory_space<hbm>>) target(%arg11 : memref<128x8xf32, #tpu.memory_space<vmem>>) offsets(%arg7 : memref<128xi32, #tpu.memory_space<vmem>>) semaphore(%arg14 : memref<!tpu.dma_semaphore, #tpu.memory_space<semaphore_mem>>)
      %dma_wait3A_50 = arith.constant 0 : i32
      %dma_wait3A_51 = arith.constant 0 : i32
      %dma_wait3A_52 = tpu.memref_slice %arg2[%dma_wait3A_50, %dma_wait3A_51] : memref<10000x8xf32, #tpu.memory_space<hbm>> -> memref<10000x8xf32, #tpu.memory_space<hbm>>
      tpu.wait_indirect_dma semaphore(%arg14 : memref<!tpu.dma_semaphore, #tpu.memory_space<semaphore_mem>>) src(%dma_wait3A_52 : memref<10000x8xf32, #tpu.memory_space<hbm>>) dst(%arg11 : memref<128x8xf32, #tpu.memory_space<vmem>>)
      "tpu.region"() ({
        %run_scoped3A_64 = tpu.sem_alloc : memref<!tpu.dma_semaphore, #tpu.memory_space<semaphore_mem>>
        %dma_start3A_65 = arith.constant 0 : i32
        %dma_start3A_66 = tpu.memref_slice %arg4[%add3A, %mul3A_36, %dma_start3A_65] : memref<32x80x128xi32, #tpu.memory_space<hbm>> -> memref<1x1x128xi32, #tpu.memory_space<hbm>>
        %dma_start3A_67 = tpu.memref_squeeze %dma_start3A_66 : memref<1x1x128xi32, #tpu.memory_space<hbm>> -> memref<128xi32, #tpu.memory_space<hbm>>
        %dma_start3A_68 = arith.constant 0 : i32
        %dma_start3A_69 = tpu.memref_slice %arg4[%add3A, %mul3A_36, %dma_start3A_68] : memref<32x80x128xi32, #tpu.memory_space<hbm>> -> memref<1x1x128xi32, #tpu.memory_space<hbm>>
        %dma_start3A_70 = tpu.memref_squeeze %dma_start3A_69 : memref<1x1x128xi32, #tpu.memory_space<hbm>> -> memref<128xi32, #tpu.memory_space<hbm>>
        tpu.enqueue_dma source(%dma_start3A_70 : memref<128xi32, #tpu.memory_space<hbm>>) target(%arg8 : memref<128xi32, #tpu.memory_space<vmem>>) target_semaphore(%run_scoped3A_64 : memref<!tpu.dma_semaphore, #tpu.memory_space<semaphore_mem>>)
        %dma_wait3A_71 = arith.constant 0 : i32
        %dma_wait3A_72 = tpu.memref_slice %arg4[%add3A, %mul3A_36, %dma_wait3A_71] : memref<32x80x128xi32, #tpu.memory_space<hbm>> -> memref<1x1x128xi32, #tpu.memory_space<hbm>>
        %dma_wait3A_73 = tpu.memref_squeeze %dma_wait3A_72 : memref<1x1x128xi32, #tpu.memory_space<hbm>> -> memref<128xi32, #tpu.memory_space<hbm>>
        %dma_wait3A_74 = arith.constant 0 : i32
        %dma_wait3A_75 = tpu.memref_slice %arg4[%add3A, %mul3A_36, %dma_wait3A_74] : memref<32x80x128xi32, #tpu.memory_space<hbm>> -> memref<1x1x128xi32, #tpu.memory_space<hbm>>
        %dma_wait3A_76 = tpu.memref_squeeze %dma_wait3A_75 : memref<1x1x128xi32, #tpu.memory_space<hbm>> -> memref<128xi32, #tpu.memory_space<hbm>>
        tpu.wait_dma2 semaphore(%run_scoped3A_64 : memref<!tpu.dma_semaphore, #tpu.memory_space<semaphore_mem>>) src(%dma_wait3A_76 : memref<128xi32, #tpu.memory_space<hbm>>) dst(%arg8 : memref<128xi32, #tpu.memory_space<vmem>>)
        tpu.yield
      }) : () -> ()
      %dma_start3A_53 = arith.constant 0 : i32
      %dma_start3A_54 = arith.constant 0 : i32
      %dma_start3A_55 = tpu.memref_slice %arg13[%dma_start3A_53, %dma_start3A_54] : memref<10240x8xf32, #tpu.memory_space<vmem_shared>> -> memref<10240x8xf32, #tpu.memory_space<vmem_shared>>
      tpu.enqueue_indirect_dma source(%arg11 : memref<128x8xf32, #tpu.memory_space<vmem>>) target(%dma_start3A_55 : memref<10240x8xf32, #tpu.memory_space<vmem_shared>>) offsets(%arg8 : memref<128xi32, #tpu.memory_space<vmem>>) semaphore(%arg15 : memref<!tpu.dma_semaphore, #tpu.memory_space<semaphore_mem>>) {add = true}
      %dma_wait3A_56 = arith.constant 0 : i32
      %dma_wait3A_57 = arith.constant 0 : i32
      %dma_wait3A_58 = tpu.memref_slice %arg13[%dma_wait3A_56, %dma_wait3A_57] : memref<10240x8xf32, #tpu.memory_space<vmem_shared>> -> memref<10240x8xf32, #tpu.memory_space<vmem_shared>>
      tpu.wait_indirect_dma semaphore(%arg17 : memref<!tpu.dma_semaphore, #tpu.memory_space<semaphore_mem>>) src(%arg12 : memref<128x8xf32, #tpu.memory_space<vmem>>) dst(%dma_wait3A_58 : memref<10240x8xf32, #tpu.memory_space<vmem_shared>>)
      %add3A_59 = arith.constant 1 : i32
      %add3A_60 = arith.addi %mul3A_36, %add3A_59 : i32
      "tpu.region"() ({
        %run_scoped3A_64 = tpu.sem_alloc : memref<!tpu.dma_semaphore, #tpu.memory_space<semaphore_mem>>
        %dma_start3A_65 = arith.constant 0 : i32
        %dma_start3A_66 = tpu.memref_slice %arg3[%add3A, %add3A_60, %dma_start3A_65] : memref<32x80x128xi32, #tpu.memory_space<hbm>> -> memref<1x1x128xi32, #tpu.memory_space<hbm>>
        %dma_start3A_67 = tpu.memref_squeeze %dma_start3A_66 : memref<1x1x128xi32, #tpu.memory_space<hbm>> -> memref<128xi32, #tpu.memory_space<hbm>>
        %dma_start3A_68 = arith.constant 0 : i32
        %dma_start3A_69 = tpu.memref_slice %arg3[%add3A, %add3A_60, %dma_start3A_68] : memref<32x80x128xi32, #tpu.memory_space<hbm>> -> memref<1x1x128xi32, #tpu.memory_space<hbm>>
        %dma_start3A_70 = tpu.memref_squeeze %dma_start3A_69 : memref<1x1x128xi32, #tpu.memory_space<hbm>> -> memref<128xi32, #tpu.memory_space<hbm>>
        tpu.enqueue_dma source(%dma_start3A_70 : memref<128xi32, #tpu.memory_space<hbm>>) target(%arg9 : memref<128xi32, #tpu.memory_space<vmem>>) target_semaphore(%run_scoped3A_64 : memref<!tpu.dma_semaphore, #tpu.memory_space<semaphore_mem>>)
        %dma_wait3A_71 = arith.constant 0 : i32
        %dma_wait3A_72 = tpu.memref_slice %arg3[%add3A, %add3A_60, %dma_wait3A_71] : memref<32x80x128xi32, #tpu.memory_space<hbm>> -> memref<1x1x128xi32, #tpu.memory_space<hbm>>
        %dma_wait3A_73 = tpu.memref_squeeze %dma_wait3A_72 : memref<1x1x128xi32, #tpu.memory_space<hbm>> -> memref<128xi32, #tpu.memory_space<hbm>>
        %dma_wait3A_74 = arith.constant 0 : i32
        %dma_wait3A_75 = tpu.memref_slice %arg3[%add3A, %add3A_60, %dma_wait3A_74] : memref<32x80x128xi32, #tpu.memory_space<hbm>> -> memref<1x1x128xi32, #tpu.memory_space<hbm>>
        %dma_wait3A_76 = tpu.memref_squeeze %dma_wait3A_75 : memref<1x1x128xi32, #tpu.memory_space<hbm>> -> memref<128xi32, #tpu.memory_space<hbm>>
        tpu.wait_dma2 semaphore(%run_scoped3A_64 : memref<!tpu.dma_semaphore, #tpu.memory_space<semaphore_mem>>) src(%dma_wait3A_76 : memref<128xi32, #tpu.memory_space<hbm>>) dst(%arg9 : memref<128xi32, #tpu.memory_space<vmem>>)
        tpu.yield
      }) : () -> ()
      %dma_start3A_61 = arith.constant 0 : i32
      %dma_start3A_62 = arith.constant 0 : i32
      %dma_start3A_63 = tpu.memref_slice %arg2[%dma_start3A_61, %dma_start3A_62] : memref<10000x8xf32, #tpu.memory_space<hbm>> -> memref<10000x8xf32, #tpu.memory_space<hbm>>
      tpu.enqueue_indirect_dma source(%dma_start3A_63 : memref<10000x8xf32, #tpu.memory_space<hbm>>) target(%arg12 : memref<128x8xf32, #tpu.memory_space<vmem>>) offsets(%arg9 : memref<128xi32, #tpu.memory_space<vmem>>) semaphore(%arg16 : memref<!tpu.dma_semaphore, #tpu.memory_space<semaphore_mem>>)
    }
    %scan3A_19 = arith.constant 39 : i32
    %dma_wait3A_20 = arith.constant 0 : i32
    %dma_wait3A_21 = arith.constant 0 : i32
    %dma_wait3A_22 = tpu.memref_slice %arg2[%dma_wait3A_20, %dma_wait3A_21] : memref<10000x8xf32, #tpu.memory_space<hbm>> -> memref<10000x8xf32, #tpu.memory_space<hbm>>
    tpu.wait_indirect_dma semaphore(%arg16 : memref<!tpu.dma_semaphore, #tpu.memory_space<semaphore_mem>>) src(%dma_wait3A_22 : memref<10000x8xf32, #tpu.memory_space<hbm>>) dst(%arg12 : memref<128x8xf32, #tpu.memory_space<vmem>>)
    %run_scoped3A_23 = arith.constant 79 : i32
    "tpu.region"() ({
      %run_scoped3A_34 = tpu.sem_alloc : memref<!tpu.dma_semaphore, #tpu.memory_space<semaphore_mem>>
      %dma_start3A_35 = arith.constant 0 : i32
      %dma_start3A_36 = tpu.memref_slice %arg4[%add3A, %run_scoped3A_23, %dma_start3A_35] : memref<32x80x128xi32, #tpu.memory_space<hbm>> -> memref<1x1x128xi32, #tpu.memory_space<hbm>>
      %dma_start3A_37 = tpu.memref_squeeze %dma_start3A_36 : memref<1x1x128xi32, #tpu.memory_space<hbm>> -> memref<128xi32, #tpu.memory_space<hbm>>
      %dma_start3A_38 = arith.constant 0 : i32
      %dma_start3A_39 = tpu.memref_slice %arg4[%add3A, %run_scoped3A_23, %dma_start3A_38] : memref<32x80x128xi32, #tpu.memory_space<hbm>> -> memref<1x1x128xi32, #tpu.memory_space<hbm>>
      %dma_start3A_40 = tpu.memref_squeeze %dma_start3A_39 : memref<1x1x128xi32, #tpu.memory_space<hbm>> -> memref<128xi32, #tpu.memory_space<hbm>>
      tpu.enqueue_dma source(%dma_start3A_40 : memref<128xi32, #tpu.memory_space<hbm>>) target(%arg10 : memref<128xi32, #tpu.memory_space<vmem>>) target_semaphore(%run_scoped3A_34 : memref<!tpu.dma_semaphore, #tpu.memory_space<semaphore_mem>>)
      %dma_wait3A_41 = arith.constant 0 : i32
      %dma_wait3A_42 = tpu.memref_slice %arg4[%add3A, %run_scoped3A_23, %dma_wait3A_41] : memref<32x80x128xi32, #tpu.memory_space<hbm>> -> memref<1x1x128xi32, #tpu.memory_space<hbm>>
      %dma_wait3A_43 = tpu.memref_squeeze %dma_wait3A_42 : memref<1x1x128xi32, #tpu.memory_space<hbm>> -> memref<128xi32, #tpu.memory_space<hbm>>
      %dma_wait3A_44 = arith.constant 0 : i32
      %dma_wait3A_45 = tpu.memref_slice %arg4[%add3A, %run_scoped3A_23, %dma_wait3A_44] : memref<32x80x128xi32, #tpu.memory_space<hbm>> -> memref<1x1x128xi32, #tpu.memory_space<hbm>>
      %dma_wait3A_46 = tpu.memref_squeeze %dma_wait3A_45 : memref<1x1x128xi32, #tpu.memory_space<hbm>> -> memref<128xi32, #tpu.memory_space<hbm>>
      tpu.wait_dma2 semaphore(%run_scoped3A_34 : memref<!tpu.dma_semaphore, #tpu.memory_space<semaphore_mem>>) src(%dma_wait3A_46 : memref<128xi32, #tpu.memory_space<hbm>>) dst(%arg10 : memref<128xi32, #tpu.memory_space<vmem>>)
      tpu.yield
    }) : () -> ()
    %dma_start3A_24 = arith.constant 0 : i32
    %dma_start3A_25 = arith.constant 0 : i32
    %dma_start3A_26 = tpu.memref_slice %arg13[%dma_start3A_24, %dma_start3A_25] : memref<10240x8xf32, #tpu.memory_space<vmem_shared>> -> memref<10240x8xf32, #tpu.memory_space<vmem_shared>>
    tpu.enqueue_indirect_dma source(%arg12 : memref<128x8xf32, #tpu.memory_space<vmem>>) target(%dma_start3A_26 : memref<10240x8xf32, #tpu.memory_space<vmem_shared>>) offsets(%arg10 : memref<128xi32, #tpu.memory_space<vmem>>) semaphore(%arg17 : memref<!tpu.dma_semaphore, #tpu.memory_space<semaphore_mem>>) {add = true}
    %dma_wait3A_27 = arith.constant 0 : i32
    %dma_wait3A_28 = arith.constant 0 : i32
    %dma_wait3A_29 = tpu.memref_slice %arg13[%dma_wait3A_27, %dma_wait3A_28] : memref<10240x8xf32, #tpu.memory_space<vmem_shared>> -> memref<10240x8xf32, #tpu.memory_space<vmem_shared>>
    tpu.wait_indirect_dma semaphore(%arg15 : memref<!tpu.dma_semaphore, #tpu.memory_space<semaphore_mem>>) src(%arg11 : memref<128x8xf32, #tpu.memory_space<vmem>>) dst(%dma_wait3A_29 : memref<10240x8xf32, #tpu.memory_space<vmem_shared>>)
    %dma_wait3A_30 = arith.constant 0 : i32
    %dma_wait3A_31 = arith.constant 0 : i32
    %dma_wait3A_32 = tpu.memref_slice %arg13[%dma_wait3A_30, %dma_wait3A_31] : memref<10240x8xf32, #tpu.memory_space<vmem_shared>> -> memref<10240x8xf32, #tpu.memory_space<vmem_shared>>
    tpu.wait_indirect_dma semaphore(%arg17 : memref<!tpu.dma_semaphore, #tpu.memory_space<semaphore_mem>>) src(%arg12 : memref<128x8xf32, #tpu.memory_space<vmem>>) dst(%dma_wait3A_32 : memref<10240x8xf32, #tpu.memory_space<vmem_shared>>)
    %barrier3A_33 = arith.constant 0 : index
    tpu.barrier barrier_id(%barrier3A_33)
    "tpu.region"() ({
      %run_scoped3A_34 = tpu.sem_alloc : memref<!tpu.dma_semaphore, #tpu.memory_space<semaphore_mem>>
      %dma_start3A_35 = arith.constant 0 : i32
      %dma_start3A_36 = arith.constant 0 : i32
      %dma_start3A_37 = tpu.memref_slice %arg6[%arg0, %dma_start3A_35, %dma_start3A_36] : memref<2x10240x8xf32, #tpu.memory_space<hbm>> -> memref<1x10240x8xf32, #tpu.memory_space<hbm>>
      %dma_start3A_38 = tpu.memref_squeeze %dma_start3A_37 : memref<1x10240x8xf32, #tpu.memory_space<hbm>> -> memref<10240x8xf32, #tpu.memory_space<hbm>>
      %dma_start3A_39 = arith.constant 0 : i32
      %dma_start3A_40 = tpu.memref_slice %dma_start3A_38[%mul3A_2, %dma_start3A_39] : memref<10240x8xf32, #tpu.memory_space<hbm>> -> memref<640x8xf32, #tpu.memory_space<hbm>>
      %dma_start3A_41 = arith.constant 0 : i32
      %dma_start3A_42 = tpu.memref_slice %arg13[%mul3A_2, %dma_start3A_41] : memref<10240x8xf32, #tpu.memory_space<vmem_shared>> -> memref<640x8xf32, #tpu.memory_space<vmem_shared>>
      tpu.enqueue_dma source(%dma_start3A_42 : memref<640x8xf32, #tpu.memory_space<vmem_shared>>) target(%dma_start3A_40 : memref<640x8xf32, #tpu.memory_space<hbm>>) target_semaphore(%run_scoped3A_34 : memref<!tpu.dma_semaphore, #tpu.memory_space<semaphore_mem>>)
      %dma_wait3A_43 = arith.constant 0 : i32
      %dma_wait3A_44 = arith.constant 0 : i32
      %dma_wait3A_45 = tpu.memref_slice %arg6[%arg0, %dma_wait3A_43, %dma_wait3A_44] : memref<2x10240x8xf32, #tpu.memory_space<hbm>> -> memref<1x10240x8xf32, #tpu.memory_space<hbm>>
      %dma_wait3A_46 = tpu.memref_squeeze %dma_wait3A_45 : memref<1x10240x8xf32, #tpu.memory_space<hbm>> -> memref<10240x8xf32, #tpu.memory_space<hbm>>
      %dma_wait3A_47 = arith.constant 0 : i32
      %dma_wait3A_48 = tpu.memref_slice %dma_wait3A_46[%mul3A_2, %dma_wait3A_47] : memref<10240x8xf32, #tpu.memory_space<hbm>> -> memref<640x8xf32, #tpu.memory_space<hbm>>
      %dma_wait3A_49 = arith.constant 0 : i32
      %dma_wait3A_50 = tpu.memref_slice %arg13[%mul3A_2, %dma_wait3A_49] : memref<10240x8xf32, #tpu.memory_space<vmem_shared>> -> memref<640x8xf32, #tpu.memory_space<vmem_shared>>
      tpu.wait_dma2 semaphore(%run_scoped3A_34 : memref<!tpu.dma_semaphore, #tpu.memory_space<semaphore_mem>>) src(%dma_wait3A_50 : memref<640x8xf32, #tpu.memory_space<vmem_shared>>) dst(%dma_wait3A_48 : memref<640x8xf32, #tpu.memory_space<hbm>>)
      tpu.yield
    }) : () -> ()
    return
  }
}

#map = affine_map<(d0, d1) -> (0, 0)>
#map1 = affine_map<(d0, d1) -> (0, 0, 0)>
module attributes {stable_mosaic.version = 14 : i64} {
  func.func @_deg_sc(%arg0: i32, %arg1: i32, %arg2: memref<128x8xf32, #tpu.memory_space<hbm>>, %arg3: memref<32x80x128xi32, #tpu.memory_space<hbm>>, %arg4: memref<640x8xf32, #tpu.memory_space<hbm>>, %arg5: memref<2x10240x8xf32, #tpu.memory_space<hbm>>, %arg6: memref<80x128xi32, #tpu.memory_space<vmem>>, %arg7: memref<128x8xf32, #tpu.memory_space<vmem>>, %arg8: memref<10240x8xf32, #tpu.memory_space<vmem_shared>>, %arg9: memref<!tpu.dma_semaphore, #tpu.memory_space<semaphore_mem>>) attributes {dimension_semantics = [#tpu.dimension_semantics<core_parallel>, #tpu.dimension_semantics<subcore_parallel>], iteration_bounds = array<i64: 2, 16>, scalar_prefetch = 0 : i64, scratch_operands = 4 : i64, tpu.core_type = #tpu.core_type<sc_vector_subcore>, window_params = [{transform_indices = #map}, {transform_indices = #map1}, {transform_indices = #map}, {transform_indices = #map1}]} {
    %mul3A = arith.constant 16 : i32
    %mul3A_0 = arith.muli %arg0, %mul3A : i32
    %add3A = arith.addi %mul3A_0, %arg1 : i32
    %mul3A_1 = arith.constant 640 : i32
    %mul3A_2 = arith.muli %arg1, %mul3A_1 : i32
    "tpu.region"() ({
      %run_scoped3A = tpu.sem_alloc : memref<!tpu.dma_semaphore, #tpu.memory_space<semaphore_mem>>
      %dma_start3A = arith.constant 0 : i32
      %dma_start3A_15 = arith.constant 0 : i32
      %dma_start3A_16 = tpu.memref_slice %arg3[%add3A, %dma_start3A, %dma_start3A_15] : memref<32x80x128xi32, #tpu.memory_space<hbm>> -> memref<1x80x128xi32, #tpu.memory_space<hbm>>
      %dma_start3A_17 = tpu.memref_squeeze %dma_start3A_16 : memref<1x80x128xi32, #tpu.memory_space<hbm>> -> memref<80x128xi32, #tpu.memory_space<hbm>>
      %dma_start3A_18 = arith.constant 0 : i32
      %dma_start3A_19 = arith.constant 0 : i32
      %dma_start3A_20 = tpu.memref_slice %arg3[%add3A, %dma_start3A_18, %dma_start3A_19] : memref<32x80x128xi32, #tpu.memory_space<hbm>> -> memref<1x80x128xi32, #tpu.memory_space<hbm>>
      %dma_start3A_21 = tpu.memref_squeeze %dma_start3A_20 : memref<1x80x128xi32, #tpu.memory_space<hbm>> -> memref<80x128xi32, #tpu.memory_space<hbm>>
      tpu.enqueue_dma source(%dma_start3A_21 : memref<80x128xi32, #tpu.memory_space<hbm>>) target(%arg6 : memref<80x128xi32, #tpu.memory_space<vmem>>) target_semaphore(%run_scoped3A : memref<!tpu.dma_semaphore, #tpu.memory_space<semaphore_mem>>)
      %dma_wait3A = arith.constant 0 : i32
      %dma_wait3A_22 = arith.constant 0 : i32
      %dma_wait3A_23 = tpu.memref_slice %arg3[%add3A, %dma_wait3A, %dma_wait3A_22] : memref<32x80x128xi32, #tpu.memory_space<hbm>> -> memref<1x80x128xi32, #tpu.memory_space<hbm>>
      %dma_wait3A_24 = tpu.memref_squeeze %dma_wait3A_23 : memref<1x80x128xi32, #tpu.memory_space<hbm>> -> memref<80x128xi32, #tpu.memory_space<hbm>>
      %dma_wait3A_25 = arith.constant 0 : i32
      %dma_wait3A_26 = arith.constant 0 : i32
      %dma_wait3A_27 = tpu.memref_slice %arg3[%add3A, %dma_wait3A_25, %dma_wait3A_26] : memref<32x80x128xi32, #tpu.memory_space<hbm>> -> memref<1x80x128xi32, #tpu.memory_space<hbm>>
      %dma_wait3A_28 = tpu.memref_squeeze %dma_wait3A_27 : memref<1x80x128xi32, #tpu.memory_space<hbm>> -> memref<80x128xi32, #tpu.memory_space<hbm>>
      tpu.wait_dma2 semaphore(%run_scoped3A : memref<!tpu.dma_semaphore, #tpu.memory_space<semaphore_mem>>) src(%dma_wait3A_28 : memref<80x128xi32, #tpu.memory_space<hbm>>) dst(%arg6 : memref<80x128xi32, #tpu.memory_space<vmem>>)
      tpu.yield
    }) : () -> ()
    "tpu.region"() ({
      %run_scoped3A = tpu.sem_alloc : memref<!tpu.dma_semaphore, #tpu.memory_space<semaphore_mem>>
      %dma_start3A = arith.constant 0 : i32
      %dma_start3A_15 = tpu.memref_slice %arg8[%mul3A_2, %dma_start3A] : memref<10240x8xf32, #tpu.memory_space<vmem_shared>> -> memref<640x8xf32, #tpu.memory_space<vmem_shared>>
      tpu.enqueue_dma source(%arg4 : memref<640x8xf32, #tpu.memory_space<hbm>>) target(%dma_start3A_15 : memref<640x8xf32, #tpu.memory_space<vmem_shared>>) target_semaphore(%run_scoped3A : memref<!tpu.dma_semaphore, #tpu.memory_space<semaphore_mem>>)
      %dma_wait3A = arith.constant 0 : i32
      %dma_wait3A_16 = tpu.memref_slice %arg8[%mul3A_2, %dma_wait3A] : memref<10240x8xf32, #tpu.memory_space<vmem_shared>> -> memref<640x8xf32, #tpu.memory_space<vmem_shared>>
      tpu.wait_dma2 semaphore(%run_scoped3A : memref<!tpu.dma_semaphore, #tpu.memory_space<semaphore_mem>>) src(%arg4 : memref<640x8xf32, #tpu.memory_space<hbm>>) dst(%dma_wait3A_16 : memref<640x8xf32, #tpu.memory_space<vmem_shared>>)
      tpu.yield
    }) : () -> ()
    "tpu.region"() ({
      %run_scoped3A = tpu.sem_alloc : memref<!tpu.dma_semaphore, #tpu.memory_space<semaphore_mem>>
      tpu.enqueue_dma source(%arg2 : memref<128x8xf32, #tpu.memory_space<hbm>>) target(%arg7 : memref<128x8xf32, #tpu.memory_space<vmem>>) target_semaphore(%run_scoped3A : memref<!tpu.dma_semaphore, #tpu.memory_space<semaphore_mem>>)
      tpu.wait_dma2 semaphore(%run_scoped3A : memref<!tpu.dma_semaphore, #tpu.memory_space<semaphore_mem>>) src(%arg2 : memref<128x8xf32, #tpu.memory_space<hbm>>) dst(%arg7 : memref<128x8xf32, #tpu.memory_space<vmem>>)
      tpu.yield
    }) : () -> ()
    %barrier3A = arith.constant 0 : index
    tpu.barrier barrier_id(%barrier3A)
    %scan3A = arith.constant 0 : i32
    %scan3A_3 = arith.constant 0 : i32
    %scan3A_4 = arith.constant 80 : i32
    %scan3A_5 = arith.addi %scan3A_3, %scan3A_4 : i32
    %scan3A_6 = arith.constant 1 : i32
    scf.for %scan3A_15 = %scan3A_3 to %scan3A_5 step %scan3A_6  : i32 {
      %dma_start3A = arith.constant 0 : i32
      %dma_start3A_16 = tpu.memref_slice %arg6[%scan3A_15, %dma_start3A] : memref<80x128xi32, #tpu.memory_space<vmem>> -> memref<1x128xi32, #tpu.memory_space<vmem>>
      %dma_start3A_17 = tpu.memref_squeeze %dma_start3A_16 : memref<1x128xi32, #tpu.memory_space<vmem>> -> memref<128xi32, #tpu.memory_space<vmem>>
      %dma_start3A_18 = arith.constant 0 : i32
      %dma_start3A_19 = arith.constant 0 : i32
      %dma_start3A_20 = tpu.memref_slice %arg8[%dma_start3A_18, %dma_start3A_19] : memref<10240x8xf32, #tpu.memory_space<vmem_shared>> -> memref<10240x8xf32, #tpu.memory_space<vmem_shared>>
      tpu.enqueue_indirect_dma source(%arg7 : memref<128x8xf32, #tpu.memory_space<vmem>>) target(%dma_start3A_20 : memref<10240x8xf32, #tpu.memory_space<vmem_shared>>) offsets(%dma_start3A_17 : memref<128xi32, #tpu.memory_space<vmem>>) semaphore(%arg9 : memref<!tpu.dma_semaphore, #tpu.memory_space<semaphore_mem>>) {add = true}
    }
    %scan3A_7 = arith.constant 80 : i32
    %scan3A_8 = arith.constant 0 : i32
    %scan3A_9 = arith.constant 0 : i32
    %scan3A_10 = arith.constant 80 : i32
    %scan3A_11 = arith.addi %scan3A_9, %scan3A_10 : i32
    %scan3A_12 = arith.constant 1 : i32
    scf.for %scan3A_15 = %scan3A_9 to %scan3A_11 step %scan3A_12  : i32 {
      %dma_wait3A = arith.constant 0 : i32
      %dma_wait3A_16 = arith.constant 0 : i32
      %dma_wait3A_17 = tpu.memref_slice %arg6[%dma_wait3A, %dma_wait3A_16] : memref<80x128xi32, #tpu.memory_space<vmem>> -> memref<1x128xi32, #tpu.memory_space<vmem>>
      %dma_wait3A_18 = tpu.memref_squeeze %dma_wait3A_17 : memref<1x128xi32, #tpu.memory_space<vmem>> -> memref<128xi32, #tpu.memory_space<vmem>>
      %dma_wait3A_19 = arith.constant 0 : i32
      %dma_wait3A_20 = arith.constant 0 : i32
      %dma_wait3A_21 = tpu.memref_slice %arg8[%dma_wait3A_19, %dma_wait3A_20] : memref<10240x8xf32, #tpu.memory_space<vmem_shared>> -> memref<10240x8xf32, #tpu.memory_space<vmem_shared>>
      tpu.wait_indirect_dma semaphore(%arg9 : memref<!tpu.dma_semaphore, #tpu.memory_space<semaphore_mem>>) src(%arg7 : memref<128x8xf32, #tpu.memory_space<vmem>>) dst(%dma_wait3A_21 : memref<10240x8xf32, #tpu.memory_space<vmem_shared>>)
    }
    %scan3A_13 = arith.constant 80 : i32
    %barrier3A_14 = arith.constant 0 : index
    tpu.barrier barrier_id(%barrier3A_14)
    "tpu.region"() ({
      %run_scoped3A = tpu.sem_alloc : memref<!tpu.dma_semaphore, #tpu.memory_space<semaphore_mem>>
      %dma_start3A = arith.constant 0 : i32
      %dma_start3A_15 = arith.constant 0 : i32
      %dma_start3A_16 = tpu.memref_slice %arg5[%arg0, %dma_start3A, %dma_start3A_15] : memref<2x10240x8xf32, #tpu.memory_space<hbm>> -> memref<1x10240x8xf32, #tpu.memory_space<hbm>>
      %dma_start3A_17 = tpu.memref_squeeze %dma_start3A_16 : memref<1x10240x8xf32, #tpu.memory_space<hbm>> -> memref<10240x8xf32, #tpu.memory_space<hbm>>
      %dma_start3A_18 = arith.constant 0 : i32
      %dma_start3A_19 = tpu.memref_slice %dma_start3A_17[%mul3A_2, %dma_start3A_18] : memref<10240x8xf32, #tpu.memory_space<hbm>> -> memref<640x8xf32, #tpu.memory_space<hbm>>
      %dma_start3A_20 = arith.constant 0 : i32
      %dma_start3A_21 = tpu.memref_slice %arg8[%mul3A_2, %dma_start3A_20] : memref<10240x8xf32, #tpu.memory_space<vmem_shared>> -> memref<640x8xf32, #tpu.memory_space<vmem_shared>>
      tpu.enqueue_dma source(%dma_start3A_21 : memref<640x8xf32, #tpu.memory_space<vmem_shared>>) target(%dma_start3A_19 : memref<640x8xf32, #tpu.memory_space<hbm>>) target_semaphore(%run_scoped3A : memref<!tpu.dma_semaphore, #tpu.memory_space<semaphore_mem>>)
      %dma_wait3A = arith.constant 0 : i32
      %dma_wait3A_22 = arith.constant 0 : i32
      %dma_wait3A_23 = tpu.memref_slice %arg5[%arg0, %dma_wait3A, %dma_wait3A_22] : memref<2x10240x8xf32, #tpu.memory_space<hbm>> -> memref<1x10240x8xf32, #tpu.memory_space<hbm>>
      %dma_wait3A_24 = tpu.memref_squeeze %dma_wait3A_23 : memref<1x10240x8xf32, #tpu.memory_space<hbm>> -> memref<10240x8xf32, #tpu.memory_space<hbm>>
      %dma_wait3A_25 = arith.constant 0 : i32
      %dma_wait3A_26 = tpu.memref_slice %dma_wait3A_24[%mul3A_2, %dma_wait3A_25] : memref<10240x8xf32, #tpu.memory_space<hbm>> -> memref<640x8xf32, #tpu.memory_space<hbm>>
      %dma_wait3A_27 = arith.constant 0 : i32
      %dma_wait3A_28 = tpu.memref_slice %arg8[%mul3A_2, %dma_wait3A_27] : memref<10240x8xf32, #tpu.memory_space<vmem_shared>> -> memref<640x8xf32, #tpu.memory_space<vmem_shared>>
      tpu.wait_dma2 semaphore(%run_scoped3A : memref<!tpu.dma_semaphore, #tpu.memory_space<semaphore_mem>>) src(%dma_wait3A_28 : memref<640x8xf32, #tpu.memory_space<vmem_shared>>) dst(%dma_wait3A_26 : memref<640x8xf32, #tpu.memory_space<hbm>>)
      tpu.yield
    }) : () -> ()
    return
  }
}

#map = affine_map<(d0, d1) -> (0, 0)>
#map1 = affine_map<(d0, d1) -> (0, 0, 0)>
module attributes {stable_mosaic.version = 14 : i64} {
  func.func @agg(%arg0: i32, %arg1: i32, %arg2: memref<10000x128xf32, #tpu.memory_space<hbm>>, %arg3: memref<32x80x128xi32, #tpu.memory_space<hbm>>, %arg4: memref<32x80x128xi32, #tpu.memory_space<hbm>>, %arg5: memref<640x128xf32, #tpu.memory_space<hbm>>, %arg6: memref<2x10240x128xf32, #tpu.memory_space<hbm>>, %arg7: memref<128xi32, #tpu.memory_space<vmem>>, %arg8: memref<128xi32, #tpu.memory_space<vmem>>, %arg9: memref<128xi32, #tpu.memory_space<vmem>>, %arg10: memref<128xi32, #tpu.memory_space<vmem>>, %arg11: memref<128x128xf32, #tpu.memory_space<vmem>>, %arg12: memref<128x128xf32, #tpu.memory_space<vmem>>, %arg13: memref<10240x128xf32, #tpu.memory_space<vmem_shared>>, %arg14: memref<!tpu.dma_semaphore, #tpu.memory_space<semaphore_mem>>, %arg15: memref<!tpu.dma_semaphore, #tpu.memory_space<semaphore_mem>>, %arg16: memref<!tpu.dma_semaphore, #tpu.memory_space<semaphore_mem>>, %arg17: memref<!tpu.dma_semaphore, #tpu.memory_space<semaphore_mem>>) attributes {dimension_semantics = [#tpu.dimension_semantics<core_parallel>, #tpu.dimension_semantics<subcore_parallel>], iteration_bounds = array<i64: 2, 16>, scalar_prefetch = 0 : i64, scratch_operands = 11 : i64, tpu.core_type = #tpu.core_type<sc_vector_subcore>, window_params = [{transform_indices = #map}, {transform_indices = #map1}, {transform_indices = #map1}, {transform_indices = #map}, {transform_indices = #map1}]} {
    %mul3A = arith.constant 16 : i32
    %mul3A_0 = arith.muli %arg0, %mul3A : i32
    %add3A = arith.addi %mul3A_0, %arg1 : i32
    %mul3A_1 = arith.constant 640 : i32
    %mul3A_2 = arith.muli %arg1, %mul3A_1 : i32
    "tpu.region"() ({
      %run_scoped3A_34 = tpu.sem_alloc : memref<!tpu.dma_semaphore, #tpu.memory_space<semaphore_mem>>
      %dma_start3A_35 = arith.constant 0 : i32
      %dma_start3A_36 = tpu.memref_slice %arg13[%mul3A_2, %dma_start3A_35] : memref<10240x128xf32, #tpu.memory_space<vmem_shared>> -> memref<640x128xf32, #tpu.memory_space<vmem_shared>>
      tpu.enqueue_dma source(%arg5 : memref<640x128xf32, #tpu.memory_space<hbm>>) target(%dma_start3A_36 : memref<640x128xf32, #tpu.memory_space<vmem_shared>>) target_semaphore(%run_scoped3A_34 : memref<!tpu.dma_semaphore, #tpu.memory_space<semaphore_mem>>)
      %dma_wait3A_37 = arith.constant 0 : i32
      %dma_wait3A_38 = tpu.memref_slice %arg13[%mul3A_2, %dma_wait3A_37] : memref<10240x128xf32, #tpu.memory_space<vmem_shared>> -> memref<640x128xf32, #tpu.memory_space<vmem_shared>>
      tpu.wait_dma2 semaphore(%run_scoped3A_34 : memref<!tpu.dma_semaphore, #tpu.memory_space<semaphore_mem>>) src(%arg5 : memref<640x128xf32, #tpu.memory_space<hbm>>) dst(%dma_wait3A_38 : memref<640x128xf32, #tpu.memory_space<vmem_shared>>)
      tpu.yield
    }) : () -> ()
    %barrier3A = arith.constant 0 : index
    tpu.barrier barrier_id(%barrier3A)
    %run_scoped3A = arith.constant 0 : i32
    "tpu.region"() ({
      %run_scoped3A_34 = tpu.sem_alloc : memref<!tpu.dma_semaphore, #tpu.memory_space<semaphore_mem>>
      %dma_start3A_35 = arith.constant 0 : i32
      %dma_start3A_36 = tpu.memref_slice %arg3[%add3A, %run_scoped3A, %dma_start3A_35] : memref<32x80x128xi32, #tpu.memory_space<hbm>> -> memref<1x1x128xi32, #tpu.memory_space<hbm>>
      %dma_start3A_37 = tpu.memref_squeeze %dma_start3A_36 : memref<1x1x128xi32, #tpu.memory_space<hbm>> -> memref<128xi32, #tpu.memory_space<hbm>>
      %dma_start3A_38 = arith.constant 0 : i32
      %dma_start3A_39 = tpu.memref_slice %arg3[%add3A, %run_scoped3A, %dma_start3A_38] : memref<32x80x128xi32, #tpu.memory_space<hbm>> -> memref<1x1x128xi32, #tpu.memory_space<hbm>>
      %dma_start3A_40 = tpu.memref_squeeze %dma_start3A_39 : memref<1x1x128xi32, #tpu.memory_space<hbm>> -> memref<128xi32, #tpu.memory_space<hbm>>
      tpu.enqueue_dma source(%dma_start3A_40 : memref<128xi32, #tpu.memory_space<hbm>>) target(%arg7 : memref<128xi32, #tpu.memory_space<vmem>>) target_semaphore(%run_scoped3A_34 : memref<!tpu.dma_semaphore, #tpu.memory_space<semaphore_mem>>)
      %dma_wait3A_41 = arith.constant 0 : i32
      %dma_wait3A_42 = tpu.memref_slice %arg3[%add3A, %run_scoped3A, %dma_wait3A_41] : memref<32x80x128xi32, #tpu.memory_space<hbm>> -> memref<1x1x128xi32, #tpu.memory_space<hbm>>
      %dma_wait3A_43 = tpu.memref_squeeze %dma_wait3A_42 : memref<1x1x128xi32, #tpu.memory_space<hbm>> -> memref<128xi32, #tpu.memory_space<hbm>>
      %dma_wait3A_44 = arith.constant 0 : i32
      %dma_wait3A_45 = tpu.memref_slice %arg3[%add3A, %run_scoped3A, %dma_wait3A_44] : memref<32x80x128xi32, #tpu.memory_space<hbm>> -> memref<1x1x128xi32, #tpu.memory_space<hbm>>
      %dma_wait3A_46 = tpu.memref_squeeze %dma_wait3A_45 : memref<1x1x128xi32, #tpu.memory_space<hbm>> -> memref<128xi32, #tpu.memory_space<hbm>>
      tpu.wait_dma2 semaphore(%run_scoped3A_34 : memref<!tpu.dma_semaphore, #tpu.memory_space<semaphore_mem>>) src(%dma_wait3A_46 : memref<128xi32, #tpu.memory_space<hbm>>) dst(%arg7 : memref<128xi32, #tpu.memory_space<vmem>>)
      tpu.yield
    }) : () -> ()
    %dma_start3A = arith.constant 0 : i32
    %dma_start3A_3 = arith.constant 0 : i32
    %dma_start3A_4 = tpu.memref_slice %arg2[%dma_start3A, %dma_start3A_3] : memref<10000x128xf32, #tpu.memory_space<hbm>> -> memref<10000x128xf32, #tpu.memory_space<hbm>>
    tpu.enqueue_indirect_dma source(%dma_start3A_4 : memref<10000x128xf32, #tpu.memory_space<hbm>>) target(%arg11 : memref<128x128xf32, #tpu.memory_space<vmem>>) offsets(%arg7 : memref<128xi32, #tpu.memory_space<vmem>>) semaphore(%arg14 : memref<!tpu.dma_semaphore, #tpu.memory_space<semaphore_mem>>)
    %dma_wait3A = arith.constant 0 : i32
    %dma_wait3A_5 = arith.constant 0 : i32
    %dma_wait3A_6 = tpu.memref_slice %arg2[%dma_wait3A, %dma_wait3A_5] : memref<10000x128xf32, #tpu.memory_space<hbm>> -> memref<10000x128xf32, #tpu.memory_space<hbm>>
    tpu.wait_indirect_dma semaphore(%arg14 : memref<!tpu.dma_semaphore, #tpu.memory_space<semaphore_mem>>) src(%dma_wait3A_6 : memref<10000x128xf32, #tpu.memory_space<hbm>>) dst(%arg11 : memref<128x128xf32, #tpu.memory_space<vmem>>)
    %run_scoped3A_7 = arith.constant 0 : i32
    "tpu.region"() ({
      %run_scoped3A_34 = tpu.sem_alloc : memref<!tpu.dma_semaphore, #tpu.memory_space<semaphore_mem>>
      %dma_start3A_35 = arith.constant 0 : i32
      %dma_start3A_36 = tpu.memref_slice %arg4[%add3A, %run_scoped3A_7, %dma_start3A_35] : memref<32x80x128xi32, #tpu.memory_space<hbm>> -> memref<1x1x128xi32, #tpu.memory_space<hbm>>
      %dma_start3A_37 = tpu.memref_squeeze %dma_start3A_36 : memref<1x1x128xi32, #tpu.memory_space<hbm>> -> memref<128xi32, #tpu.memory_space<hbm>>
      %dma_start3A_38 = arith.constant 0 : i32
      %dma_start3A_39 = tpu.memref_slice %arg4[%add3A, %run_scoped3A_7, %dma_start3A_38] : memref<32x80x128xi32, #tpu.memory_space<hbm>> -> memref<1x1x128xi32, #tpu.memory_space<hbm>>
      %dma_start3A_40 = tpu.memref_squeeze %dma_start3A_39 : memref<1x1x128xi32, #tpu.memory_space<hbm>> -> memref<128xi32, #tpu.memory_space<hbm>>
      tpu.enqueue_dma source(%dma_start3A_40 : memref<128xi32, #tpu.memory_space<hbm>>) target(%arg8 : memref<128xi32, #tpu.memory_space<vmem>>) target_semaphore(%run_scoped3A_34 : memref<!tpu.dma_semaphore, #tpu.memory_space<semaphore_mem>>)
      %dma_wait3A_41 = arith.constant 0 : i32
      %dma_wait3A_42 = tpu.memref_slice %arg4[%add3A, %run_scoped3A_7, %dma_wait3A_41] : memref<32x80x128xi32, #tpu.memory_space<hbm>> -> memref<1x1x128xi32, #tpu.memory_space<hbm>>
      %dma_wait3A_43 = tpu.memref_squeeze %dma_wait3A_42 : memref<1x1x128xi32, #tpu.memory_space<hbm>> -> memref<128xi32, #tpu.memory_space<hbm>>
      %dma_wait3A_44 = arith.constant 0 : i32
      %dma_wait3A_45 = tpu.memref_slice %arg4[%add3A, %run_scoped3A_7, %dma_wait3A_44] : memref<32x80x128xi32, #tpu.memory_space<hbm>> -> memref<1x1x128xi32, #tpu.memory_space<hbm>>
      %dma_wait3A_46 = tpu.memref_squeeze %dma_wait3A_45 : memref<1x1x128xi32, #tpu.memory_space<hbm>> -> memref<128xi32, #tpu.memory_space<hbm>>
      tpu.wait_dma2 semaphore(%run_scoped3A_34 : memref<!tpu.dma_semaphore, #tpu.memory_space<semaphore_mem>>) src(%dma_wait3A_46 : memref<128xi32, #tpu.memory_space<hbm>>) dst(%arg8 : memref<128xi32, #tpu.memory_space<vmem>>)
      tpu.yield
    }) : () -> ()
    %dma_start3A_8 = arith.constant 0 : i32
    %dma_start3A_9 = arith.constant 0 : i32
    %dma_start3A_10 = tpu.memref_slice %arg13[%dma_start3A_8, %dma_start3A_9] : memref<10240x128xf32, #tpu.memory_space<vmem_shared>> -> memref<10240x128xf32, #tpu.memory_space<vmem_shared>>
    tpu.enqueue_indirect_dma source(%arg11 : memref<128x128xf32, #tpu.memory_space<vmem>>) target(%dma_start3A_10 : memref<10240x128xf32, #tpu.memory_space<vmem_shared>>) offsets(%arg8 : memref<128xi32, #tpu.memory_space<vmem>>) semaphore(%arg15 : memref<!tpu.dma_semaphore, #tpu.memory_space<semaphore_mem>>) {add = true}
    %run_scoped3A_11 = arith.constant 1 : i32
    "tpu.region"() ({
      %run_scoped3A_34 = tpu.sem_alloc : memref<!tpu.dma_semaphore, #tpu.memory_space<semaphore_mem>>
      %dma_start3A_35 = arith.constant 0 : i32
      %dma_start3A_36 = tpu.memref_slice %arg3[%add3A, %run_scoped3A_11, %dma_start3A_35] : memref<32x80x128xi32, #tpu.memory_space<hbm>> -> memref<1x1x128xi32, #tpu.memory_space<hbm>>
      %dma_start3A_37 = tpu.memref_squeeze %dma_start3A_36 : memref<1x1x128xi32, #tpu.memory_space<hbm>> -> memref<128xi32, #tpu.memory_space<hbm>>
      %dma_start3A_38 = arith.constant 0 : i32
      %dma_start3A_39 = tpu.memref_slice %arg3[%add3A, %run_scoped3A_11, %dma_start3A_38] : memref<32x80x128xi32, #tpu.memory_space<hbm>> -> memref<1x1x128xi32, #tpu.memory_space<hbm>>
      %dma_start3A_40 = tpu.memref_squeeze %dma_start3A_39 : memref<1x1x128xi32, #tpu.memory_space<hbm>> -> memref<128xi32, #tpu.memory_space<hbm>>
      tpu.enqueue_dma source(%dma_start3A_40 : memref<128xi32, #tpu.memory_space<hbm>>) target(%arg9 : memref<128xi32, #tpu.memory_space<vmem>>) target_semaphore(%run_scoped3A_34 : memref<!tpu.dma_semaphore, #tpu.memory_space<semaphore_mem>>)
      %dma_wait3A_41 = arith.constant 0 : i32
      %dma_wait3A_42 = tpu.memref_slice %arg3[%add3A, %run_scoped3A_11, %dma_wait3A_41] : memref<32x80x128xi32, #tpu.memory_space<hbm>> -> memref<1x1x128xi32, #tpu.memory_space<hbm>>
      %dma_wait3A_43 = tpu.memref_squeeze %dma_wait3A_42 : memref<1x1x128xi32, #tpu.memory_space<hbm>> -> memref<128xi32, #tpu.memory_space<hbm>>
      %dma_wait3A_44 = arith.constant 0 : i32
      %dma_wait3A_45 = tpu.memref_slice %arg3[%add3A, %run_scoped3A_11, %dma_wait3A_44] : memref<32x80x128xi32, #tpu.memory_space<hbm>> -> memref<1x1x128xi32, #tpu.memory_space<hbm>>
      %dma_wait3A_46 = tpu.memref_squeeze %dma_wait3A_45 : memref<1x1x128xi32, #tpu.memory_space<hbm>> -> memref<128xi32, #tpu.memory_space<hbm>>
      tpu.wait_dma2 semaphore(%run_scoped3A_34 : memref<!tpu.dma_semaphore, #tpu.memory_space<semaphore_mem>>) src(%dma_wait3A_46 : memref<128xi32, #tpu.memory_space<hbm>>) dst(%arg9 : memref<128xi32, #tpu.memory_space<vmem>>)
      tpu.yield
    }) : () -> ()
    %dma_start3A_12 = arith.constant 0 : i32
    %dma_start3A_13 = arith.constant 0 : i32
    %dma_start3A_14 = tpu.memref_slice %arg2[%dma_start3A_12, %dma_start3A_13] : memref<10000x128xf32, #tpu.memory_space<hbm>> -> memref<10000x128xf32, #tpu.memory_space<hbm>>
    tpu.enqueue_indirect_dma source(%dma_start3A_14 : memref<10000x128xf32, #tpu.memory_space<hbm>>) target(%arg12 : memref<128x128xf32, #tpu.memory_space<vmem>>) offsets(%arg9 : memref<128xi32, #tpu.memory_space<vmem>>) semaphore(%arg16 : memref<!tpu.dma_semaphore, #tpu.memory_space<semaphore_mem>>)
    %scan3A = arith.constant 0 : i32
    %scan3A_15 = arith.constant 1 : i32
    %scan3A_16 = arith.constant 39 : i32
    %scan3A_17 = arith.addi %scan3A_15, %scan3A_16 : i32
    %scan3A_18 = arith.constant 1 : i32
    scf.for %scan3A_34 = %scan3A_15 to %scan3A_17 step %scan3A_18  : i32 {
      %mul3A_35 = arith.constant 2 : i32
      %mul3A_36 = arith.muli %mul3A_35, %scan3A_34 : i32
      %dma_wait3A_37 = arith.constant 0 : i32
      %dma_wait3A_38 = arith.constant 0 : i32
      %dma_wait3A_39 = tpu.memref_slice %arg2[%dma_wait3A_37, %dma_wait3A_38] : memref<10000x128xf32, #tpu.memory_space<hbm>> -> memref<10000x128xf32, #tpu.memory_space<hbm>>
      tpu.wait_indirect_dma semaphore(%arg16 : memref<!tpu.dma_semaphore, #tpu.memory_space<semaphore_mem>>) src(%dma_wait3A_39 : memref<10000x128xf32, #tpu.memory_space<hbm>>) dst(%arg12 : memref<128x128xf32, #tpu.memory_space<vmem>>)
      %sub3A = arith.constant 1 : i32
      %sub3A_40 = arith.subi %mul3A_36, %sub3A : i32
      "tpu.region"() ({
        %run_scoped3A_64 = tpu.sem_alloc : memref<!tpu.dma_semaphore, #tpu.memory_space<semaphore_mem>>
        %dma_start3A_65 = arith.constant 0 : i32
        %dma_start3A_66 = tpu.memref_slice %arg4[%add3A, %sub3A_40, %dma_start3A_65] : memref<32x80x128xi32, #tpu.memory_space<hbm>> -> memref<1x1x128xi32, #tpu.memory_space<hbm>>
        %dma_start3A_67 = tpu.memref_squeeze %dma_start3A_66 : memref<1x1x128xi32, #tpu.memory_space<hbm>> -> memref<128xi32, #tpu.memory_space<hbm>>
        %dma_start3A_68 = arith.constant 0 : i32
        %dma_start3A_69 = tpu.memref_slice %arg4[%add3A, %sub3A_40, %dma_start3A_68] : memref<32x80x128xi32, #tpu.memory_space<hbm>> -> memref<1x1x128xi32, #tpu.memory_space<hbm>>
        %dma_start3A_70 = tpu.memref_squeeze %dma_start3A_69 : memref<1x1x128xi32, #tpu.memory_space<hbm>> -> memref<128xi32, #tpu.memory_space<hbm>>
        tpu.enqueue_dma source(%dma_start3A_70 : memref<128xi32, #tpu.memory_space<hbm>>) target(%arg10 : memref<128xi32, #tpu.memory_space<vmem>>) target_semaphore(%run_scoped3A_64 : memref<!tpu.dma_semaphore, #tpu.memory_space<semaphore_mem>>)
        %dma_wait3A_71 = arith.constant 0 : i32
        %dma_wait3A_72 = tpu.memref_slice %arg4[%add3A, %sub3A_40, %dma_wait3A_71] : memref<32x80x128xi32, #tpu.memory_space<hbm>> -> memref<1x1x128xi32, #tpu.memory_space<hbm>>
        %dma_wait3A_73 = tpu.memref_squeeze %dma_wait3A_72 : memref<1x1x128xi32, #tpu.memory_space<hbm>> -> memref<128xi32, #tpu.memory_space<hbm>>
        %dma_wait3A_74 = arith.constant 0 : i32
        %dma_wait3A_75 = tpu.memref_slice %arg4[%add3A, %sub3A_40, %dma_wait3A_74] : memref<32x80x128xi32, #tpu.memory_space<hbm>> -> memref<1x1x128xi32, #tpu.memory_space<hbm>>
        %dma_wait3A_76 = tpu.memref_squeeze %dma_wait3A_75 : memref<1x1x128xi32, #tpu.memory_space<hbm>> -> memref<128xi32, #tpu.memory_space<hbm>>
        tpu.wait_dma2 semaphore(%run_scoped3A_64 : memref<!tpu.dma_semaphore, #tpu.memory_space<semaphore_mem>>) src(%dma_wait3A_76 : memref<128xi32, #tpu.memory_space<hbm>>) dst(%arg10 : memref<128xi32, #tpu.memory_space<vmem>>)
        tpu.yield
      }) : () -> ()
      %dma_start3A_41 = arith.constant 0 : i32
      %dma_start3A_42 = arith.constant 0 : i32
      %dma_start3A_43 = tpu.memref_slice %arg13[%dma_start3A_41, %dma_start3A_42] : memref<10240x128xf32, #tpu.memory_space<vmem_shared>> -> memref<10240x128xf32, #tpu.memory_space<vmem_shared>>
      tpu.enqueue_indirect_dma source(%arg12 : memref<128x128xf32, #tpu.memory_space<vmem>>) target(%dma_start3A_43 : memref<10240x128xf32, #tpu.memory_space<vmem_shared>>) offsets(%arg10 : memref<128xi32, #tpu.memory_space<vmem>>) semaphore(%arg17 : memref<!tpu.dma_semaphore, #tpu.memory_space<semaphore_mem>>) {add = true}
      %dma_wait3A_44 = arith.constant 0 : i32
      %dma_wait3A_45 = arith.constant 0 : i32
      %dma_wait3A_46 = tpu.memref_slice %arg13[%dma_wait3A_44, %dma_wait3A_45] : memref<10240x128xf32, #tpu.memory_space<vmem_shared>> -> memref<10240x128xf32, #tpu.memory_space<vmem_shared>>
      tpu.wait_indirect_dma semaphore(%arg15 : memref<!tpu.dma_semaphore, #tpu.memory_space<semaphore_mem>>) src(%arg11 : memref<128x128xf32, #tpu.memory_space<vmem>>) dst(%dma_wait3A_46 : memref<10240x128xf32, #tpu.memory_space<vmem_shared>>)
      "tpu.region"() ({
        %run_scoped3A_64 = tpu.sem_alloc : memref<!tpu.dma_semaphore, #tpu.memory_space<semaphore_mem>>
        %dma_start3A_65 = arith.constant 0 : i32
        %dma_start3A_66 = tpu.memref_slice %arg3[%add3A, %mul3A_36, %dma_start3A_65] : memref<32x80x128xi32, #tpu.memory_space<hbm>> -> memref<1x1x128xi32, #tpu.memory_space<hbm>>
        %dma_start3A_67 = tpu.memref_squeeze %dma_start3A_66 : memref<1x1x128xi32, #tpu.memory_space<hbm>> -> memref<128xi32, #tpu.memory_space<hbm>>
        %dma_start3A_68 = arith.constant 0 : i32
        %dma_start3A_69 = tpu.memref_slice %arg3[%add3A, %mul3A_36, %dma_start3A_68] : memref<32x80x128xi32, #tpu.memory_space<hbm>> -> memref<1x1x128xi32, #tpu.memory_space<hbm>>
        %dma_start3A_70 = tpu.memref_squeeze %dma_start3A_69 : memref<1x1x128xi32, #tpu.memory_space<hbm>> -> memref<128xi32, #tpu.memory_space<hbm>>
        tpu.enqueue_dma source(%dma_start3A_70 : memref<128xi32, #tpu.memory_space<hbm>>) target(%arg7 : memref<128xi32, #tpu.memory_space<vmem>>) target_semaphore(%run_scoped3A_64 : memref<!tpu.dma_semaphore, #tpu.memory_space<semaphore_mem>>)
        %dma_wait3A_71 = arith.constant 0 : i32
        %dma_wait3A_72 = tpu.memref_slice %arg3[%add3A, %mul3A_36, %dma_wait3A_71] : memref<32x80x128xi32, #tpu.memory_space<hbm>> -> memref<1x1x128xi32, #tpu.memory_space<hbm>>
        %dma_wait3A_73 = tpu.memref_squeeze %dma_wait3A_72 : memref<1x1x128xi32, #tpu.memory_space<hbm>> -> memref<128xi32, #tpu.memory_space<hbm>>
        %dma_wait3A_74 = arith.constant 0 : i32
        %dma_wait3A_75 = tpu.memref_slice %arg3[%add3A, %mul3A_36, %dma_wait3A_74] : memref<32x80x128xi32, #tpu.memory_space<hbm>> -> memref<1x1x128xi32, #tpu.memory_space<hbm>>
        %dma_wait3A_76 = tpu.memref_squeeze %dma_wait3A_75 : memref<1x1x128xi32, #tpu.memory_space<hbm>> -> memref<128xi32, #tpu.memory_space<hbm>>
        tpu.wait_dma2 semaphore(%run_scoped3A_64 : memref<!tpu.dma_semaphore, #tpu.memory_space<semaphore_mem>>) src(%dma_wait3A_76 : memref<128xi32, #tpu.memory_space<hbm>>) dst(%arg7 : memref<128xi32, #tpu.memory_space<vmem>>)
        tpu.yield
      }) : () -> ()
      %dma_start3A_47 = arith.constant 0 : i32
      %dma_start3A_48 = arith.constant 0 : i32
      %dma_start3A_49 = tpu.memref_slice %arg2[%dma_start3A_47, %dma_start3A_48] : memref<10000x128xf32, #tpu.memory_space<hbm>> -> memref<10000x128xf32, #tpu.memory_space<hbm>>
      tpu.enqueue_indirect_dma source(%dma_start3A_49 : memref<10000x128xf32, #tpu.memory_space<hbm>>) target(%arg11 : memref<128x128xf32, #tpu.memory_space<vmem>>) offsets(%arg7 : memref<128xi32, #tpu.memory_space<vmem>>) semaphore(%arg14 : memref<!tpu.dma_semaphore, #tpu.memory_space<semaphore_mem>>)
      %dma_wait3A_50 = arith.constant 0 : i32
      %dma_wait3A_51 = arith.constant 0 : i32
      %dma_wait3A_52 = tpu.memref_slice %arg2[%dma_wait3A_50, %dma_wait3A_51] : memref<10000x128xf32, #tpu.memory_space<hbm>> -> memref<10000x128xf32, #tpu.memory_space<hbm>>
      tpu.wait_indirect_dma semaphore(%arg14 : memref<!tpu.dma_semaphore, #tpu.memory_space<semaphore_mem>>) src(%dma_wait3A_52 : memref<10000x128xf32, #tpu.memory_space<hbm>>) dst(%arg11 : memref<128x128xf32, #tpu.memory_space<vmem>>)
      "tpu.region"() ({
        %run_scoped3A_64 = tpu.sem_alloc : memref<!tpu.dma_semaphore, #tpu.memory_space<semaphore_mem>>
        %dma_start3A_65 = arith.constant 0 : i32
        %dma_start3A_66 = tpu.memref_slice %arg4[%add3A, %mul3A_36, %dma_start3A_65] : memref<32x80x128xi32, #tpu.memory_space<hbm>> -> memref<1x1x128xi32, #tpu.memory_space<hbm>>
        %dma_start3A_67 = tpu.memref_squeeze %dma_start3A_66 : memref<1x1x128xi32, #tpu.memory_space<hbm>> -> memref<128xi32, #tpu.memory_space<hbm>>
        %dma_start3A_68 = arith.constant 0 : i32
        %dma_start3A_69 = tpu.memref_slice %arg4[%add3A, %mul3A_36, %dma_start3A_68] : memref<32x80x128xi32, #tpu.memory_space<hbm>> -> memref<1x1x128xi32, #tpu.memory_space<hbm>>
        %dma_start3A_70 = tpu.memref_squeeze %dma_start3A_69 : memref<1x1x128xi32, #tpu.memory_space<hbm>> -> memref<128xi32, #tpu.memory_space<hbm>>
        tpu.enqueue_dma source(%dma_start3A_70 : memref<128xi32, #tpu.memory_space<hbm>>) target(%arg8 : memref<128xi32, #tpu.memory_space<vmem>>) target_semaphore(%run_scoped3A_64 : memref<!tpu.dma_semaphore, #tpu.memory_space<semaphore_mem>>)
        %dma_wait3A_71 = arith.constant 0 : i32
        %dma_wait3A_72 = tpu.memref_slice %arg4[%add3A, %mul3A_36, %dma_wait3A_71] : memref<32x80x128xi32, #tpu.memory_space<hbm>> -> memref<1x1x128xi32, #tpu.memory_space<hbm>>
        %dma_wait3A_73 = tpu.memref_squeeze %dma_wait3A_72 : memref<1x1x128xi32, #tpu.memory_space<hbm>> -> memref<128xi32, #tpu.memory_space<hbm>>
        %dma_wait3A_74 = arith.constant 0 : i32
        %dma_wait3A_75 = tpu.memref_slice %arg4[%add3A, %mul3A_36, %dma_wait3A_74] : memref<32x80x128xi32, #tpu.memory_space<hbm>> -> memref<1x1x128xi32, #tpu.memory_space<hbm>>
        %dma_wait3A_76 = tpu.memref_squeeze %dma_wait3A_75 : memref<1x1x128xi32, #tpu.memory_space<hbm>> -> memref<128xi32, #tpu.memory_space<hbm>>
        tpu.wait_dma2 semaphore(%run_scoped3A_64 : memref<!tpu.dma_semaphore, #tpu.memory_space<semaphore_mem>>) src(%dma_wait3A_76 : memref<128xi32, #tpu.memory_space<hbm>>) dst(%arg8 : memref<128xi32, #tpu.memory_space<vmem>>)
        tpu.yield
      }) : () -> ()
      %dma_start3A_53 = arith.constant 0 : i32
      %dma_start3A_54 = arith.constant 0 : i32
      %dma_start3A_55 = tpu.memref_slice %arg13[%dma_start3A_53, %dma_start3A_54] : memref<10240x128xf32, #tpu.memory_space<vmem_shared>> -> memref<10240x128xf32, #tpu.memory_space<vmem_shared>>
      tpu.enqueue_indirect_dma source(%arg11 : memref<128x128xf32, #tpu.memory_space<vmem>>) target(%dma_start3A_55 : memref<10240x128xf32, #tpu.memory_space<vmem_shared>>) offsets(%arg8 : memref<128xi32, #tpu.memory_space<vmem>>) semaphore(%arg15 : memref<!tpu.dma_semaphore, #tpu.memory_space<semaphore_mem>>) {add = true}
      %dma_wait3A_56 = arith.constant 0 : i32
      %dma_wait3A_57 = arith.constant 0 : i32
      %dma_wait3A_58 = tpu.memref_slice %arg13[%dma_wait3A_56, %dma_wait3A_57] : memref<10240x128xf32, #tpu.memory_space<vmem_shared>> -> memref<10240x128xf32, #tpu.memory_space<vmem_shared>>
      tpu.wait_indirect_dma semaphore(%arg17 : memref<!tpu.dma_semaphore, #tpu.memory_space<semaphore_mem>>) src(%arg12 : memref<128x128xf32, #tpu.memory_space<vmem>>) dst(%dma_wait3A_58 : memref<10240x128xf32, #tpu.memory_space<vmem_shared>>)
      %add3A_59 = arith.constant 1 : i32
      %add3A_60 = arith.addi %mul3A_36, %add3A_59 : i32
      "tpu.region"() ({
        %run_scoped3A_64 = tpu.sem_alloc : memref<!tpu.dma_semaphore, #tpu.memory_space<semaphore_mem>>
        %dma_start3A_65 = arith.constant 0 : i32
        %dma_start3A_66 = tpu.memref_slice %arg3[%add3A, %add3A_60, %dma_start3A_65] : memref<32x80x128xi32, #tpu.memory_space<hbm>> -> memref<1x1x128xi32, #tpu.memory_space<hbm>>
        %dma_start3A_67 = tpu.memref_squeeze %dma_start3A_66 : memref<1x1x128xi32, #tpu.memory_space<hbm>> -> memref<128xi32, #tpu.memory_space<hbm>>
        %dma_start3A_68 = arith.constant 0 : i32
        %dma_start3A_69 = tpu.memref_slice %arg3[%add3A, %add3A_60, %dma_start3A_68] : memref<32x80x128xi32, #tpu.memory_space<hbm>> -> memref<1x1x128xi32, #tpu.memory_space<hbm>>
        %dma_start3A_70 = tpu.memref_squeeze %dma_start3A_69 : memref<1x1x128xi32, #tpu.memory_space<hbm>> -> memref<128xi32, #tpu.memory_space<hbm>>
        tpu.enqueue_dma source(%dma_start3A_70 : memref<128xi32, #tpu.memory_space<hbm>>) target(%arg9 : memref<128xi32, #tpu.memory_space<vmem>>) target_semaphore(%run_scoped3A_64 : memref<!tpu.dma_semaphore, #tpu.memory_space<semaphore_mem>>)
        %dma_wait3A_71 = arith.constant 0 : i32
        %dma_wait3A_72 = tpu.memref_slice %arg3[%add3A, %add3A_60, %dma_wait3A_71] : memref<32x80x128xi32, #tpu.memory_space<hbm>> -> memref<1x1x128xi32, #tpu.memory_space<hbm>>
        %dma_wait3A_73 = tpu.memref_squeeze %dma_wait3A_72 : memref<1x1x128xi32, #tpu.memory_space<hbm>> -> memref<128xi32, #tpu.memory_space<hbm>>
        %dma_wait3A_74 = arith.constant 0 : i32
        %dma_wait3A_75 = tpu.memref_slice %arg3[%add3A, %add3A_60, %dma_wait3A_74] : memref<32x80x128xi32, #tpu.memory_space<hbm>> -> memref<1x1x128xi32, #tpu.memory_space<hbm>>
        %dma_wait3A_76 = tpu.memref_squeeze %dma_wait3A_75 : memref<1x1x128xi32, #tpu.memory_space<hbm>> -> memref<128xi32, #tpu.memory_space<hbm>>
        tpu.wait_dma2 semaphore(%run_scoped3A_64 : memref<!tpu.dma_semaphore, #tpu.memory_space<semaphore_mem>>) src(%dma_wait3A_76 : memref<128xi32, #tpu.memory_space<hbm>>) dst(%arg9 : memref<128xi32, #tpu.memory_space<vmem>>)
        tpu.yield
      }) : () -> ()
      %dma_start3A_61 = arith.constant 0 : i32
      %dma_start3A_62 = arith.constant 0 : i32
      %dma_start3A_63 = tpu.memref_slice %arg2[%dma_start3A_61, %dma_start3A_62] : memref<10000x128xf32, #tpu.memory_space<hbm>> -> memref<10000x128xf32, #tpu.memory_space<hbm>>
      tpu.enqueue_indirect_dma source(%dma_start3A_63 : memref<10000x128xf32, #tpu.memory_space<hbm>>) target(%arg12 : memref<128x128xf32, #tpu.memory_space<vmem>>) offsets(%arg9 : memref<128xi32, #tpu.memory_space<vmem>>) semaphore(%arg16 : memref<!tpu.dma_semaphore, #tpu.memory_space<semaphore_mem>>)
    }
    %scan3A_19 = arith.constant 39 : i32
    %dma_wait3A_20 = arith.constant 0 : i32
    %dma_wait3A_21 = arith.constant 0 : i32
    %dma_wait3A_22 = tpu.memref_slice %arg2[%dma_wait3A_20, %dma_wait3A_21] : memref<10000x128xf32, #tpu.memory_space<hbm>> -> memref<10000x128xf32, #tpu.memory_space<hbm>>
    tpu.wait_indirect_dma semaphore(%arg16 : memref<!tpu.dma_semaphore, #tpu.memory_space<semaphore_mem>>) src(%dma_wait3A_22 : memref<10000x128xf32, #tpu.memory_space<hbm>>) dst(%arg12 : memref<128x128xf32, #tpu.memory_space<vmem>>)
    %run_scoped3A_23 = arith.constant 79 : i32
    "tpu.region"() ({
      %run_scoped3A_34 = tpu.sem_alloc : memref<!tpu.dma_semaphore, #tpu.memory_space<semaphore_mem>>
      %dma_start3A_35 = arith.constant 0 : i32
      %dma_start3A_36 = tpu.memref_slice %arg4[%add3A, %run_scoped3A_23, %dma_start3A_35] : memref<32x80x128xi32, #tpu.memory_space<hbm>> -> memref<1x1x128xi32, #tpu.memory_space<hbm>>
      %dma_start3A_37 = tpu.memref_squeeze %dma_start3A_36 : memref<1x1x128xi32, #tpu.memory_space<hbm>> -> memref<128xi32, #tpu.memory_space<hbm>>
      %dma_start3A_38 = arith.constant 0 : i32
      %dma_start3A_39 = tpu.memref_slice %arg4[%add3A, %run_scoped3A_23, %dma_start3A_38] : memref<32x80x128xi32, #tpu.memory_space<hbm>> -> memref<1x1x128xi32, #tpu.memory_space<hbm>>
      %dma_start3A_40 = tpu.memref_squeeze %dma_start3A_39 : memref<1x1x128xi32, #tpu.memory_space<hbm>> -> memref<128xi32, #tpu.memory_space<hbm>>
      tpu.enqueue_dma source(%dma_start3A_40 : memref<128xi32, #tpu.memory_space<hbm>>) target(%arg10 : memref<128xi32, #tpu.memory_space<vmem>>) target_semaphore(%run_scoped3A_34 : memref<!tpu.dma_semaphore, #tpu.memory_space<semaphore_mem>>)
      %dma_wait3A_41 = arith.constant 0 : i32
      %dma_wait3A_42 = tpu.memref_slice %arg4[%add3A, %run_scoped3A_23, %dma_wait3A_41] : memref<32x80x128xi32, #tpu.memory_space<hbm>> -> memref<1x1x128xi32, #tpu.memory_space<hbm>>
      %dma_wait3A_43 = tpu.memref_squeeze %dma_wait3A_42 : memref<1x1x128xi32, #tpu.memory_space<hbm>> -> memref<128xi32, #tpu.memory_space<hbm>>
      %dma_wait3A_44 = arith.constant 0 : i32
      %dma_wait3A_45 = tpu.memref_slice %arg4[%add3A, %run_scoped3A_23, %dma_wait3A_44] : memref<32x80x128xi32, #tpu.memory_space<hbm>> -> memref<1x1x128xi32, #tpu.memory_space<hbm>>
      %dma_wait3A_46 = tpu.memref_squeeze %dma_wait3A_45 : memref<1x1x128xi32, #tpu.memory_space<hbm>> -> memref<128xi32, #tpu.memory_space<hbm>>
      tpu.wait_dma2 semaphore(%run_scoped3A_34 : memref<!tpu.dma_semaphore, #tpu.memory_space<semaphore_mem>>) src(%dma_wait3A_46 : memref<128xi32, #tpu.memory_space<hbm>>) dst(%arg10 : memref<128xi32, #tpu.memory_space<vmem>>)
      tpu.yield
    }) : () -> ()
    %dma_start3A_24 = arith.constant 0 : i32
    %dma_start3A_25 = arith.constant 0 : i32
    %dma_start3A_26 = tpu.memref_slice %arg13[%dma_start3A_24, %dma_start3A_25] : memref<10240x128xf32, #tpu.memory_space<vmem_shared>> -> memref<10240x128xf32, #tpu.memory_space<vmem_shared>>
    tpu.enqueue_indirect_dma source(%arg12 : memref<128x128xf32, #tpu.memory_space<vmem>>) target(%dma_start3A_26 : memref<10240x128xf32, #tpu.memory_space<vmem_shared>>) offsets(%arg10 : memref<128xi32, #tpu.memory_space<vmem>>) semaphore(%arg17 : memref<!tpu.dma_semaphore, #tpu.memory_space<semaphore_mem>>) {add = true}
    %dma_wait3A_27 = arith.constant 0 : i32
    %dma_wait3A_28 = arith.constant 0 : i32
    %dma_wait3A_29 = tpu.memref_slice %arg13[%dma_wait3A_27, %dma_wait3A_28] : memref<10240x128xf32, #tpu.memory_space<vmem_shared>> -> memref<10240x128xf32, #tpu.memory_space<vmem_shared>>
    tpu.wait_indirect_dma semaphore(%arg15 : memref<!tpu.dma_semaphore, #tpu.memory_space<semaphore_mem>>) src(%arg11 : memref<128x128xf32, #tpu.memory_space<vmem>>) dst(%dma_wait3A_29 : memref<10240x128xf32, #tpu.memory_space<vmem_shared>>)
    %dma_wait3A_30 = arith.constant 0 : i32
    %dma_wait3A_31 = arith.constant 0 : i32
    %dma_wait3A_32 = tpu.memref_slice %arg13[%dma_wait3A_30, %dma_wait3A_31] : memref<10240x128xf32, #tpu.memory_space<vmem_shared>> -> memref<10240x128xf32, #tpu.memory_space<vmem_shared>>
    tpu.wait_indirect_dma semaphore(%arg17 : memref<!tpu.dma_semaphore, #tpu.memory_space<semaphore_mem>>) src(%arg12 : memref<128x128xf32, #tpu.memory_space<vmem>>) dst(%dma_wait3A_32 : memref<10240x128xf32, #tpu.memory_space<vmem_shared>>)
    %barrier3A_33 = arith.constant 0 : index
    tpu.barrier barrier_id(%barrier3A_33)
    "tpu.region"() ({
      %run_scoped3A_34 = tpu.sem_alloc : memref<!tpu.dma_semaphore, #tpu.memory_space<semaphore_mem>>
      %dma_start3A_35 = arith.constant 0 : i32
      %dma_start3A_36 = arith.constant 0 : i32
      %dma_start3A_37 = tpu.memref_slice %arg6[%arg0, %dma_start3A_35, %dma_start3A_36] : memref<2x10240x128xf32, #tpu.memory_space<hbm>> -> memref<1x10240x128xf32, #tpu.memory_space<hbm>>
      %dma_start3A_38 = tpu.memref_squeeze %dma_start3A_37 : memref<1x10240x128xf32, #tpu.memory_space<hbm>> -> memref<10240x128xf32, #tpu.memory_space<hbm>>
      %dma_start3A_39 = arith.constant 0 : i32
      %dma_start3A_40 = tpu.memref_slice %dma_start3A_38[%mul3A_2, %dma_start3A_39] : memref<10240x128xf32, #tpu.memory_space<hbm>> -> memref<640x128xf32, #tpu.memory_space<hbm>>
      %dma_start3A_41 = arith.constant 0 : i32
      %dma_start3A_42 = tpu.memref_slice %arg13[%mul3A_2, %dma_start3A_41] : memref<10240x128xf32, #tpu.memory_space<vmem_shared>> -> memref<640x128xf32, #tpu.memory_space<vmem_shared>>
      tpu.enqueue_dma source(%dma_start3A_42 : memref<640x128xf32, #tpu.memory_space<vmem_shared>>) target(%dma_start3A_40 : memref<640x128xf32, #tpu.memory_space<hbm>>) target_semaphore(%run_scoped3A_34 : memref<!tpu.dma_semaphore, #tpu.memory_space<semaphore_mem>>)
      %dma_wait3A_43 = arith.constant 0 : i32
      %dma_wait3A_44 = arith.constant 0 : i32
      %dma_wait3A_45 = tpu.memref_slice %arg6[%arg0, %dma_wait3A_43, %dma_wait3A_44] : memref<2x10240x128xf32, #tpu.memory_space<hbm>> -> memref<1x10240x128xf32, #tpu.memory_space<hbm>>
      %dma_wait3A_46 = tpu.memref_squeeze %dma_wait3A_45 : memref<1x10240x128xf32, #tpu.memory_space<hbm>> -> memref<10240x128xf32, #tpu.memory_space<hbm>>
      %dma_wait3A_47 = arith.constant 0 : i32
      %dma_wait3A_48 = tpu.memref_slice %dma_wait3A_46[%mul3A_2, %dma_wait3A_47] : memref<10240x128xf32, #tpu.memory_space<hbm>> -> memref<640x128xf32, #tpu.memory_space<hbm>>
      %dma_wait3A_49 = arith.constant 0 : i32
      %dma_wait3A_50 = tpu.memref_slice %arg13[%mul3A_2, %dma_wait3A_49] : memref<10240x128xf32, #tpu.memory_space<vmem_shared>> -> memref<640x128xf32, #tpu.memory_space<vmem_shared>>
      tpu.wait_dma2 semaphore(%run_scoped3A_34 : memref<!tpu.dma_semaphore, #tpu.memory_space<semaphore_mem>>) src(%dma_wait3A_50 : memref<640x128xf32, #tpu.memory_space<vmem_shared>>) dst(%dma_wait3A_48 : memref<640x128xf32, #tpu.memory_space<hbm>>)
      tpu.yield
    }) : () -> ()
    return
  }
}

#map = affine_map<(d0, d1) -> (0, 0)>
#map1 = affine_map<(d0, d1) -> (0, 0, 0)>
module attributes {stable_mosaic.version = 14 : i64} {
  func.func @agg(%arg0: i32, %arg1: i32, %arg2: memref<10000x64xf32, #tpu.memory_space<hbm>>, %arg3: memref<32x80x128xi32, #tpu.memory_space<hbm>>, %arg4: memref<32x80x128xi32, #tpu.memory_space<hbm>>, %arg5: memref<640x64xf32, #tpu.memory_space<hbm>>, %arg6: memref<2x10240x64xf32, #tpu.memory_space<hbm>>, %arg7: memref<128xi32, #tpu.memory_space<vmem>>, %arg8: memref<128xi32, #tpu.memory_space<vmem>>, %arg9: memref<128xi32, #tpu.memory_space<vmem>>, %arg10: memref<128xi32, #tpu.memory_space<vmem>>, %arg11: memref<128x64xf32, #tpu.memory_space<vmem>>, %arg12: memref<128x64xf32, #tpu.memory_space<vmem>>, %arg13: memref<10240x64xf32, #tpu.memory_space<vmem_shared>>, %arg14: memref<!tpu.dma_semaphore, #tpu.memory_space<semaphore_mem>>, %arg15: memref<!tpu.dma_semaphore, #tpu.memory_space<semaphore_mem>>, %arg16: memref<!tpu.dma_semaphore, #tpu.memory_space<semaphore_mem>>, %arg17: memref<!tpu.dma_semaphore, #tpu.memory_space<semaphore_mem>>) attributes {dimension_semantics = [#tpu.dimension_semantics<core_parallel>, #tpu.dimension_semantics<subcore_parallel>], iteration_bounds = array<i64: 2, 16>, scalar_prefetch = 0 : i64, scratch_operands = 11 : i64, tpu.core_type = #tpu.core_type<sc_vector_subcore>, window_params = [{transform_indices = #map}, {transform_indices = #map1}, {transform_indices = #map1}, {transform_indices = #map}, {transform_indices = #map1}]} {
    %mul3A = arith.constant 16 : i32
    %mul3A_0 = arith.muli %arg0, %mul3A : i32
    %add3A = arith.addi %mul3A_0, %arg1 : i32
    %mul3A_1 = arith.constant 640 : i32
    %mul3A_2 = arith.muli %arg1, %mul3A_1 : i32
    "tpu.region"() ({
      %run_scoped3A_34 = tpu.sem_alloc : memref<!tpu.dma_semaphore, #tpu.memory_space<semaphore_mem>>
      %dma_start3A_35 = arith.constant 0 : i32
      %dma_start3A_36 = tpu.memref_slice %arg13[%mul3A_2, %dma_start3A_35] : memref<10240x64xf32, #tpu.memory_space<vmem_shared>> -> memref<640x64xf32, #tpu.memory_space<vmem_shared>>
      tpu.enqueue_dma source(%arg5 : memref<640x64xf32, #tpu.memory_space<hbm>>) target(%dma_start3A_36 : memref<640x64xf32, #tpu.memory_space<vmem_shared>>) target_semaphore(%run_scoped3A_34 : memref<!tpu.dma_semaphore, #tpu.memory_space<semaphore_mem>>)
      %dma_wait3A_37 = arith.constant 0 : i32
      %dma_wait3A_38 = tpu.memref_slice %arg13[%mul3A_2, %dma_wait3A_37] : memref<10240x64xf32, #tpu.memory_space<vmem_shared>> -> memref<640x64xf32, #tpu.memory_space<vmem_shared>>
      tpu.wait_dma2 semaphore(%run_scoped3A_34 : memref<!tpu.dma_semaphore, #tpu.memory_space<semaphore_mem>>) src(%arg5 : memref<640x64xf32, #tpu.memory_space<hbm>>) dst(%dma_wait3A_38 : memref<640x64xf32, #tpu.memory_space<vmem_shared>>)
      tpu.yield
    }) : () -> ()
    %barrier3A = arith.constant 0 : index
    tpu.barrier barrier_id(%barrier3A)
    %run_scoped3A = arith.constant 0 : i32
    "tpu.region"() ({
      %run_scoped3A_34 = tpu.sem_alloc : memref<!tpu.dma_semaphore, #tpu.memory_space<semaphore_mem>>
      %dma_start3A_35 = arith.constant 0 : i32
      %dma_start3A_36 = tpu.memref_slice %arg3[%add3A, %run_scoped3A, %dma_start3A_35] : memref<32x80x128xi32, #tpu.memory_space<hbm>> -> memref<1x1x128xi32, #tpu.memory_space<hbm>>
      %dma_start3A_37 = tpu.memref_squeeze %dma_start3A_36 : memref<1x1x128xi32, #tpu.memory_space<hbm>> -> memref<128xi32, #tpu.memory_space<hbm>>
      %dma_start3A_38 = arith.constant 0 : i32
      %dma_start3A_39 = tpu.memref_slice %arg3[%add3A, %run_scoped3A, %dma_start3A_38] : memref<32x80x128xi32, #tpu.memory_space<hbm>> -> memref<1x1x128xi32, #tpu.memory_space<hbm>>
      %dma_start3A_40 = tpu.memref_squeeze %dma_start3A_39 : memref<1x1x128xi32, #tpu.memory_space<hbm>> -> memref<128xi32, #tpu.memory_space<hbm>>
      tpu.enqueue_dma source(%dma_start3A_40 : memref<128xi32, #tpu.memory_space<hbm>>) target(%arg7 : memref<128xi32, #tpu.memory_space<vmem>>) target_semaphore(%run_scoped3A_34 : memref<!tpu.dma_semaphore, #tpu.memory_space<semaphore_mem>>)
      %dma_wait3A_41 = arith.constant 0 : i32
      %dma_wait3A_42 = tpu.memref_slice %arg3[%add3A, %run_scoped3A, %dma_wait3A_41] : memref<32x80x128xi32, #tpu.memory_space<hbm>> -> memref<1x1x128xi32, #tpu.memory_space<hbm>>
      %dma_wait3A_43 = tpu.memref_squeeze %dma_wait3A_42 : memref<1x1x128xi32, #tpu.memory_space<hbm>> -> memref<128xi32, #tpu.memory_space<hbm>>
      %dma_wait3A_44 = arith.constant 0 : i32
      %dma_wait3A_45 = tpu.memref_slice %arg3[%add3A, %run_scoped3A, %dma_wait3A_44] : memref<32x80x128xi32, #tpu.memory_space<hbm>> -> memref<1x1x128xi32, #tpu.memory_space<hbm>>
      %dma_wait3A_46 = tpu.memref_squeeze %dma_wait3A_45 : memref<1x1x128xi32, #tpu.memory_space<hbm>> -> memref<128xi32, #tpu.memory_space<hbm>>
      tpu.wait_dma2 semaphore(%run_scoped3A_34 : memref<!tpu.dma_semaphore, #tpu.memory_space<semaphore_mem>>) src(%dma_wait3A_46 : memref<128xi32, #tpu.memory_space<hbm>>) dst(%arg7 : memref<128xi32, #tpu.memory_space<vmem>>)
      tpu.yield
    }) : () -> ()
    %dma_start3A = arith.constant 0 : i32
    %dma_start3A_3 = arith.constant 0 : i32
    %dma_start3A_4 = tpu.memref_slice %arg2[%dma_start3A, %dma_start3A_3] : memref<10000x64xf32, #tpu.memory_space<hbm>> -> memref<10000x64xf32, #tpu.memory_space<hbm>>
    tpu.enqueue_indirect_dma source(%dma_start3A_4 : memref<10000x64xf32, #tpu.memory_space<hbm>>) target(%arg11 : memref<128x64xf32, #tpu.memory_space<vmem>>) offsets(%arg7 : memref<128xi32, #tpu.memory_space<vmem>>) semaphore(%arg14 : memref<!tpu.dma_semaphore, #tpu.memory_space<semaphore_mem>>)
    %dma_wait3A = arith.constant 0 : i32
    %dma_wait3A_5 = arith.constant 0 : i32
    %dma_wait3A_6 = tpu.memref_slice %arg2[%dma_wait3A, %dma_wait3A_5] : memref<10000x64xf32, #tpu.memory_space<hbm>> -> memref<10000x64xf32, #tpu.memory_space<hbm>>
    tpu.wait_indirect_dma semaphore(%arg14 : memref<!tpu.dma_semaphore, #tpu.memory_space<semaphore_mem>>) src(%dma_wait3A_6 : memref<10000x64xf32, #tpu.memory_space<hbm>>) dst(%arg11 : memref<128x64xf32, #tpu.memory_space<vmem>>)
    %run_scoped3A_7 = arith.constant 0 : i32
    "tpu.region"() ({
      %run_scoped3A_34 = tpu.sem_alloc : memref<!tpu.dma_semaphore, #tpu.memory_space<semaphore_mem>>
      %dma_start3A_35 = arith.constant 0 : i32
      %dma_start3A_36 = tpu.memref_slice %arg4[%add3A, %run_scoped3A_7, %dma_start3A_35] : memref<32x80x128xi32, #tpu.memory_space<hbm>> -> memref<1x1x128xi32, #tpu.memory_space<hbm>>
      %dma_start3A_37 = tpu.memref_squeeze %dma_start3A_36 : memref<1x1x128xi32, #tpu.memory_space<hbm>> -> memref<128xi32, #tpu.memory_space<hbm>>
      %dma_start3A_38 = arith.constant 0 : i32
      %dma_start3A_39 = tpu.memref_slice %arg4[%add3A, %run_scoped3A_7, %dma_start3A_38] : memref<32x80x128xi32, #tpu.memory_space<hbm>> -> memref<1x1x128xi32, #tpu.memory_space<hbm>>
      %dma_start3A_40 = tpu.memref_squeeze %dma_start3A_39 : memref<1x1x128xi32, #tpu.memory_space<hbm>> -> memref<128xi32, #tpu.memory_space<hbm>>
      tpu.enqueue_dma source(%dma_start3A_40 : memref<128xi32, #tpu.memory_space<hbm>>) target(%arg8 : memref<128xi32, #tpu.memory_space<vmem>>) target_semaphore(%run_scoped3A_34 : memref<!tpu.dma_semaphore, #tpu.memory_space<semaphore_mem>>)
      %dma_wait3A_41 = arith.constant 0 : i32
      %dma_wait3A_42 = tpu.memref_slice %arg4[%add3A, %run_scoped3A_7, %dma_wait3A_41] : memref<32x80x128xi32, #tpu.memory_space<hbm>> -> memref<1x1x128xi32, #tpu.memory_space<hbm>>
      %dma_wait3A_43 = tpu.memref_squeeze %dma_wait3A_42 : memref<1x1x128xi32, #tpu.memory_space<hbm>> -> memref<128xi32, #tpu.memory_space<hbm>>
      %dma_wait3A_44 = arith.constant 0 : i32
      %dma_wait3A_45 = tpu.memref_slice %arg4[%add3A, %run_scoped3A_7, %dma_wait3A_44] : memref<32x80x128xi32, #tpu.memory_space<hbm>> -> memref<1x1x128xi32, #tpu.memory_space<hbm>>
      %dma_wait3A_46 = tpu.memref_squeeze %dma_wait3A_45 : memref<1x1x128xi32, #tpu.memory_space<hbm>> -> memref<128xi32, #tpu.memory_space<hbm>>
      tpu.wait_dma2 semaphore(%run_scoped3A_34 : memref<!tpu.dma_semaphore, #tpu.memory_space<semaphore_mem>>) src(%dma_wait3A_46 : memref<128xi32, #tpu.memory_space<hbm>>) dst(%arg8 : memref<128xi32, #tpu.memory_space<vmem>>)
      tpu.yield
    }) : () -> ()
    %dma_start3A_8 = arith.constant 0 : i32
    %dma_start3A_9 = arith.constant 0 : i32
    %dma_start3A_10 = tpu.memref_slice %arg13[%dma_start3A_8, %dma_start3A_9] : memref<10240x64xf32, #tpu.memory_space<vmem_shared>> -> memref<10240x64xf32, #tpu.memory_space<vmem_shared>>
    tpu.enqueue_indirect_dma source(%arg11 : memref<128x64xf32, #tpu.memory_space<vmem>>) target(%dma_start3A_10 : memref<10240x64xf32, #tpu.memory_space<vmem_shared>>) offsets(%arg8 : memref<128xi32, #tpu.memory_space<vmem>>) semaphore(%arg15 : memref<!tpu.dma_semaphore, #tpu.memory_space<semaphore_mem>>) {add = true}
    %run_scoped3A_11 = arith.constant 1 : i32
    "tpu.region"() ({
      %run_scoped3A_34 = tpu.sem_alloc : memref<!tpu.dma_semaphore, #tpu.memory_space<semaphore_mem>>
      %dma_start3A_35 = arith.constant 0 : i32
      %dma_start3A_36 = tpu.memref_slice %arg3[%add3A, %run_scoped3A_11, %dma_start3A_35] : memref<32x80x128xi32, #tpu.memory_space<hbm>> -> memref<1x1x128xi32, #tpu.memory_space<hbm>>
      %dma_start3A_37 = tpu.memref_squeeze %dma_start3A_36 : memref<1x1x128xi32, #tpu.memory_space<hbm>> -> memref<128xi32, #tpu.memory_space<hbm>>
      %dma_start3A_38 = arith.constant 0 : i32
      %dma_start3A_39 = tpu.memref_slice %arg3[%add3A, %run_scoped3A_11, %dma_start3A_38] : memref<32x80x128xi32, #tpu.memory_space<hbm>> -> memref<1x1x128xi32, #tpu.memory_space<hbm>>
      %dma_start3A_40 = tpu.memref_squeeze %dma_start3A_39 : memref<1x1x128xi32, #tpu.memory_space<hbm>> -> memref<128xi32, #tpu.memory_space<hbm>>
      tpu.enqueue_dma source(%dma_start3A_40 : memref<128xi32, #tpu.memory_space<hbm>>) target(%arg9 : memref<128xi32, #tpu.memory_space<vmem>>) target_semaphore(%run_scoped3A_34 : memref<!tpu.dma_semaphore, #tpu.memory_space<semaphore_mem>>)
      %dma_wait3A_41 = arith.constant 0 : i32
      %dma_wait3A_42 = tpu.memref_slice %arg3[%add3A, %run_scoped3A_11, %dma_wait3A_41] : memref<32x80x128xi32, #tpu.memory_space<hbm>> -> memref<1x1x128xi32, #tpu.memory_space<hbm>>
      %dma_wait3A_43 = tpu.memref_squeeze %dma_wait3A_42 : memref<1x1x128xi32, #tpu.memory_space<hbm>> -> memref<128xi32, #tpu.memory_space<hbm>>
      %dma_wait3A_44 = arith.constant 0 : i32
      %dma_wait3A_45 = tpu.memref_slice %arg3[%add3A, %run_scoped3A_11, %dma_wait3A_44] : memref<32x80x128xi32, #tpu.memory_space<hbm>> -> memref<1x1x128xi32, #tpu.memory_space<hbm>>
      %dma_wait3A_46 = tpu.memref_squeeze %dma_wait3A_45 : memref<1x1x128xi32, #tpu.memory_space<hbm>> -> memref<128xi32, #tpu.memory_space<hbm>>
      tpu.wait_dma2 semaphore(%run_scoped3A_34 : memref<!tpu.dma_semaphore, #tpu.memory_space<semaphore_mem>>) src(%dma_wait3A_46 : memref<128xi32, #tpu.memory_space<hbm>>) dst(%arg9 : memref<128xi32, #tpu.memory_space<vmem>>)
      tpu.yield
    }) : () -> ()
    %dma_start3A_12 = arith.constant 0 : i32
    %dma_start3A_13 = arith.constant 0 : i32
    %dma_start3A_14 = tpu.memref_slice %arg2[%dma_start3A_12, %dma_start3A_13] : memref<10000x64xf32, #tpu.memory_space<hbm>> -> memref<10000x64xf32, #tpu.memory_space<hbm>>
    tpu.enqueue_indirect_dma source(%dma_start3A_14 : memref<10000x64xf32, #tpu.memory_space<hbm>>) target(%arg12 : memref<128x64xf32, #tpu.memory_space<vmem>>) offsets(%arg9 : memref<128xi32, #tpu.memory_space<vmem>>) semaphore(%arg16 : memref<!tpu.dma_semaphore, #tpu.memory_space<semaphore_mem>>)
    %scan3A = arith.constant 0 : i32
    %scan3A_15 = arith.constant 1 : i32
    %scan3A_16 = arith.constant 39 : i32
    %scan3A_17 = arith.addi %scan3A_15, %scan3A_16 : i32
    %scan3A_18 = arith.constant 1 : i32
    scf.for %scan3A_34 = %scan3A_15 to %scan3A_17 step %scan3A_18  : i32 {
      %mul3A_35 = arith.constant 2 : i32
      %mul3A_36 = arith.muli %mul3A_35, %scan3A_34 : i32
      %dma_wait3A_37 = arith.constant 0 : i32
      %dma_wait3A_38 = arith.constant 0 : i32
      %dma_wait3A_39 = tpu.memref_slice %arg2[%dma_wait3A_37, %dma_wait3A_38] : memref<10000x64xf32, #tpu.memory_space<hbm>> -> memref<10000x64xf32, #tpu.memory_space<hbm>>
      tpu.wait_indirect_dma semaphore(%arg16 : memref<!tpu.dma_semaphore, #tpu.memory_space<semaphore_mem>>) src(%dma_wait3A_39 : memref<10000x64xf32, #tpu.memory_space<hbm>>) dst(%arg12 : memref<128x64xf32, #tpu.memory_space<vmem>>)
      %sub3A = arith.constant 1 : i32
      %sub3A_40 = arith.subi %mul3A_36, %sub3A : i32
      "tpu.region"() ({
        %run_scoped3A_64 = tpu.sem_alloc : memref<!tpu.dma_semaphore, #tpu.memory_space<semaphore_mem>>
        %dma_start3A_65 = arith.constant 0 : i32
        %dma_start3A_66 = tpu.memref_slice %arg4[%add3A, %sub3A_40, %dma_start3A_65] : memref<32x80x128xi32, #tpu.memory_space<hbm>> -> memref<1x1x128xi32, #tpu.memory_space<hbm>>
        %dma_start3A_67 = tpu.memref_squeeze %dma_start3A_66 : memref<1x1x128xi32, #tpu.memory_space<hbm>> -> memref<128xi32, #tpu.memory_space<hbm>>
        %dma_start3A_68 = arith.constant 0 : i32
        %dma_start3A_69 = tpu.memref_slice %arg4[%add3A, %sub3A_40, %dma_start3A_68] : memref<32x80x128xi32, #tpu.memory_space<hbm>> -> memref<1x1x128xi32, #tpu.memory_space<hbm>>
        %dma_start3A_70 = tpu.memref_squeeze %dma_start3A_69 : memref<1x1x128xi32, #tpu.memory_space<hbm>> -> memref<128xi32, #tpu.memory_space<hbm>>
        tpu.enqueue_dma source(%dma_start3A_70 : memref<128xi32, #tpu.memory_space<hbm>>) target(%arg10 : memref<128xi32, #tpu.memory_space<vmem>>) target_semaphore(%run_scoped3A_64 : memref<!tpu.dma_semaphore, #tpu.memory_space<semaphore_mem>>)
        %dma_wait3A_71 = arith.constant 0 : i32
        %dma_wait3A_72 = tpu.memref_slice %arg4[%add3A, %sub3A_40, %dma_wait3A_71] : memref<32x80x128xi32, #tpu.memory_space<hbm>> -> memref<1x1x128xi32, #tpu.memory_space<hbm>>
        %dma_wait3A_73 = tpu.memref_squeeze %dma_wait3A_72 : memref<1x1x128xi32, #tpu.memory_space<hbm>> -> memref<128xi32, #tpu.memory_space<hbm>>
        %dma_wait3A_74 = arith.constant 0 : i32
        %dma_wait3A_75 = tpu.memref_slice %arg4[%add3A, %sub3A_40, %dma_wait3A_74] : memref<32x80x128xi32, #tpu.memory_space<hbm>> -> memref<1x1x128xi32, #tpu.memory_space<hbm>>
        %dma_wait3A_76 = tpu.memref_squeeze %dma_wait3A_75 : memref<1x1x128xi32, #tpu.memory_space<hbm>> -> memref<128xi32, #tpu.memory_space<hbm>>
        tpu.wait_dma2 semaphore(%run_scoped3A_64 : memref<!tpu.dma_semaphore, #tpu.memory_space<semaphore_mem>>) src(%dma_wait3A_76 : memref<128xi32, #tpu.memory_space<hbm>>) dst(%arg10 : memref<128xi32, #tpu.memory_space<vmem>>)
        tpu.yield
      }) : () -> ()
      %dma_start3A_41 = arith.constant 0 : i32
      %dma_start3A_42 = arith.constant 0 : i32
      %dma_start3A_43 = tpu.memref_slice %arg13[%dma_start3A_41, %dma_start3A_42] : memref<10240x64xf32, #tpu.memory_space<vmem_shared>> -> memref<10240x64xf32, #tpu.memory_space<vmem_shared>>
      tpu.enqueue_indirect_dma source(%arg12 : memref<128x64xf32, #tpu.memory_space<vmem>>) target(%dma_start3A_43 : memref<10240x64xf32, #tpu.memory_space<vmem_shared>>) offsets(%arg10 : memref<128xi32, #tpu.memory_space<vmem>>) semaphore(%arg17 : memref<!tpu.dma_semaphore, #tpu.memory_space<semaphore_mem>>) {add = true}
      %dma_wait3A_44 = arith.constant 0 : i32
      %dma_wait3A_45 = arith.constant 0 : i32
      %dma_wait3A_46 = tpu.memref_slice %arg13[%dma_wait3A_44, %dma_wait3A_45] : memref<10240x64xf32, #tpu.memory_space<vmem_shared>> -> memref<10240x64xf32, #tpu.memory_space<vmem_shared>>
      tpu.wait_indirect_dma semaphore(%arg15 : memref<!tpu.dma_semaphore, #tpu.memory_space<semaphore_mem>>) src(%arg11 : memref<128x64xf32, #tpu.memory_space<vmem>>) dst(%dma_wait3A_46 : memref<10240x64xf32, #tpu.memory_space<vmem_shared>>)
      "tpu.region"() ({
        %run_scoped3A_64 = tpu.sem_alloc : memref<!tpu.dma_semaphore, #tpu.memory_space<semaphore_mem>>
        %dma_start3A_65 = arith.constant 0 : i32
        %dma_start3A_66 = tpu.memref_slice %arg3[%add3A, %mul3A_36, %dma_start3A_65] : memref<32x80x128xi32, #tpu.memory_space<hbm>> -> memref<1x1x128xi32, #tpu.memory_space<hbm>>
        %dma_start3A_67 = tpu.memref_squeeze %dma_start3A_66 : memref<1x1x128xi32, #tpu.memory_space<hbm>> -> memref<128xi32, #tpu.memory_space<hbm>>
        %dma_start3A_68 = arith.constant 0 : i32
        %dma_start3A_69 = tpu.memref_slice %arg3[%add3A, %mul3A_36, %dma_start3A_68] : memref<32x80x128xi32, #tpu.memory_space<hbm>> -> memref<1x1x128xi32, #tpu.memory_space<hbm>>
        %dma_start3A_70 = tpu.memref_squeeze %dma_start3A_69 : memref<1x1x128xi32, #tpu.memory_space<hbm>> -> memref<128xi32, #tpu.memory_space<hbm>>
        tpu.enqueue_dma source(%dma_start3A_70 : memref<128xi32, #tpu.memory_space<hbm>>) target(%arg7 : memref<128xi32, #tpu.memory_space<vmem>>) target_semaphore(%run_scoped3A_64 : memref<!tpu.dma_semaphore, #tpu.memory_space<semaphore_mem>>)
        %dma_wait3A_71 = arith.constant 0 : i32
        %dma_wait3A_72 = tpu.memref_slice %arg3[%add3A, %mul3A_36, %dma_wait3A_71] : memref<32x80x128xi32, #tpu.memory_space<hbm>> -> memref<1x1x128xi32, #tpu.memory_space<hbm>>
        %dma_wait3A_73 = tpu.memref_squeeze %dma_wait3A_72 : memref<1x1x128xi32, #tpu.memory_space<hbm>> -> memref<128xi32, #tpu.memory_space<hbm>>
        %dma_wait3A_74 = arith.constant 0 : i32
        %dma_wait3A_75 = tpu.memref_slice %arg3[%add3A, %mul3A_36, %dma_wait3A_74] : memref<32x80x128xi32, #tpu.memory_space<hbm>> -> memref<1x1x128xi32, #tpu.memory_space<hbm>>
        %dma_wait3A_76 = tpu.memref_squeeze %dma_wait3A_75 : memref<1x1x128xi32, #tpu.memory_space<hbm>> -> memref<128xi32, #tpu.memory_space<hbm>>
        tpu.wait_dma2 semaphore(%run_scoped3A_64 : memref<!tpu.dma_semaphore, #tpu.memory_space<semaphore_mem>>) src(%dma_wait3A_76 : memref<128xi32, #tpu.memory_space<hbm>>) dst(%arg7 : memref<128xi32, #tpu.memory_space<vmem>>)
        tpu.yield
      }) : () -> ()
      %dma_start3A_47 = arith.constant 0 : i32
      %dma_start3A_48 = arith.constant 0 : i32
      %dma_start3A_49 = tpu.memref_slice %arg2[%dma_start3A_47, %dma_start3A_48] : memref<10000x64xf32, #tpu.memory_space<hbm>> -> memref<10000x64xf32, #tpu.memory_space<hbm>>
      tpu.enqueue_indirect_dma source(%dma_start3A_49 : memref<10000x64xf32, #tpu.memory_space<hbm>>) target(%arg11 : memref<128x64xf32, #tpu.memory_space<vmem>>) offsets(%arg7 : memref<128xi32, #tpu.memory_space<vmem>>) semaphore(%arg14 : memref<!tpu.dma_semaphore, #tpu.memory_space<semaphore_mem>>)
      %dma_wait3A_50 = arith.constant 0 : i32
      %dma_wait3A_51 = arith.constant 0 : i32
      %dma_wait3A_52 = tpu.memref_slice %arg2[%dma_wait3A_50, %dma_wait3A_51] : memref<10000x64xf32, #tpu.memory_space<hbm>> -> memref<10000x64xf32, #tpu.memory_space<hbm>>
      tpu.wait_indirect_dma semaphore(%arg14 : memref<!tpu.dma_semaphore, #tpu.memory_space<semaphore_mem>>) src(%dma_wait3A_52 : memref<10000x64xf32, #tpu.memory_space<hbm>>) dst(%arg11 : memref<128x64xf32, #tpu.memory_space<vmem>>)
      "tpu.region"() ({
        %run_scoped3A_64 = tpu.sem_alloc : memref<!tpu.dma_semaphore, #tpu.memory_space<semaphore_mem>>
        %dma_start3A_65 = arith.constant 0 : i32
        %dma_start3A_66 = tpu.memref_slice %arg4[%add3A, %mul3A_36, %dma_start3A_65] : memref<32x80x128xi32, #tpu.memory_space<hbm>> -> memref<1x1x128xi32, #tpu.memory_space<hbm>>
        %dma_start3A_67 = tpu.memref_squeeze %dma_start3A_66 : memref<1x1x128xi32, #tpu.memory_space<hbm>> -> memref<128xi32, #tpu.memory_space<hbm>>
        %dma_start3A_68 = arith.constant 0 : i32
        %dma_start3A_69 = tpu.memref_slice %arg4[%add3A, %mul3A_36, %dma_start3A_68] : memref<32x80x128xi32, #tpu.memory_space<hbm>> -> memref<1x1x128xi32, #tpu.memory_space<hbm>>
        %dma_start3A_70 = tpu.memref_squeeze %dma_start3A_69 : memref<1x1x128xi32, #tpu.memory_space<hbm>> -> memref<128xi32, #tpu.memory_space<hbm>>
        tpu.enqueue_dma source(%dma_start3A_70 : memref<128xi32, #tpu.memory_space<hbm>>) target(%arg8 : memref<128xi32, #tpu.memory_space<vmem>>) target_semaphore(%run_scoped3A_64 : memref<!tpu.dma_semaphore, #tpu.memory_space<semaphore_mem>>)
        %dma_wait3A_71 = arith.constant 0 : i32
        %dma_wait3A_72 = tpu.memref_slice %arg4[%add3A, %mul3A_36, %dma_wait3A_71] : memref<32x80x128xi32, #tpu.memory_space<hbm>> -> memref<1x1x128xi32, #tpu.memory_space<hbm>>
        %dma_wait3A_73 = tpu.memref_squeeze %dma_wait3A_72 : memref<1x1x128xi32, #tpu.memory_space<hbm>> -> memref<128xi32, #tpu.memory_space<hbm>>
        %dma_wait3A_74 = arith.constant 0 : i32
        %dma_wait3A_75 = tpu.memref_slice %arg4[%add3A, %mul3A_36, %dma_wait3A_74] : memref<32x80x128xi32, #tpu.memory_space<hbm>> -> memref<1x1x128xi32, #tpu.memory_space<hbm>>
        %dma_wait3A_76 = tpu.memref_squeeze %dma_wait3A_75 : memref<1x1x128xi32, #tpu.memory_space<hbm>> -> memref<128xi32, #tpu.memory_space<hbm>>
        tpu.wait_dma2 semaphore(%run_scoped3A_64 : memref<!tpu.dma_semaphore, #tpu.memory_space<semaphore_mem>>) src(%dma_wait3A_76 : memref<128xi32, #tpu.memory_space<hbm>>) dst(%arg8 : memref<128xi32, #tpu.memory_space<vmem>>)
        tpu.yield
      }) : () -> ()
      %dma_start3A_53 = arith.constant 0 : i32
      %dma_start3A_54 = arith.constant 0 : i32
      %dma_start3A_55 = tpu.memref_slice %arg13[%dma_start3A_53, %dma_start3A_54] : memref<10240x64xf32, #tpu.memory_space<vmem_shared>> -> memref<10240x64xf32, #tpu.memory_space<vmem_shared>>
      tpu.enqueue_indirect_dma source(%arg11 : memref<128x64xf32, #tpu.memory_space<vmem>>) target(%dma_start3A_55 : memref<10240x64xf32, #tpu.memory_space<vmem_shared>>) offsets(%arg8 : memref<128xi32, #tpu.memory_space<vmem>>) semaphore(%arg15 : memref<!tpu.dma_semaphore, #tpu.memory_space<semaphore_mem>>) {add = true}
      %dma_wait3A_56 = arith.constant 0 : i32
      %dma_wait3A_57 = arith.constant 0 : i32
      %dma_wait3A_58 = tpu.memref_slice %arg13[%dma_wait3A_56, %dma_wait3A_57] : memref<10240x64xf32, #tpu.memory_space<vmem_shared>> -> memref<10240x64xf32, #tpu.memory_space<vmem_shared>>
      tpu.wait_indirect_dma semaphore(%arg17 : memref<!tpu.dma_semaphore, #tpu.memory_space<semaphore_mem>>) src(%arg12 : memref<128x64xf32, #tpu.memory_space<vmem>>) dst(%dma_wait3A_58 : memref<10240x64xf32, #tpu.memory_space<vmem_shared>>)
      %add3A_59 = arith.constant 1 : i32
      %add3A_60 = arith.addi %mul3A_36, %add3A_59 : i32
      "tpu.region"() ({
        %run_scoped3A_64 = tpu.sem_alloc : memref<!tpu.dma_semaphore, #tpu.memory_space<semaphore_mem>>
        %dma_start3A_65 = arith.constant 0 : i32
        %dma_start3A_66 = tpu.memref_slice %arg3[%add3A, %add3A_60, %dma_start3A_65] : memref<32x80x128xi32, #tpu.memory_space<hbm>> -> memref<1x1x128xi32, #tpu.memory_space<hbm>>
        %dma_start3A_67 = tpu.memref_squeeze %dma_start3A_66 : memref<1x1x128xi32, #tpu.memory_space<hbm>> -> memref<128xi32, #tpu.memory_space<hbm>>
        %dma_start3A_68 = arith.constant 0 : i32
        %dma_start3A_69 = tpu.memref_slice %arg3[%add3A, %add3A_60, %dma_start3A_68] : memref<32x80x128xi32, #tpu.memory_space<hbm>> -> memref<1x1x128xi32, #tpu.memory_space<hbm>>
        %dma_start3A_70 = tpu.memref_squeeze %dma_start3A_69 : memref<1x1x128xi32, #tpu.memory_space<hbm>> -> memref<128xi32, #tpu.memory_space<hbm>>
        tpu.enqueue_dma source(%dma_start3A_70 : memref<128xi32, #tpu.memory_space<hbm>>) target(%arg9 : memref<128xi32, #tpu.memory_space<vmem>>) target_semaphore(%run_scoped3A_64 : memref<!tpu.dma_semaphore, #tpu.memory_space<semaphore_mem>>)
        %dma_wait3A_71 = arith.constant 0 : i32
        %dma_wait3A_72 = tpu.memref_slice %arg3[%add3A, %add3A_60, %dma_wait3A_71] : memref<32x80x128xi32, #tpu.memory_space<hbm>> -> memref<1x1x128xi32, #tpu.memory_space<hbm>>
        %dma_wait3A_73 = tpu.memref_squeeze %dma_wait3A_72 : memref<1x1x128xi32, #tpu.memory_space<hbm>> -> memref<128xi32, #tpu.memory_space<hbm>>
        %dma_wait3A_74 = arith.constant 0 : i32
        %dma_wait3A_75 = tpu.memref_slice %arg3[%add3A, %add3A_60, %dma_wait3A_74] : memref<32x80x128xi32, #tpu.memory_space<hbm>> -> memref<1x1x128xi32, #tpu.memory_space<hbm>>
        %dma_wait3A_76 = tpu.memref_squeeze %dma_wait3A_75 : memref<1x1x128xi32, #tpu.memory_space<hbm>> -> memref<128xi32, #tpu.memory_space<hbm>>
        tpu.wait_dma2 semaphore(%run_scoped3A_64 : memref<!tpu.dma_semaphore, #tpu.memory_space<semaphore_mem>>) src(%dma_wait3A_76 : memref<128xi32, #tpu.memory_space<hbm>>) dst(%arg9 : memref<128xi32, #tpu.memory_space<vmem>>)
        tpu.yield
      }) : () -> ()
      %dma_start3A_61 = arith.constant 0 : i32
      %dma_start3A_62 = arith.constant 0 : i32
      %dma_start3A_63 = tpu.memref_slice %arg2[%dma_start3A_61, %dma_start3A_62] : memref<10000x64xf32, #tpu.memory_space<hbm>> -> memref<10000x64xf32, #tpu.memory_space<hbm>>
      tpu.enqueue_indirect_dma source(%dma_start3A_63 : memref<10000x64xf32, #tpu.memory_space<hbm>>) target(%arg12 : memref<128x64xf32, #tpu.memory_space<vmem>>) offsets(%arg9 : memref<128xi32, #tpu.memory_space<vmem>>) semaphore(%arg16 : memref<!tpu.dma_semaphore, #tpu.memory_space<semaphore_mem>>)
    }
    %scan3A_19 = arith.constant 39 : i32
    %dma_wait3A_20 = arith.constant 0 : i32
    %dma_wait3A_21 = arith.constant 0 : i32
    %dma_wait3A_22 = tpu.memref_slice %arg2[%dma_wait3A_20, %dma_wait3A_21] : memref<10000x64xf32, #tpu.memory_space<hbm>> -> memref<10000x64xf32, #tpu.memory_space<hbm>>
    tpu.wait_indirect_dma semaphore(%arg16 : memref<!tpu.dma_semaphore, #tpu.memory_space<semaphore_mem>>) src(%dma_wait3A_22 : memref<10000x64xf32, #tpu.memory_space<hbm>>) dst(%arg12 : memref<128x64xf32, #tpu.memory_space<vmem>>)
    %run_scoped3A_23 = arith.constant 79 : i32
    "tpu.region"() ({
      %run_scoped3A_34 = tpu.sem_alloc : memref<!tpu.dma_semaphore, #tpu.memory_space<semaphore_mem>>
      %dma_start3A_35 = arith.constant 0 : i32
      %dma_start3A_36 = tpu.memref_slice %arg4[%add3A, %run_scoped3A_23, %dma_start3A_35] : memref<32x80x128xi32, #tpu.memory_space<hbm>> -> memref<1x1x128xi32, #tpu.memory_space<hbm>>
      %dma_start3A_37 = tpu.memref_squeeze %dma_start3A_36 : memref<1x1x128xi32, #tpu.memory_space<hbm>> -> memref<128xi32, #tpu.memory_space<hbm>>
      %dma_start3A_38 = arith.constant 0 : i32
      %dma_start3A_39 = tpu.memref_slice %arg4[%add3A, %run_scoped3A_23, %dma_start3A_38] : memref<32x80x128xi32, #tpu.memory_space<hbm>> -> memref<1x1x128xi32, #tpu.memory_space<hbm>>
      %dma_start3A_40 = tpu.memref_squeeze %dma_start3A_39 : memref<1x1x128xi32, #tpu.memory_space<hbm>> -> memref<128xi32, #tpu.memory_space<hbm>>
      tpu.enqueue_dma source(%dma_start3A_40 : memref<128xi32, #tpu.memory_space<hbm>>) target(%arg10 : memref<128xi32, #tpu.memory_space<vmem>>) target_semaphore(%run_scoped3A_34 : memref<!tpu.dma_semaphore, #tpu.memory_space<semaphore_mem>>)
      %dma_wait3A_41 = arith.constant 0 : i32
      %dma_wait3A_42 = tpu.memref_slice %arg4[%add3A, %run_scoped3A_23, %dma_wait3A_41] : memref<32x80x128xi32, #tpu.memory_space<hbm>> -> memref<1x1x128xi32, #tpu.memory_space<hbm>>
      %dma_wait3A_43 = tpu.memref_squeeze %dma_wait3A_42 : memref<1x1x128xi32, #tpu.memory_space<hbm>> -> memref<128xi32, #tpu.memory_space<hbm>>
      %dma_wait3A_44 = arith.constant 0 : i32
      %dma_wait3A_45 = tpu.memref_slice %arg4[%add3A, %run_scoped3A_23, %dma_wait3A_44] : memref<32x80x128xi32, #tpu.memory_space<hbm>> -> memref<1x1x128xi32, #tpu.memory_space<hbm>>
      %dma_wait3A_46 = tpu.memref_squeeze %dma_wait3A_45 : memref<1x1x128xi32, #tpu.memory_space<hbm>> -> memref<128xi32, #tpu.memory_space<hbm>>
      tpu.wait_dma2 semaphore(%run_scoped3A_34 : memref<!tpu.dma_semaphore, #tpu.memory_space<semaphore_mem>>) src(%dma_wait3A_46 : memref<128xi32, #tpu.memory_space<hbm>>) dst(%arg10 : memref<128xi32, #tpu.memory_space<vmem>>)
      tpu.yield
    }) : () -> ()
    %dma_start3A_24 = arith.constant 0 : i32
    %dma_start3A_25 = arith.constant 0 : i32
    %dma_start3A_26 = tpu.memref_slice %arg13[%dma_start3A_24, %dma_start3A_25] : memref<10240x64xf32, #tpu.memory_space<vmem_shared>> -> memref<10240x64xf32, #tpu.memory_space<vmem_shared>>
    tpu.enqueue_indirect_dma source(%arg12 : memref<128x64xf32, #tpu.memory_space<vmem>>) target(%dma_start3A_26 : memref<10240x64xf32, #tpu.memory_space<vmem_shared>>) offsets(%arg10 : memref<128xi32, #tpu.memory_space<vmem>>) semaphore(%arg17 : memref<!tpu.dma_semaphore, #tpu.memory_space<semaphore_mem>>) {add = true}
    %dma_wait3A_27 = arith.constant 0 : i32
    %dma_wait3A_28 = arith.constant 0 : i32
    %dma_wait3A_29 = tpu.memref_slice %arg13[%dma_wait3A_27, %dma_wait3A_28] : memref<10240x64xf32, #tpu.memory_space<vmem_shared>> -> memref<10240x64xf32, #tpu.memory_space<vmem_shared>>
    tpu.wait_indirect_dma semaphore(%arg15 : memref<!tpu.dma_semaphore, #tpu.memory_space<semaphore_mem>>) src(%arg11 : memref<128x64xf32, #tpu.memory_space<vmem>>) dst(%dma_wait3A_29 : memref<10240x64xf32, #tpu.memory_space<vmem_shared>>)
    %dma_wait3A_30 = arith.constant 0 : i32
    %dma_wait3A_31 = arith.constant 0 : i32
    %dma_wait3A_32 = tpu.memref_slice %arg13[%dma_wait3A_30, %dma_wait3A_31] : memref<10240x64xf32, #tpu.memory_space<vmem_shared>> -> memref<10240x64xf32, #tpu.memory_space<vmem_shared>>
    tpu.wait_indirect_dma semaphore(%arg17 : memref<!tpu.dma_semaphore, #tpu.memory_space<semaphore_mem>>) src(%arg12 : memref<128x64xf32, #tpu.memory_space<vmem>>) dst(%dma_wait3A_32 : memref<10240x64xf32, #tpu.memory_space<vmem_shared>>)
    %barrier3A_33 = arith.constant 0 : index
    tpu.barrier barrier_id(%barrier3A_33)
    "tpu.region"() ({
      %run_scoped3A_34 = tpu.sem_alloc : memref<!tpu.dma_semaphore, #tpu.memory_space<semaphore_mem>>
      %dma_start3A_35 = arith.constant 0 : i32
      %dma_start3A_36 = arith.constant 0 : i32
      %dma_start3A_37 = tpu.memref_slice %arg6[%arg0, %dma_start3A_35, %dma_start3A_36] : memref<2x10240x64xf32, #tpu.memory_space<hbm>> -> memref<1x10240x64xf32, #tpu.memory_space<hbm>>
      %dma_start3A_38 = tpu.memref_squeeze %dma_start3A_37 : memref<1x10240x64xf32, #tpu.memory_space<hbm>> -> memref<10240x64xf32, #tpu.memory_space<hbm>>
      %dma_start3A_39 = arith.constant 0 : i32
      %dma_start3A_40 = tpu.memref_slice %dma_start3A_38[%mul3A_2, %dma_start3A_39] : memref<10240x64xf32, #tpu.memory_space<hbm>> -> memref<640x64xf32, #tpu.memory_space<hbm>>
      %dma_start3A_41 = arith.constant 0 : i32
      %dma_start3A_42 = tpu.memref_slice %arg13[%mul3A_2, %dma_start3A_41] : memref<10240x64xf32, #tpu.memory_space<vmem_shared>> -> memref<640x64xf32, #tpu.memory_space<vmem_shared>>
      tpu.enqueue_dma source(%dma_start3A_42 : memref<640x64xf32, #tpu.memory_space<vmem_shared>>) target(%dma_start3A_40 : memref<640x64xf32, #tpu.memory_space<hbm>>) target_semaphore(%run_scoped3A_34 : memref<!tpu.dma_semaphore, #tpu.memory_space<semaphore_mem>>)
      %dma_wait3A_43 = arith.constant 0 : i32
      %dma_wait3A_44 = arith.constant 0 : i32
      %dma_wait3A_45 = tpu.memref_slice %arg6[%arg0, %dma_wait3A_43, %dma_wait3A_44] : memref<2x10240x64xf32, #tpu.memory_space<hbm>> -> memref<1x10240x64xf32, #tpu.memory_space<hbm>>
      %dma_wait3A_46 = tpu.memref_squeeze %dma_wait3A_45 : memref<1x10240x64xf32, #tpu.memory_space<hbm>> -> memref<10240x64xf32, #tpu.memory_space<hbm>>
      %dma_wait3A_47 = arith.constant 0 : i32
      %dma_wait3A_48 = tpu.memref_slice %dma_wait3A_46[%mul3A_2, %dma_wait3A_47] : memref<10240x64xf32, #tpu.memory_space<hbm>> -> memref<640x64xf32, #tpu.memory_space<hbm>>
      %dma_wait3A_49 = arith.constant 0 : i32
      %dma_wait3A_50 = tpu.memref_slice %arg13[%mul3A_2, %dma_wait3A_49] : memref<10240x64xf32, #tpu.memory_space<vmem_shared>> -> memref<640x64xf32, #tpu.memory_space<vmem_shared>>
      tpu.wait_dma2 semaphore(%run_scoped3A_34 : memref<!tpu.dma_semaphore, #tpu.memory_space<semaphore_mem>>) src(%dma_wait3A_50 : memref<640x64xf32, #tpu.memory_space<vmem_shared>>) dst(%dma_wait3A_48 : memref<640x64xf32, #tpu.memory_space<hbm>>)
      tpu.yield
    }) : () -> ()
    return
  }
}

module attributes {stable_mosaic.version = 14 : i64} {
  func.func @_k0_body(%arg0: i32, %arg1: memref<1000x128xf32, #tpu.memory_space<vmem>>, %arg2: memref<128x128xf32, #tpu.memory_space<vmem>>, %arg3: memref<1000x128xf32, #tpu.memory_space<vmem>>) attributes {dimension_semantics = [#tpu.dimension_semantics<arbitrary>], iteration_bounds = array<i64: 10>, scalar_prefetch = 0 : i64, scratch_operands = 0 : i64, tpu.core_type = #tpu.core_type<tc>, window_params = [{transform_indices = @transform_0, window_bounds = array<i64: 1000, 128>}, {pipeline_mode = #tpu.pipeline_mode<synchronous>, transform_indices = @transform_1, window_bounds = array<i64: 128, 128>}, {transform_indices = @transform_2, window_bounds = array<i64: 1000, 128>}]} {
    %get3A = arith.constant 0 : index
    %get3A_0 = arith.constant 0 : index
    %get3A_1 = vector.load %arg1[%get3A, %get3A_0] : memref<1000x128xf32, #tpu.memory_space<vmem>>, vector<1000x128xf32>
    %get3A_2 = arith.constant 0 : index
    %get3A_3 = arith.constant 0 : index
    %get3A_4 = vector.load %arg2[%get3A_2, %get3A_3] : memref<128x128xf32, #tpu.memory_space<vmem>>, vector<128x128xf32>
    %convert_element_type3A = arith.truncf %get3A_1 : vector<1000x128xf32> to vector<1000x128xbf16>
    %convert_element_type3A_5 = arith.truncf %get3A_4 : vector<128x128xf32> to vector<128x128xbf16>
    %dot_general3A = arith.constant dense<0.000000e+00> : vector<1000x128xf32>
    %dot_general3A_6 = tpu.matmul %convert_element_type3A, %convert_element_type3A_5, %dot_general3A {dimension_numbers = #tpu.dot_dimension_numbers<[1], [0], [0], [1], [0, 0, 1, 1], [], []>, transpose_lhs_hint = false} : vector<1000x128xbf16>, vector<128x128xbf16>, vector<1000x128xf32> -> vector<1000x128xf32>
    %swap3A = arith.constant 0 : index
    %swap3A_7 = arith.constant 0 : index
    %swap3A_8 = vector.load %arg3[%swap3A, %swap3A_7] : memref<1000x128xf32, #tpu.memory_space<vmem>>, vector<1000x128xf32>
    tpu.vector_store %arg3[%swap3A, %swap3A_7], %dot_general3A_6 {strides = array<i32>} : memref<1000x128xf32, #tpu.memory_space<vmem>>, vector<1000x128xf32>,
    return
  }
  func.func @transform_0(%arg0: i32) -> (i32, i32) {
    %c0_i32 = arith.constant 0 : i32
    %c0_i32_0 = arith.constant 0 : i32
    return %arg0, %c0_i32 : i32, i32
  }
  func.func @transform_1(%arg0: i32) -> (i32, i32) {
    %c0_i32 = arith.constant 0 : i32
    %c0_i32_0 = arith.constant 0 : i32
    %c0_i32_1 = arith.constant 0 : i32
    return %c0_i32, %c0_i32_0 : i32, i32
  }
  func.func @transform_2(%arg0: i32) -> (i32, i32) {
    %c0_i32 = arith.constant 0 : i32
    %c0_i32_0 = arith.constant 0 : i32
    return %arg0, %c0_i32 : i32, i32
  }
}

module attributes {stable_mosaic.version = 14 : i64} {
  func.func @_k1_body(%arg0: i32, %arg1: memref<1x1000x8xf32, #tpu.memory_space<vmem>>, %arg2: memref<1x1000x8xf32, #tpu.memory_space<vmem>>, %arg3: memref<1000x128xf32, #tpu.memory_space<vmem>>, %arg4: memref<1000x128xf32, #tpu.memory_space<vmem>>, %arg5: memref<1000x1xf32, #tpu.memory_space<vmem>>) attributes {dimension_semantics = [#tpu.dimension_semantics<arbitrary>], iteration_bounds = array<i64: 10>, scalar_prefetch = 0 : i64, scratch_operands = 0 : i64, tpu.core_type = #tpu.core_type<tc>, window_params = [{transform_indices = @transform_0, window_bounds = array<i64: 1, 1000, 8>}, {transform_indices = @transform_1, window_bounds = array<i64: 1, 1000, 8>}, {transform_indices = @transform_2, window_bounds = array<i64: 1000, 128>}, {transform_indices = @transform_3, window_bounds = array<i64: 1000, 128>}, {transform_indices = @transform_4, window_bounds = array<i64: 1000, 1>}]} {
    %get3A = arith.constant 0 : index
    %get3A_0 = arith.constant 0 : index
    %get3A_1 = arith.constant 0 : index
    %get3A_2 = vector.load %arg1[%get3A, %get3A_0, %get3A_1] : memref<1x1000x8xf32, #tpu.memory_space<vmem>>, vector<1x1000x8xf32>
    %get3A_3 = vector.shape_cast %get3A_2 : vector<1x1000x8xf32> to vector<1000x8xf32>
    %slice3A = vector.extract_strided_slice %get3A_3 {offsets = [0, 0], sizes = [1000, 1], strides = [1, 1]} : vector<1000x8xf32> to vector<1000x1xf32>
    %get3A_4 = arith.constant 0 : index
    %get3A_5 = arith.constant 0 : index
    %get3A_6 = arith.constant 0 : index
    %get3A_7 = vector.load %arg2[%get3A_4, %get3A_5, %get3A_6] : memref<1x1000x8xf32, #tpu.memory_space<vmem>>, vector<1x1000x8xf32>
    %get3A_8 = vector.shape_cast %get3A_7 : vector<1x1000x8xf32> to vector<1000x8xf32>
    %slice3A_9 = vector.extract_strided_slice %get3A_8 {offsets = [0, 0], sizes = [1000, 1], strides = [1, 1]} : vector<1000x8xf32> to vector<1000x1xf32>
    %add3A = arith.addf %slice3A, %slice3A_9 : vector<1000x1xf32>
    %add3A_10 = arith.constant 1.000000e+00 : f32
    %add3A_11 = vector.broadcast %add3A_10 : f32 to vector<1000x1xf32>
    %add3A_12 = arith.addf %add3A, %add3A_11 : vector<1000x1xf32>
    %sqrt3A = math.sqrt %add3A_12 : vector<1000x1xf32>
    %div3A = arith.constant 1.000000e+00 : f32
    %div3A_13 = vector.broadcast %div3A : f32 to vector<1000x1xf32>
    %div3A_14 = arith.divf %div3A_13, %sqrt3A : vector<1000x1xf32>
    %swap3A = arith.constant 0 : index
    %swap3A_15 = arith.constant 0 : index
    %swap3A_16 = vector.load %arg5[%swap3A, %swap3A_15] : memref<1000x1xf32, #tpu.memory_space<vmem>>, vector<1000x1xf32>
    tpu.vector_store %arg5[%swap3A, %swap3A_15], %div3A_14 {strides = array<i32>} : memref<1000x1xf32, #tpu.memory_space<vmem>>, vector<1000x1xf32>,
    %get3A_17 = arith.constant 0 : index
    %get3A_18 = arith.constant 0 : index
    %get3A_19 = vector.load %arg3[%get3A_17, %get3A_18] : memref<1000x128xf32, #tpu.memory_space<vmem>>, vector<1000x128xf32>
    %mul3A = vector.broadcast %div3A_14 : vector<1000x1xf32> to vector<1000x128xf32>
    %mul3A_20 = arith.mulf %mul3A, %get3A_19 : vector<1000x128xf32>
    %swap3A_21 = arith.constant 0 : index
    %swap3A_22 = arith.constant 0 : index
    %swap3A_23 = vector.load %arg4[%swap3A_21, %swap3A_22] : memref<1000x128xf32, #tpu.memory_space<vmem>>, vector<1000x128xf32>
    tpu.vector_store %arg4[%swap3A_21, %swap3A_22], %mul3A_20 {strides = array<i32>} : memref<1000x128xf32, #tpu.memory_space<vmem>>, vector<1000x128xf32>,
    return
  }
  func.func @transform_0(%arg0: i32) -> (i32, i32, i32) {
    %c0_i32 = arith.constant 0 : i32
    %c0_i32_0 = arith.constant 0 : i32
    %c0_i32_1 = arith.constant 0 : i32
    return %c0_i32, %arg0, %c0_i32_0 : i32, i32, i32
  }
  func.func @transform_1(%arg0: i32) -> (i32, i32, i32) {
    %c1_i32 = arith.constant 1 : i32
    %c0_i32 = arith.constant 0 : i32
    %c0_i32_0 = arith.constant 0 : i32
    return %c1_i32, %arg0, %c0_i32 : i32, i32, i32
  }
  func.func @transform_2(%arg0: i32) -> (i32, i32) {
    %c0_i32 = arith.constant 0 : i32
    %c0_i32_0 = arith.constant 0 : i32
    return %arg0, %c0_i32 : i32, i32
  }
  func.func @transform_3(%arg0: i32) -> (i32, i32) {
    %c0_i32 = arith.constant 0 : i32
    %c0_i32_0 = arith.constant 0 : i32
    return %arg0, %c0_i32 : i32, i32
  }
  func.func @transform_4(%arg0: i32) -> (i32, i32) {
    %c0_i32 = arith.constant 0 : i32
    %c0_i32_0 = arith.constant 0 : i32
    return %arg0, %c0_i32 : i32, i32
  }
}

module attributes {stable_mosaic.version = 14 : i64} {
  func.func @_k2_body(%arg0: i32, %arg1: memref<1x1000x128xf32, #tpu.memory_space<vmem>>, %arg2: memref<1x1000x128xf32, #tpu.memory_space<vmem>>, %arg3: memref<1000x128xf32, #tpu.memory_space<vmem>>, %arg4: memref<1000x1xf32, #tpu.memory_space<vmem>>, %arg5: memref<1x128xf32, #tpu.memory_space<vmem>>, %arg6: memref<128x64xf32, #tpu.memory_space<vmem>>, %arg7: memref<1000x64xf32, #tpu.memory_space<vmem>>) attributes {dimension_semantics = [#tpu.dimension_semantics<arbitrary>], iteration_bounds = array<i64: 10>, scalar_prefetch = 0 : i64, scratch_operands = 0 : i64, tpu.core_type = #tpu.core_type<tc>, window_params = [{transform_indices = @transform_0, window_bounds = array<i64: 1, 1000, 128>}, {transform_indices = @transform_1, window_bounds = array<i64: 1, 1000, 128>}, {transform_indices = @transform_2, window_bounds = array<i64: 1000, 128>}, {transform_indices = @transform_3, window_bounds = array<i64: 1000, 1>}, {pipeline_mode = #tpu.pipeline_mode<synchronous>, transform_indices = @transform_4, window_bounds = array<i64: 1, 128>}, {pipeline_mode = #tpu.pipeline_mode<synchronous>, transform_indices = @transform_5, window_bounds = array<i64: 128, 64>}, {transform_indices = @transform_6, window_bounds = array<i64: 1000, 64>}]} {
    %get3A = arith.constant 0 : index
    %get3A_0 = arith.constant 0 : index
    %get3A_1 = vector.load %arg4[%get3A, %get3A_0] : memref<1000x1xf32, #tpu.memory_space<vmem>>, vector<1000x1xf32>
    %get3A_2 = arith.constant 0 : index
    %get3A_3 = arith.constant 0 : index
    %get3A_4 = arith.constant 0 : index
    %get3A_5 = vector.load %arg1[%get3A_2, %get3A_3, %get3A_4] : memref<1x1000x128xf32, #tpu.memory_space<vmem>>, vector<1x1000x128xf32>
    %get3A_6 = vector.shape_cast %get3A_5 : vector<1x1000x128xf32> to vector<1000x128xf32>
    %get3A_7 = arith.constant 0 : index
    %get3A_8 = arith.constant 0 : index
    %get3A_9 = arith.constant 0 : index
    %get3A_10 = vector.load %arg2[%get3A_7, %get3A_8, %get3A_9] : memref<1x1000x128xf32, #tpu.memory_space<vmem>>, vector<1x1000x128xf32>
    %get3A_11 = vector.shape_cast %get3A_10 : vector<1x1000x128xf32> to vector<1000x128xf32>
    %add3A = arith.addf %get3A_6, %get3A_11 : vector<1000x128xf32>
    %get3A_12 = arith.constant 0 : index
    %get3A_13 = arith.constant 0 : index
    %get3A_14 = vector.load %arg3[%get3A_12, %get3A_13] : memref<1000x128xf32, #tpu.memory_space<vmem>>, vector<1000x128xf32>
    %add3A_15 = arith.addf %add3A, %get3A_14 : vector<1000x128xf32>
    %mul3A = vector.broadcast %get3A_1 : vector<1000x1xf32> to vector<1000x128xf32>
    %mul3A_16 = arith.mulf %mul3A, %add3A_15 : vector<1000x128xf32>
    %get3A_17 = arith.constant 0 : index
    %get3A_18 = arith.constant 0 : index
    %get3A_19 = vector.load %arg5[%get3A_17, %get3A_18] : memref<1x128xf32, #tpu.memory_space<vmem>>, vector<1x128xf32>
    %add3A_20 = vector.broadcast %get3A_19 : vector<1x128xf32> to vector<1000x128xf32>
    %add3A_21 = arith.addf %mul3A_16, %add3A_20 : vector<1000x128xf32>
    %max3A = arith.constant 0.000000e+00 : f32
    %max3A_22 = vector.broadcast %max3A : f32 to vector<1000x128xf32>
    %max3A_23 = arith.maximumf %add3A_21, %max3A_22 : vector<1000x128xf32>
    %get3A_24 = arith.constant 0 : index
    %get3A_25 = arith.constant 0 : index
    %get3A_26 = vector.load %arg4[%get3A_24, %get3A_25] : memref<1000x1xf32, #tpu.memory_space<vmem>>, vector<1000x1xf32>
    %get3A_27 = arith.constant 0 : index
    %get3A_28 = arith.constant 0 : index
    %get3A_29 = vector.load %arg6[%get3A_27, %get3A_28] : memref<128x64xf32, #tpu.memory_space<vmem>>, vector<128x64xf32>
    %convert_element_type3A = arith.truncf %max3A_23 : vector<1000x128xf32> to vector<1000x128xbf16>
    %convert_element_type3A_30 = arith.truncf %get3A_29 : vector<128x64xf32> to vector<128x64xbf16>
    %dot_general3A = arith.constant dense<0.000000e+00> : vector<1000x64xf32>
    %dot_general3A_31 = tpu.matmul %convert_element_type3A, %convert_element_type3A_30, %dot_general3A {dimension_numbers = #tpu.dot_dimension_numbers<[1], [0], [0], [1], [0, 0, 1, 1], [], []>, transpose_lhs_hint = false} : vector<1000x128xbf16>, vector<128x64xbf16>, vector<1000x64xf32> -> vector<1000x64xf32>
    %mul3A_32 = vector.broadcast %get3A_26 : vector<1000x1xf32> to vector<1000x64xf32>
    %mul3A_33 = arith.mulf %mul3A_32, %dot_general3A_31 : vector<1000x64xf32>
    %swap3A = arith.constant 0 : index
    %swap3A_34 = arith.constant 0 : index
    %swap3A_35 = vector.load %arg7[%swap3A, %swap3A_34] : memref<1000x64xf32, #tpu.memory_space<vmem>>, vector<1000x64xf32>
    tpu.vector_store %arg7[%swap3A, %swap3A_34], %mul3A_33 {strides = array<i32>} : memref<1000x64xf32, #tpu.memory_space<vmem>>, vector<1000x64xf32>,
    return
  }
  func.func @transform_0(%arg0: i32) -> (i32, i32, i32) {
    %c0_i32 = arith.constant 0 : i32
    %c0_i32_0 = arith.constant 0 : i32
    %c0_i32_1 = arith.constant 0 : i32
    return %c0_i32, %arg0, %c0_i32_0 : i32, i32, i32
  }
  func.func @transform_1(%arg0: i32) -> (i32, i32, i32) {
    %c1_i32 = arith.constant 1 : i32
    %c0_i32 = arith.constant 0 : i32
    %c0_i32_0 = arith.constant 0 : i32
    return %c1_i32, %arg0, %c0_i32 : i32, i32, i32
  }
  func.func @transform_2(%arg0: i32) -> (i32, i32) {
    %c0_i32 = arith.constant 0 : i32
    %c0_i32_0 = arith.constant 0 : i32
    return %arg0, %c0_i32 : i32, i32
  }
  func.func @transform_3(%arg0: i32) -> (i32, i32) {
    %c0_i32 = arith.constant 0 : i32
    %c0_i32_0 = arith.constant 0 : i32
    return %arg0, %c0_i32 : i32, i32
  }
  func.func @transform_4(%arg0: i32) -> (i32, i32) {
    %c0_i32 = arith.constant 0 : i32
    %c0_i32_0 = arith.constant 0 : i32
    %c0_i32_1 = arith.constant 0 : i32
    return %c0_i32, %c0_i32_0 : i32, i32
  }
  func.func @transform_5(%arg0: i32) -> (i32, i32) {
    %c0_i32 = arith.constant 0 : i32
    %c0_i32_0 = arith.constant 0 : i32
    %c0_i32_1 = arith.constant 0 : i32
    return %c0_i32, %c0_i32_0 : i32, i32
  }
  func.func @transform_6(%arg0: i32) -> (i32, i32) {
    %c0_i32 = arith.constant 0 : i32
    %c0_i32_0 = arith.constant 0 : i32
    return %arg0, %c0_i32 : i32, i32
  }
}

module attributes {stable_mosaic.version = 14 : i64} {
  func.func @_k3_body(%arg0: i32, %arg1: memref<1x1000x64xf32, #tpu.memory_space<vmem>>, %arg2: memref<1x1000x64xf32, #tpu.memory_space<vmem>>, %arg3: memref<1000x64xf32, #tpu.memory_space<vmem>>, %arg4: memref<1000x1xf32, #tpu.memory_space<vmem>>, %arg5: memref<1x64xf32, #tpu.memory_space<vmem>>, %arg6: memref<64x8xf32, #tpu.memory_space<vmem>>, %arg7: memref<1000x8xf32, #tpu.memory_space<vmem>>) attributes {dimension_semantics = [#tpu.dimension_semantics<arbitrary>], iteration_bounds = array<i64: 10>, scalar_prefetch = 0 : i64, scratch_operands = 0 : i64, tpu.core_type = #tpu.core_type<tc>, window_params = [{transform_indices = @transform_0, window_bounds = array<i64: 1, 1000, 64>}, {transform_indices = @transform_1, window_bounds = array<i64: 1, 1000, 64>}, {transform_indices = @transform_2, window_bounds = array<i64: 1000, 64>}, {transform_indices = @transform_3, window_bounds = array<i64: 1000, 1>}, {pipeline_mode = #tpu.pipeline_mode<synchronous>, transform_indices = @transform_4, window_bounds = array<i64: 1, 64>}, {pipeline_mode = #tpu.pipeline_mode<synchronous>, transform_indices = @transform_5, window_bounds = array<i64: 64, 8>}, {transform_indices = @transform_6, window_bounds = array<i64: 1000, 8>}]} {
    %get3A = arith.constant 0 : index
    %get3A_0 = arith.constant 0 : index
    %get3A_1 = vector.load %arg4[%get3A, %get3A_0] : memref<1000x1xf32, #tpu.memory_space<vmem>>, vector<1000x1xf32>
    %get3A_2 = arith.constant 0 : index
    %get3A_3 = arith.constant 0 : index
    %get3A_4 = arith.constant 0 : index
    %get3A_5 = vector.load %arg1[%get3A_2, %get3A_3, %get3A_4] : memref<1x1000x64xf32, #tpu.memory_space<vmem>>, vector<1x1000x64xf32>
    %get3A_6 = vector.shape_cast %get3A_5 : vector<1x1000x64xf32> to vector<1000x64xf32>
    %get3A_7 = arith.constant 0 : index
    %get3A_8 = arith.constant 0 : index
    %get3A_9 = arith.constant 0 : index
    %get3A_10 = vector.load %arg2[%get3A_7, %get3A_8, %get3A_9] : memref<1x1000x64xf32, #tpu.memory_space<vmem>>, vector<1x1000x64xf32>
    %get3A_11 = vector.shape_cast %get3A_10 : vector<1x1000x64xf32> to vector<1000x64xf32>
    %add3A = arith.addf %get3A_6, %get3A_11 : vector<1000x64xf32>
    %get3A_12 = arith.constant 0 : index
    %get3A_13 = arith.constant 0 : index
    %get3A_14 = vector.load %arg3[%get3A_12, %get3A_13] : memref<1000x64xf32, #tpu.memory_space<vmem>>, vector<1000x64xf32>
    %add3A_15 = arith.addf %add3A, %get3A_14 : vector<1000x64xf32>
    %mul3A = vector.broadcast %get3A_1 : vector<1000x1xf32> to vector<1000x64xf32>
    %mul3A_16 = arith.mulf %mul3A, %add3A_15 : vector<1000x64xf32>
    %get3A_17 = arith.constant 0 : index
    %get3A_18 = arith.constant 0 : index
    %get3A_19 = vector.load %arg5[%get3A_17, %get3A_18] : memref<1x64xf32, #tpu.memory_space<vmem>>, vector<1x64xf32>
    %add3A_20 = vector.broadcast %get3A_19 : vector<1x64xf32> to vector<1000x64xf32>
    %add3A_21 = arith.addf %mul3A_16, %add3A_20 : vector<1000x64xf32>
    %max3A = arith.constant 0.000000e+00 : f32
    %max3A_22 = vector.broadcast %max3A : f32 to vector<1000x64xf32>
    %max3A_23 = arith.maximumf %add3A_21, %max3A_22 : vector<1000x64xf32>
    %get3A_24 = arith.constant 0 : index
    %get3A_25 = arith.constant 0 : index
    %get3A_26 = vector.load %arg4[%get3A_24, %get3A_25] : memref<1000x1xf32, #tpu.memory_space<vmem>>, vector<1000x1xf32>
    %get3A_27 = arith.constant 0 : index
    %get3A_28 = arith.constant 0 : index
    %get3A_29 = vector.load %arg6[%get3A_27, %get3A_28] : memref<64x8xf32, #tpu.memory_space<vmem>>, vector<64x8xf32>
    %convert_element_type3A = arith.truncf %max3A_23 : vector<1000x64xf32> to vector<1000x64xbf16>
    %convert_element_type3A_30 = arith.truncf %get3A_29 : vector<64x8xf32> to vector<64x8xbf16>
    %dot_general3A = arith.constant dense<0.000000e+00> : vector<1000x8xf32>
    %dot_general3A_31 = tpu.matmul %convert_element_type3A, %convert_element_type3A_30, %dot_general3A {dimension_numbers = #tpu.dot_dimension_numbers<[1], [0], [0], [1], [0, 0, 1, 1], [], []>, transpose_lhs_hint = false} : vector<1000x64xbf16>, vector<64x8xbf16>, vector<1000x8xf32> -> vector<1000x8xf32>
    %mul3A_32 = vector.broadcast %get3A_26 : vector<1000x1xf32> to vector<1000x8xf32>
    %mul3A_33 = arith.mulf %mul3A_32, %dot_general3A_31 : vector<1000x8xf32>
    %swap3A = arith.constant 0 : index
    %swap3A_34 = arith.constant 0 : index
    %swap3A_35 = vector.load %arg7[%swap3A, %swap3A_34] : memref<1000x8xf32, #tpu.memory_space<vmem>>, vector<1000x8xf32>
    tpu.vector_store %arg7[%swap3A, %swap3A_34], %mul3A_33 {strides = array<i32>} : memref<1000x8xf32, #tpu.memory_space<vmem>>, vector<1000x8xf32>,
    return
  }
  func.func @transform_0(%arg0: i32) -> (i32, i32, i32) {
    %c0_i32 = arith.constant 0 : i32
    %c0_i32_0 = arith.constant 0 : i32
    %c0_i32_1 = arith.constant 0 : i32
    return %c0_i32, %arg0, %c0_i32_0 : i32, i32, i32
  }
  func.func @transform_1(%arg0: i32) -> (i32, i32, i32) {
    %c1_i32 = arith.constant 1 : i32
    %c0_i32 = arith.constant 0 : i32
    %c0_i32_0 = arith.constant 0 : i32
    return %c1_i32, %arg0, %c0_i32 : i32, i32, i32
  }
  func.func @transform_2(%arg0: i32) -> (i32, i32) {
    %c0_i32 = arith.constant 0 : i32
    %c0_i32_0 = arith.constant 0 : i32
    return %arg0, %c0_i32 : i32, i32
  }
  func.func @transform_3(%arg0: i32) -> (i32, i32) {
    %c0_i32 = arith.constant 0 : i32
    %c0_i32_0 = arith.constant 0 : i32
    return %arg0, %c0_i32 : i32, i32
  }
  func.func @transform_4(%arg0: i32) -> (i32, i32) {
    %c0_i32 = arith.constant 0 : i32
    %c0_i32_0 = arith.constant 0 : i32
    %c0_i32_1 = arith.constant 0 : i32
    return %c0_i32, %c0_i32_0 : i32, i32
  }
  func.func @transform_5(%arg0: i32) -> (i32, i32) {
    %c0_i32 = arith.constant 0 : i32
    %c0_i32_0 = arith.constant 0 : i32
    %c0_i32_1 = arith.constant 0 : i32
    return %c0_i32, %c0_i32_0 : i32, i32
  }
  func.func @transform_6(%arg0: i32) -> (i32, i32) {
    %c0_i32 = arith.constant 0 : i32
    %c0_i32_0 = arith.constant 0 : i32
    return %arg0, %c0_i32 : i32, i32
  }
}

module attributes {stable_mosaic.version = 14 : i64} {
  func.func @_k4_body(%arg0: i32, %arg1: memref<1x1000x8xf32, #tpu.memory_space<vmem>>, %arg2: memref<1x1000x8xf32, #tpu.memory_space<vmem>>, %arg3: memref<1000x8xf32, #tpu.memory_space<vmem>>, %arg4: memref<1000x1xf32, #tpu.memory_space<vmem>>, %arg5: memref<1x1xf32, #tpu.memory_space<vmem>>, %arg6: memref<1000x1xf32, #tpu.memory_space<vmem>>) attributes {dimension_semantics = [#tpu.dimension_semantics<arbitrary>], iteration_bounds = array<i64: 10>, scalar_prefetch = 0 : i64, scratch_operands = 0 : i64, tpu.core_type = #tpu.core_type<tc>, window_params = [{transform_indices = @transform_0, window_bounds = array<i64: 1, 1000, 8>}, {transform_indices = @transform_1, window_bounds = array<i64: 1, 1000, 8>}, {transform_indices = @transform_2, window_bounds = array<i64: 1000, 8>}, {transform_indices = @transform_3, window_bounds = array<i64: 1000, 1>}, {pipeline_mode = #tpu.pipeline_mode<synchronous>, transform_indices = @transform_4, window_bounds = array<i64: 1, 1>}, {transform_indices = @transform_5, window_bounds = array<i64: 1000, 1>}]} {
    %get3A = arith.constant 0 : index
    %get3A_0 = arith.constant 0 : index
    %get3A_1 = arith.constant 0 : index
    %get3A_2 = vector.load %arg1[%get3A, %get3A_0, %get3A_1] : memref<1x1000x8xf32, #tpu.memory_space<vmem>>, vector<1x1000x8xf32>
    %get3A_3 = vector.shape_cast %get3A_2 : vector<1x1000x8xf32> to vector<1000x8xf32>
    %slice3A = vector.extract_strided_slice %get3A_3 {offsets = [0, 0], sizes = [1000, 1], strides = [1, 1]} : vector<1000x8xf32> to vector<1000x1xf32>
    %get3A_4 = arith.constant 0 : index
    %get3A_5 = arith.constant 0 : index
    %get3A_6 = arith.constant 0 : index
    %get3A_7 = vector.load %arg2[%get3A_4, %get3A_5, %get3A_6] : memref<1x1000x8xf32, #tpu.memory_space<vmem>>, vector<1x1000x8xf32>
    %get3A_8 = vector.shape_cast %get3A_7 : vector<1x1000x8xf32> to vector<1000x8xf32>
    %slice3A_9 = vector.extract_strided_slice %get3A_8 {offsets = [0, 0], sizes = [1000, 1], strides = [1, 1]} : vector<1000x8xf32> to vector<1000x1xf32>
    %add3A = arith.addf %slice3A, %slice3A_9 : vector<1000x1xf32>
    %get3A_10 = arith.constant 0 : index
    %get3A_11 = arith.constant 0 : index
    %get3A_12 = vector.load %arg3[%get3A_10, %get3A_11] : memref<1000x8xf32, #tpu.memory_space<vmem>>, vector<1000x1xf32>
    %add3A_13 = arith.addf %add3A, %get3A_12 : vector<1000x1xf32>
    %get3A_14 = arith.constant 0 : index
    %get3A_15 = arith.constant 0 : index
    %get3A_16 = vector.load %arg4[%get3A_14, %get3A_15] : memref<1000x1xf32, #tpu.memory_space<vmem>>, vector<1000x1xf32>
    %mul3A = arith.mulf %get3A_16, %add3A_13 : vector<1000x1xf32>
    %get3A_17 = arith.constant 0 : index
    %get3A_18 = arith.constant 0 : index
    %get3A_19 = vector.load %arg5[%get3A_17, %get3A_18] : memref<1x1xf32, #tpu.memory_space<vmem>>, vector<1x1xf32>
    %add3A_20 = vector.broadcast %get3A_19 : vector<1x1xf32> to vector<1000x1xf32>
    %add3A_21 = arith.addf %mul3A, %add3A_20 : vector<1000x1xf32>
    %swap3A = arith.constant 0 : index
    %swap3A_22 = arith.constant 0 : index
    %swap3A_23 = vector.load %arg6[%swap3A, %swap3A_22] : memref<1000x1xf32, #tpu.memory_space<vmem>>, vector<1000x1xf32>
    tpu.vector_store %arg6[%swap3A, %swap3A_22], %add3A_21 {strides = array<i32>} : memref<1000x1xf32, #tpu.memory_space<vmem>>, vector<1000x1xf32>,
    return
  }
  func.func @transform_0(%arg0: i32) -> (i32, i32, i32) {
    %c0_i32 = arith.constant 0 : i32
    %c0_i32_0 = arith.constant 0 : i32
    %c0_i32_1 = arith.constant 0 : i32
    return %c0_i32, %arg0, %c0_i32_0 : i32, i32, i32
  }
  func.func @transform_1(%arg0: i32) -> (i32, i32, i32) {
    %c1_i32 = arith.constant 1 : i32
    %c0_i32 = arith.constant 0 : i32
    %c0_i32_0 = arith.constant 0 : i32
    return %c1_i32, %arg0, %c0_i32 : i32, i32, i32
  }
  func.func @transform_2(%arg0: i32) -> (i32, i32) {
    %c0_i32 = arith.constant 0 : i32
    %c0_i32_0 = arith.constant 0 : i32
    return %arg0, %c0_i32 : i32, i32
  }
  func.func @transform_3(%arg0: i32) -> (i32, i32) {
    %c0_i32 = arith.constant 0 : i32
    %c0_i32_0 = arith.constant 0 : i32
    return %arg0, %c0_i32 : i32, i32
  }
  func.func @transform_4(%arg0: i32) -> (i32, i32) {
    %c0_i32 = arith.constant 0 : i32
    %c0_i32_0 = arith.constant 0 : i32
    %c0_i32_1 = arith.constant 0 : i32
    return %c0_i32, %c0_i32_0 : i32, i32
  }
  func.func @transform_5(%arg0: i32) -> (i32, i32) {
    %c0_i32 = arith.constant 0 : i32
    %c0_i32_0 = arith.constant 0 : i32
    return %arg0, %c0_i32 : i32, i32
  }
}

</mosaic_0001>

<sc_bundles>
// kernel: kernel.11.cloned.1.call-start
scs
__scs_entry_jumppad:
0x0: {  	(pc) =	sbr.rel $0x88, $3  }
0x1: {  	(tag) =	ssettag $0x0;
	lr =	simm.s32 $0x1  }
0x2: {  	[smem:$0x3F99] =	sst lr;
	_ =	strace $0xD0000000  }
0x3: {  	_ = 	snop  }
0x4: {  	_ = 	snop  }
0x5: {  	_ = 	snop  }
0x6: {  	_ = 	snop  }
0x7: {  	_ = 	snop  }
__scs_overlays_trampoline_lowered:
0x8: {  	[smem:$0x3FA8] =	sst s0  }
0x9: {  	[smem:$0x3FA9] =	sst s1  }
0xa: {  	[smem:$0x3FAA] =	sst s2  }
0xb: {  	[smem:$0x3FAB] =	sst s3  }
0xc: {  	[smem:$0x3FAC] =	sst s4  }
0xd: {  	[smem:$0x3FAD] =	sst s5  }
0xe: {  	[smem:$0x3FAE] =	sst s6  }
0xf: {  	[smem:$0x3FAF] =	sst s7  }
0x10: {  	[smem:$0x3FB0] =	sst s8  }
0x11: {  	[smem:$0x3FB1] =	sst s9;
	s0 =	simm.s32 @!p0 $0x0  }
0x12: {  	s1 =	sld [smem:$0x3F97];
	s0 =	simm.s32 @p0 $0x1  }
0x13: {  	[smem:$0x3FB2] =	sst s0;
	s0 =	simm.s32 @!p1 $0x0  }
0x14: {  	s2 =	sld [smem:$0x3F96];
	s0 =	simm.s32 @p1 $0x1  }
0x15: {  	[smem:$0x3FB3] =	sst s0;
	s0 =	simm.s32 @!p2 $0x0  }
0x16: {  	s3 =	sld [smem:$0x3FDB];
	s0 =	simm.s32 @p2 $0x1  }
0x17: {  	s4 =	simm.s32 $0x1BF5;
	[smem:$0x3FB5] =	sst s0  }
0x18: {  	s0 =	sld [smem:$0x3F98];
	_ =	swait.ge [sflag:s4], $0x0  }
0x19: {  	s7 =	sld [smem:$0x3F99]  }
0x1a: {  	s8 =	sadd.s32 $0xFFFFE003, lr  }
0x1b: {  	s9 =	sadd.s32 $0xFFFFFEF7, lr;
	s5 =	simm.s32 $0xFFFFFFFF;
	p2 =	slt.u32 s8, $0xFFFFF086  }
0x1c: {  	p1 =	slt.u32 s9, $0xF7A;
	s5 =	simm.s32 @!p2 $0x0  }
0x1d: {  	s5 =	simm.s32 @p1 $0x1;
	p0 =	seq.s32 s7, s2  }
0x1e: {  	s7 =	smul.u32 @!p0 $0xF7A, s2;
	p2 =	seq.s32 @!p0 s5, $0x0  }
0x1f: {  	s9 =	smul.u32 $0xF7A, s1;
	s8 =	simm.s32 @!p0 $0x1BF5;
	p2 =	por !p2, p0  }
0x20: {  	[sflag:s8] =	ssyncset.s32 @!p0 $0xFFFFF086;
	s6 =	sadd.s32 @!p0 s3, s7;
	s7 =	simm.s32 @!p0 $0x108  }
0x21: {  	s3 =	sadd.s32 s3, s9;
	s6 =	sadd.s32 @!p0 $0x88, s6;
	s7 =	simm.s32 @p2 $0x1082  }
0x22: {  	[simem:s7], [sflag:s8] =	dma.local @!p0 [hbm:s6], $0xF7A  }
0x23: {  	s9 =	sor.u32 $0xD0000000, s2;
	s6 =	simm.s32 $0x108;
	_ =	swait.ge @!p0 [sflag:s8], $0x0  }
0x24: {  	s3 =	sadd.s32 $0x88, s3;
	s6 =	simm.s32 @!p1 $0x1082;
	[sflag:s4] =	ssyncset.s32 $0xFFFFF086  }
0x25: {  	[simem:s6], [sflag:s4] =	dma.local [hbm:s3], $0xF7A  }
0x26: {  	[smem:$0x3F99] =	sst s1;
	(tag) =	ssettag s2;
	_ =	strace s9  }
0x27: {  	s1 =	sld [smem:$0x3FA9]  }
0x28: {  	s2 =	sld [smem:$0x3FAA]  }
0x29: {  	s4 =	sld [smem:$0x3FAC]  }
0x2a: {  	p0 =	seq.s32 s5, $0x0;
	s5 =	sld [smem:$0x3FAD]  }
0x2b: {  	s6 =	sld [smem:$0x3FAE]  }
0x2c: {  	s7 =	sld [smem:$0x3FAF]  }
0x2d: {  	s3 =	simm.s32 $0x108;
	s8 =	sld [smem:$0x3FB0]  }
0x2e: {  	s3 =	simm.s32 @!p0 $0x1082;
	s9 =	sld [smem:$0x3FB1]  }
0x2f: {  	lr =	sadd.s32 s0, s3;
	s0 =	sld [smem:$0x3FA8]  }
0x30: {  	s3 =	sld [smem:$0x3FAB]  }
0x31: {  	[smem:$0x3FB4] =	sst s10  }
0x32: {  	s10 =	sld [smem:$0x3FB2];
	_ =	sdelay $0x3  }
0x33: {  	p0 =	seq.s32 s10, $0x1;
	s10 =	sld [smem:$0x3FB4];
	_ =	sdelay $0x3  }
0x34: {  	[smem:$0x3FB4] =	sst s10  }
0x35: {  	s10 =	sld [smem:$0x3FB3];
	_ =	sdelay $0x3  }
0x36: {  	p1 =	seq.s32 s10, $0x1;
	s10 =	sld [smem:$0x3FB4];
	_ =	sdelay $0x3  }
0x37: {  	[smem:$0x3FB4] =	sst s10  }
0x38: {  	s10 =	sld [smem:$0x3FB5]  }
0x39: {  	_ = 	snop;
	(pc) =	sbr.ind lr, $3  }
0x3a: {  	_ = 	snop  }
0x3b: {  	_ = 	snop  }
0x3c: {  	p2 =	seq.s32 s10, $0x1;
	s10 =	sld [smem:$0x3FB4]  }
0x3d: {  	_ =	shalt  }
0x3e: {  	_ =	shalt  }
0x3f: {  	_ =	shalt  }
0x40: {  	_ =	shalt  }
0x41: {  	_ =	shalt  }
0x42: {  	_ =	shalt  }
0x43: {  	_ =	shalt  }
0x44: {  	_ =	shalt  }
0x45: {  	_ =	shalt  }
0x46: {  	_ =	shalt  }
0x47: {  	_ =	shalt  }
0x48: {  	_ =	shalt  }
0x49: {  	_ =	shalt  }
0x4a: {  	_ =	shalt  }
0x4b: {  	_ =	shalt  }
0x4c: {  	_ =	shalt  }
0x4d: {  	_ =	shalt  }
0x4e: {  	_ =	shalt  }
0x4f: {  	_ =	shalt  }
0x50: {  	_ =	shalt  }
0x51: {  	_ =	shalt  }
0x52: {  	_ =	shalt  }
0x53: {  	_ =	shalt  }
0x54: {  	_ =	shalt  }
0x55: {  	_ =	shalt  }
0x56: {  	_ =	shalt  }
0x57: {  	_ =	shalt  }
0x58: {  	_ =	shalt  }
0x59: {  	_ =	shalt  }
0x5a: {  	_ =	shalt  }
0x5b: {  	_ =	shalt  }
0x5c: {  	_ =	shalt  }
0x5d: {  	_ =	shalt  }
0x5e: {  	_ =	shalt  }
0x5f: {  	_ =	shalt  }
0x60: {  	_ =	shalt  }
0x61: {  	_ =	shalt  }
0x62: {  	_ =	shalt  }
0x63: {  	_ =	shalt  }
0x64: {  	_ =	shalt  }
0x65: {  	_ =	shalt  }
0x66: {  	_ =	shalt  }
0x67: {  	_ =	shalt  }
0x68: {  	_ =	shalt  }
0x69: {  	_ =	shalt  }
0x6a: {  	_ =	shalt  }
0x6b: {  	_ =	shalt  }
0x6c: {  	_ =	shalt  }
0x6d: {  	_ =	shalt  }
0x6e: {  	_ =	shalt  }
0x6f: {  	_ =	shalt  }
0x70: {  	_ =	shalt  }
0x71: {  	_ =	shalt  }
0x72: {  	_ =	shalt  }
0x73: {  	_ =	shalt  }
0x74: {  	_ =	shalt  }
0x75: {  	_ =	shalt  }
0x76: {  	_ =	shalt  }
0x77: {  	_ =	shalt  }
0x78: {  	_ =	shalt  }
0x79: {  	_ =	shalt  }
0x7a: {  	_ =	shalt  }
0x7b: {  	_ =	shalt  }
0x7c: {  	_ =	shalt  }
0x7d: {  	_ =	shalt  }
0x7e: {  	_ =	shalt  }
0x7f: {  	_ =	shalt  }
0x80: {  	_ =	shalt  }
0x81: {  	_ =	shalt  }
0x82: {  	_ =	shalt  }
0x83: {  	_ =	shalt  }
0x84: {  	_ =	shalt  }
0x85: {  	_ =	shalt  }
0x86: {  	_ =	shalt  }
0x87: {  	_ =	shalt  }
.Lfunc_end0:
.L_simem_size_0:
called_computation_lowered:
.L_overlay_start_0:
0x88: {  	s2 =	sld [smem:$0x3FD9]  }
0x89: {  	s3 =	sld [smem:$0x3FFE];
	_ =	sdelay $0x1  }
0x8a: {  	s1 =	srdreg.scid  }
0x8b: {  	s0 =	sand.u32 $0x1, s1  }
0x8c: {  	s17 =	sshll.u32 s0, $0xA;
	s2 =	sadd.s32 s3, s2  }
0x8d: {  	s2 =	sadd.s32 s2, s17  }
0x8e: {  	[smem:$0x3FC0] =	sst s2  }
0x8f: {  	_ = 	snop  }
0x90: {  	s2 =	sld [smem:$0x3FD0];
	(tm) =	ssettm $0x1  }
0x91: {  	s18 =	sld [smem:$0x3FFB];
	_ =	sdelay $0x3  }
0x92: {  	_ =	strace s18  }
0x93: {  	s3 =	sld [smem:$0x3FFC];
	_ =	sdelay $0x3  }
0x94: {  	_ =	strace s3  }
0x95: {  	s3 =	sld [smem:$0x3FFD];
	_ =	sdelay $0x3  }
0x96: {  	_ =	strace s3  }
0x97: {  	_ =	strace $0x8FFFFFFF  }
0x98: {  	s19 =	sld [smem:$0x3FDB];
	_ =	sdelay $0x1  }
0x99: {  	s4 =	simm.s32 $_scs_section_size  }
0x9a: {  	s5 =	simm.s32 $_size__tile_overlayer_lowered;
	s6 =	simm.s32 $_tile_overlayer_lowered  }
0x9b: {  	s22 =	simm.s32 $0x1BFF;
	s21 =	sshll.u32 s6, $0x1;
	s3 =	sadd.s32 s4, s19  }
0x9c: {  	s7 =	simm.s32 $0x0;
	s20 =	sshll.u32 s5, $0x1;
	s5 =	sadd.s32 s21, s3  }
0x9d: {  	[timem:s7], [sflag:s22] =	dma.local [hbm:s5], s20  }
0x9e: {  	_ =	swait.ge [sflag:s22], s20  }
0x9f: {  	s4 =	ssub.s32 $0x0, s20;
	[sflag:s22] =	ssyncset.done $0x0  }
0xa0: {  	[sflag:s22] =	ssyncadd.s32 s4;
	_ =	sdelay $0x1  }
0xa1: {  	s23 =	simm.s32 $0x1B8B  }
0xa2: {  	_ =	swait.ge [sflag:s23], $0x1  }
0xa3: {  	[sflag:s23] =	ssyncset.done $0x0  }
0xa4: {  	s25 =	simm.s32 $0x1B8E;
	s24 =	sld [smem:$0x3FFE];
	[sflag:s23] =	ssyncadd.s32 $0xFFFFFFFF  }
0xa5: {  	s26 =	simm.s32 $execute0_lowered;
	[smem:$0x3FD2] =	sst s25  }
0xa6: {  	s5 =	sshll.u32 s26, $0x1;
	_ =	strace $0x80000046;
	[dreg:$0x1] =	wrdreg $0xFFFFFFFF  }
0xa7: {  	s28 =	simm.s32 $_size_execute0_lowered;
	s3 =	sadd.s32 s3, s5;
	[dreg:$0x0] =	wrdreg $0x0  }
0xa8: {  	s5 =	sshll.u32 s28, $0x1;
	[dreg:$0x2] =	wrdreg s3  }
0xa9: {  	[dreg:$0x3] =	wrdreg s5  }
0xaa: {  	[dreg:$0x4] =	wrdreg $0xC0  }
0xab: {  	_ =	task [dreg:s7], $0x5FFFF  }
0xac: {  	[dreg:$0x1] =	wrdreg $0xFFFFFFFF  }
0xad: {  	[dreg:$0x0] =	wrdreg $0x60  }
0xae: {  	[dreg:$0x2] =	wrdreg s24  }
0xaf: {  	[dreg:$0x3] =	wrdreg s2  }
0xb0: {  	[dreg:$0x4] =	wrdreg $0x2C000  }
0xb1: {  	[dreg:$0x5] =	wrdreg $0x9  }
0xb2: {  	_ =	task.clear_ibuf [dreg:s7], $0x6FFFF;
	_ =	strace $0x90000046  }
0xb3: {  	s29 =	simm.s32 $0x9;
	_ =	strace $0x80000048  }
0xb4: {  	_ =	swait.ge [sflag:s29], $0x1  }
0xb5: {  	[sflag:s29] =	ssyncadd.s32 $0xFFFFFFFF  }
0xb6: {  	_ =	strace $0x90000048  }
0xb7: {  	_ =	sfence  }
0xb8: {  	s30 =	sld [smem:$0x0];
	_ =	sdelay $0x2  }
0xb9: {  	s31 =	sshll.u32 s1, $0xD;
	s1 =	sshrl.u32 s1, $0x2  }
0xba: {  	s3 =	sand.u32 $0x4000, s31;
	s1 =	sadd.s32 s1, s30  }
0xbb: {  	s0 =	sor.u32 s3, s0;
	s1 =	sshll.u32 s1, $0x11  }
0xbc: {  	s0 =	sor.u32 s1, s0  }
0xbd: {  	s0 =	sadd.s32 $0x8F2B, s0  }
0xbe: {  	[sflag:s0] =	ssyncadd.remote.s32 $0x1  }
0xbf: {  	_ =	sfence.sel $0xFFFF  }
0xc0: {  	[dreg:$0x0] =	wrdreg $0xFFFFFFFF;
	(pc) =	sbr.abs _section_cstart, $3  }
0xc1: {  	[dreg:$0x1] =	wrdreg $0xFFFFFFFF  }
0xc2: {  	_ =	task.clear_ibuf [dreg:s7], $0x2FFFF;
	_ =	strace $0x9FFFFFFF  }
0xc3: {  	(tm) =	ssettm $0x7FFFFFFF  }
tec
execute0_lowered:
.L_overlay_start_1:
0x0: {  	(tag) =	ssettag $0x1  }
0x1: {  	s6 =	rddreg [dreg:$0x0]  }
0x2: {  	s0 =	srdreg.scid;
	s2 =	rddreg [dreg:$0x1]  }
0x3: {  	s3 =	rddreg [dreg:$0x2];
	s1 =	stileid.u32  }
0x4: {  	s4 =	simm.s32 $0x0;
	s7 =	sand.u32 $0x1, s0;
	s0 =	rddreg [dreg:$0x3]  }
0x5: {  	s12 =	simm.s32 $0x80;
	s13 =	simm.s32 $0x1;
	[smem:$0x7FF] =	sst s4  }
0x6: {  	s10 =	smul.u32 $0x1400, s1;
	s31 =	sshll.u32 s1, $0x6;
	s5 =	sshll.u32 s7, $0x4  }
0x7: {  	_ =	strace $0x80000047;
	s9 =	smul.u32 $0x2800, s7;
	s7 =	ssub.s32 $0x2, s7  }
0x8: {  	s5 =	sor.u32 s1, s5;
	s30 =	sshrl.u32 s7, $0x1;
	s11 =	sadd.s32 s10, s3  }
0x9: {  	s15 =	sshrl.u32 s10, $0x3;
	s8 =	smul.u32 $0x500, s5;
	s5 =	sadd.s32 $0xC000, s6  }
0xa: {  	s9 =	sadd.s32 s9, s6;
	s7 =	ssub.s32 s7, s30;
	s10 =	sshrl.u32 s11, $0x3  }
0xb: {  	s11 =	simm.s32 $0x2800;
	s14 =	sadd.s32 $0xC200, s9;
	s7 =	smax.u32 s7, $0x1  }
0xc: {  	s9 =	sor.u32 $0x1C02, s31;
	s8 =	sadd.s32 s8, s6;
	s14 =	sadd.s32 s15, s14  }
0xd: {  	s15 =	simm.s32 $0x0;
	s6 =	sadd.s32 $0x2000, s8;
	s8 =	simm.s32 $0x2  }
.LBB2_1:
0xe: {  	[tilespmem:s4], [sflag:$0x2] =	stream.linear.gather [hbm4b:s6+s4], $0x2800, $0x38;
	[tilespmem:$0x4000] =	vst v63  }
0xf: {  	_ =	swait.ge [sflag:s8], $0x2800  }
0x10: {  	[sflag:s8] =	ssyncset.done $0x0  }
0x11: {  	[sflag:s8] =	ssyncadd.s32 $0xFFFFD800  }
0x12: {  	[spmem:s10], [sflag:s9] =	dma.local [hbm:s2], $0x280  }
0x13: {  	_ =	swait.ge [sflag:s8], $0x280  }
0x14: {  	[sflag:s8] =	ssyncset.done $0x0  }
0x15: {  	[sflag:s8] =	ssyncadd.s32 $0xFFFFFD80  }
0x16: {  	[tilespmem:s11], [sflag:$0x2] =	stream.linear.gather [hbm4b:s5+s4], $0x400, $0x38;
	[tilespmem:$0x4000] =	vst v63  }
0x17: {  	_ =	swait.ge [sflag:s8], $0x400  }
0x18: {  	[sflag:s8] =	ssyncset.done $0x0  }
0x19: {  	[sflag:s8] =	ssyncadd.s32 $0xFFFFFC00  }
0x1a: {  	s16 =	simm.s32 $0x0;
	[bflag:$0x0] =	sbarrier.arrive $0xFFFF  }
.LBB2_2:
0x1b: {  	p0 =	sne.s32 s16, $0x9E00  }
.Ltmp0:
0x1c: {  	_ = 	snop;
	(pc) =	sbr.rel @p0 .LBB2_2-.Ltmp0, $3  }
0x1d: {  	_ =	sdelay $0x1  }
0x1e: {  	s17 =	sshra.s32 s16, $0x2;
	s16 =	sadd.s32 $0x200, s16  }
0x1f: {  	[spmem:s3] =	stream.indirect.scatter.add.f32 [tilespmem:s11], [sflag:$0x1], $0x8, s17, s12, $0xb8;
	[tilespmem:$0x4000] =	vst v63  }
0x20: {  	_ =	swait.ge [sflag:s13], $0x400  }
0x21: {  	s16 =	simm.s32 $0x4F;
	[sflag:s13] =	ssyncset.done $0x0  }
.LBB2_4:
0x22: {  	p0 =	sne.s32 s16, $0x1;
	s16 =	sadd.s32 $0xFFFFFFFF, s16;
	[sflag:s13] =	ssyncadd.s32 $0xFFFFFC00  }
.Ltmp1:
0x23: {  	(pc) =	sbr.rel @p0 .LBB2_4-.Ltmp1, $3  }
0x24: {  	_ =	sdelay $0x1  }
0x25: {  	_ =	swait.ge [sflag:s13], $0x400  }
0x26: {  	[sflag:s13] =	ssyncset.done $0x0  }
0x27: {  	s15 =	sadd.s32 $0x1, s15  }
0x28: {  	[sflag:s13] =	ssyncadd.s32 $0xFFFFFC00;
	p0 =	sne.s32 s15, s7  }
.Ltmp2:
0x29: {  	[bflag:$0x0] =	sbarrier.arrive $0xFFFF;
	(pc) =	sbr.rel @p0 .LBB2_1-.Ltmp2, $4  }
0x2a: {  	[hbm:s14], [sflag:s9] =	dma.local [spmem:s10], $0x280  }
0x2b: {  	_ =	swait.ge [sflag:s8], $0x280  }
0x2c: {  	[sflag:s8] =	ssyncset.done $0x0  }
0x2d: {  	[sflag:s8] =	ssyncadd.s32 $0xFFFFFD80  }
0x2e: {  	_ =	sfence.sel $0x180000  }
0x2f: {  	[bflag:$0x0] =	sbarrier.arrive $0xFFFF  }
0x30: {  	p0 =	sne.s32 s1, $0x0;
	_ =	strace $0x90000047  }
0x31: {  	s0 =	sadd.s32 @!p0 $0x100000, s0;
	[bflag:$0x2] =	sbarrier.arrive $0xFFFF  }
0x32: {  	[sflag:s0] =	ssyncadd.tile.s32 @!p0 $0x1;
	_ =	shalt  }
.Lfunc_end2:
_tile_overlayer_lowered:
.L_overlay_start_2:
0x33: {  	(tag) =	ssettag $0x2  }
0x34: {  	s0 =	rddreg [dreg:$0x0];
	s2 =	stileid.u32  }
0x35: {  	s1 =	rddreg [dreg:$0x1];
	p0 =	sne.s32 s2, $0x0  }
0x36: {  	s3 =	rddreg [dreg:$0x2];
	[bflag:$0x3] =	sbarrier.arrive $0xFFFF;
	s2 =	simm.s32 @!p0 $0x1C02  }
0x37: {  	[timem:s3], [sflag:s2] =	dma.local @!p0 [hbm:s0], s1  }
0x38: {  	s0 =	simm.s32 @!p0 $0x2  }
0x39: {  	_ =	swait.ge @!p0 [sflag:s0], s1  }
0x3a: {  	s1 =	ssub.s32 @!p0 $0x0, s1;
	[sflag:s0] =	ssyncset.done @!p0 $0x0  }
0x3b: {  	[sflag:s0] =	ssyncadd.s32 @!p0 s1  }
0x3c: {  	[bflag:$0x3] =	sbarrier.arrive $0xFFFF  }
0x3d: {  	_ =	shalt  }

// kernel: kernel.14.cloned.1.call-start
scs
__scs_entry_jumppad:
0x0: {  	(pc) =	sbr.rel $0x88, $3  }
0x1: {  	(tag) =	ssettag $0x0;
	lr =	simm.s32 $0x1  }
0x2: {  	[smem:$0x3F99] =	sst lr;
	_ =	strace $0xD0000000  }
0x3: {  	_ = 	snop  }
0x4: {  	_ = 	snop  }
0x5: {  	_ = 	snop  }
0x6: {  	_ = 	snop  }
0x7: {  	_ = 	snop  }
__scs_overlays_trampoline_lowered:
0x8: {  	[smem:$0x3FA8] =	sst s0  }
0x9: {  	[smem:$0x3FA9] =	sst s1  }
0xa: {  	[smem:$0x3FAA] =	sst s2  }
0xb: {  	[smem:$0x3FAB] =	sst s3  }
0xc: {  	[smem:$0x3FAC] =	sst s4  }
0xd: {  	[smem:$0x3FAD] =	sst s5  }
0xe: {  	[smem:$0x3FAE] =	sst s6  }
0xf: {  	[smem:$0x3FAF] =	sst s7  }
0x10: {  	[smem:$0x3FB0] =	sst s8  }
0x11: {  	[smem:$0x3FB1] =	sst s9;
	s0 =	simm.s32 @!p0 $0x0  }
0x12: {  	s1 =	sld [smem:$0x3F97];
	s0 =	simm.s32 @p0 $0x1  }
0x13: {  	[smem:$0x3FB2] =	sst s0;
	s0 =	simm.s32 @!p1 $0x0  }
0x14: {  	s2 =	sld [smem:$0x3F96];
	s0 =	simm.s32 @p1 $0x1  }
0x15: {  	[smem:$0x3FB3] =	sst s0;
	s0 =	simm.s32 @!p2 $0x0  }
0x16: {  	s3 =	sld [smem:$0x3FDB];
	s0 =	simm.s32 @p2 $0x1  }
0x17: {  	s4 =	simm.s32 $0x1BF5;
	[smem:$0x3FB5] =	sst s0  }
0x18: {  	s0 =	sld [smem:$0x3F98];
	_ =	swait.ge [sflag:s4], $0x0  }
0x19: {  	s7 =	sld [smem:$0x3F99]  }
0x1a: {  	s8 =	sadd.s32 $0xFFFFE003, lr  }
0x1b: {  	s9 =	sadd.s32 $0xFFFFFEF7, lr;
	s5 =	simm.s32 $0xFFFFFFFF;
	p2 =	slt.u32 s8, $0xFFFFF086  }
0x1c: {  	p1 =	slt.u32 s9, $0xF7A;
	s5 =	simm.s32 @!p2 $0x0  }
0x1d: {  	s5 =	simm.s32 @p1 $0x1;
	p0 =	seq.s32 s7, s2  }
0x1e: {  	s7 =	smul.u32 @!p0 $0xF7A, s2;
	p2 =	seq.s32 @!p0 s5, $0x0  }
0x1f: {  	s9 =	smul.u32 $0xF7A, s1;
	s8 =	simm.s32 @!p0 $0x1BF5;
	p2 =	por !p2, p0  }
0x20: {  	[sflag:s8] =	ssyncset.s32 @!p0 $0xFFFFF086;
	s6 =	sadd.s32 @!p0 s3, s7;
	s7 =	simm.s32 @!p0 $0x108  }
0x21: {  	s3 =	sadd.s32 s3, s9;
	s6 =	sadd.s32 @!p0 $0x88, s6;
	s7 =	simm.s32 @p2 $0x1082  }
0x22: {  	[simem:s7], [sflag:s8] =	dma.local @!p0 [hbm:s6], $0xF7A  }
0x23: {  	s9 =	sor.u32 $0xD0000000, s2;
	s6 =	simm.s32 $0x108;
	_ =	swait.ge @!p0 [sflag:s8], $0x0  }
0x24: {  	s3 =	sadd.s32 $0x88, s3;
	s6 =	simm.s32 @!p1 $0x1082;
	[sflag:s4] =	ssyncset.s32 $0xFFFFF086  }
0x25: {  	[simem:s6], [sflag:s4] =	dma.local [hbm:s3], $0xF7A  }
0x26: {  	[smem:$0x3F99] =	sst s1;
	(tag) =	ssettag s2;
	_ =	strace s9  }
0x27: {  	s1 =	sld [smem:$0x3FA9]  }
0x28: {  	s2 =	sld [smem:$0x3FAA]  }
0x29: {  	s4 =	sld [smem:$0x3FAC]  }
0x2a: {  	p0 =	seq.s32 s5, $0x0;
	s5 =	sld [smem:$0x3FAD]  }
0x2b: {  	s6 =	sld [smem:$0x3FAE]  }
0x2c: {  	s7 =	sld [smem:$0x3FAF]  }
0x2d: {  	s3 =	simm.s32 $0x108;
	s8 =	sld [smem:$0x3FB0]  }
0x2e: {  	s3 =	simm.s32 @!p0 $0x1082;
	s9 =	sld [smem:$0x3FB1]  }
0x2f: {  	lr =	sadd.s32 s0, s3;
	s0 =	sld [smem:$0x3FA8]  }
0x30: {  	s3 =	sld [smem:$0x3FAB]  }
0x31: {  	[smem:$0x3FB4] =	sst s10  }
0x32: {  	s10 =	sld [smem:$0x3FB2];
	_ =	sdelay $0x3  }
0x33: {  	p0 =	seq.s32 s10, $0x1;
	s10 =	sld [smem:$0x3FB4];
	_ =	sdelay $0x3  }
0x34: {  	[smem:$0x3FB4] =	sst s10  }
0x35: {  	s10 =	sld [smem:$0x3FB3];
	_ =	sdelay $0x3  }
0x36: {  	p1 =	seq.s32 s10, $0x1;
	s10 =	sld [smem:$0x3FB4];
	_ =	sdelay $0x3  }
0x37: {  	[smem:$0x3FB4] =	sst s10  }
0x38: {  	s10 =	sld [smem:$0x3FB5]  }
0x39: {  	_ = 	snop;
	(pc) =	sbr.ind lr, $3  }
0x3a: {  	_ = 	snop  }
0x3b: {  	_ = 	snop  }
0x3c: {  	p2 =	seq.s32 s10, $0x1;
	s10 =	sld [smem:$0x3FB4]  }
0x3d: {  	_ =	shalt  }
0x3e: {  	_ =	shalt  }
0x3f: {  	_ =	shalt  }
0x40: {  	_ =	shalt  }
0x41: {  	_ =	shalt  }
0x42: {  	_ =	shalt  }
0x43: {  	_ =	shalt  }
0x44: {  	_ =	shalt  }
0x45: {  	_ =	shalt  }
0x46: {  	_ =	shalt  }
0x47: {  	_ =	shalt  }
0x48: {  	_ =	shalt  }
0x49: {  	_ =	shalt  }
0x4a: {  	_ =	shalt  }
0x4b: {  	_ =	shalt  }
0x4c: {  	_ =	shalt  }
0x4d: {  	_ =	shalt  }
0x4e: {  	_ =	shalt  }
0x4f: {  	_ =	shalt  }
0x50: {  	_ =	shalt  }
0x51: {  	_ =	shalt  }
0x52: {  	_ =	shalt  }
0x53: {  	_ =	shalt  }
0x54: {  	_ =	shalt  }
0x55: {  	_ =	shalt  }
0x56: {  	_ =	shalt  }
0x57: {  	_ =	shalt  }
0x58: {  	_ =	shalt  }
0x59: {  	_ =	shalt  }
0x5a: {  	_ =	shalt  }
0x5b: {  	_ =	shalt  }
0x5c: {  	_ =	shalt  }
0x5d: {  	_ =	shalt  }
0x5e: {  	_ =	shalt  }
0x5f: {  	_ =	shalt  }
0x60: {  	_ =	shalt  }
0x61: {  	_ =	shalt  }
0x62: {  	_ =	shalt  }
0x63: {  	_ =	shalt  }
0x64: {  	_ =	shalt  }
0x65: {  	_ =	shalt  }
0x66: {  	_ =	shalt  }
0x67: {  	_ =	shalt  }
0x68: {  	_ =	shalt  }
0x69: {  	_ =	shalt  }
0x6a: {  	_ =	shalt  }
0x6b: {  	_ =	shalt  }
0x6c: {  	_ =	shalt  }
0x6d: {  	_ =	shalt  }
0x6e: {  	_ =	shalt  }
0x6f: {  	_ =	shalt  }
0x70: {  	_ =	shalt  }
0x71: {  	_ =	shalt  }
0x72: {  	_ =	shalt  }
0x73: {  	_ =	shalt  }
0x74: {  	_ =	shalt  }
0x75: {  	_ =	shalt  }
0x76: {  	_ =	shalt  }
0x77: {  	_ =	shalt  }
0x78: {  	_ =	shalt  }
0x79: {  	_ =	shalt  }
0x7a: {  	_ =	shalt  }
0x7b: {  	_ =	shalt  }
0x7c: {  	_ =	shalt  }
0x7d: {  	_ =	shalt  }
0x7e: {  	_ =	shalt  }
0x7f: {  	_ =	shalt  }
0x80: {  	_ =	shalt  }
0x81: {  	_ =	shalt  }
0x82: {  	_ =	shalt  }
0x83: {  	_ =	shalt  }
0x84: {  	_ =	shalt  }
0x85: {  	_ =	shalt  }
0x86: {  	_ =	shalt  }
0x87: {  	_ =	shalt  }
.Lfunc_end0:
.L_simem_size_0:
called_computation.1_lowered:
.L_overlay_start_0:
0x88: {  	s2 =	sld [smem:$0x3FD9]  }
0x89: {  	s3 =	sld [smem:$0x3FFE];
	_ =	sdelay $0x1  }
0x8a: {  	s1 =	srdreg.scid  }
0x8b: {  	s0 =	sand.u32 $0x1, s1  }
0x8c: {  	s16 =	sshll.u32 s0, $0xA;
	s2 =	sadd.s32 s3, s2  }
0x8d: {  	s2 =	sadd.s32 s2, s16  }
0x8e: {  	[smem:$0x3FC0] =	sst s2  }
0x8f: {  	_ = 	snop  }
0x90: {  	(tm) =	ssettm $0x1  }
0x91: {  	s17 =	sld [smem:$0x3FFB];
	_ =	sdelay $0x3  }
0x92: {  	_ =	strace s17  }
0x93: {  	s2 =	sld [smem:$0x3FFC];
	_ =	sdelay $0x3  }
0x94: {  	_ =	strace s2  }
0x95: {  	s2 =	sld [smem:$0x3FFD];
	_ =	sdelay $0x3  }
0x96: {  	_ =	strace s2  }
0x97: {  	_ =	strace $0x8FFFFFFF  }
0x98: {  	s18 =	sld [smem:$0x3FDB];
	_ =	sdelay $0x1  }
0x99: {  	s19 =	simm.s32 $_scs_section_size  }
0x9a: {  	s4 =	simm.s32 $_size__tile_overlayer_lowered;
	s5 =	simm.s32 $_tile_overlayer_lowered  }
0x9b: {  	s22 =	simm.s32 $0x1BFF;
	s21 =	sshll.u32 s5, $0x1;
	s2 =	sadd.s32 s19, s18  }
0x9c: {  	s6 =	simm.s32 $0x0;
	s20 =	sshll.u32 s4, $0x1;
	s4 =	sadd.s32 s21, s2  }
0x9d: {  	[timem:s6], [sflag:s22] =	dma.local [hbm:s4], s20  }
0x9e: {  	_ =	swait.ge [sflag:s22], s20  }
0x9f: {  	s3 =	ssub.s32 $0x0, s20;
	[sflag:s22] =	ssyncset.done $0x0  }
0xa0: {  	[sflag:s22] =	ssyncadd.s32 s3;
	_ =	sdelay $0x1  }
0xa1: {  	s23 =	simm.s32 $0x1B8B  }
0xa2: {  	_ =	swait.ge [sflag:s23], $0x1  }
0xa3: {  	[sflag:s23] =	ssyncset.done $0x0  }
0xa4: {  	s25 =	simm.s32 $0x1B8E;
	s24 =	sld [smem:$0x3FFE];
	[sflag:s23] =	ssyncadd.s32 $0xFFFFFFFF  }
0xa5: {  	s26 =	simm.s32 $execute0_lowered;
	[smem:$0x3FD2] =	sst s25  }
0xa6: {  	s4 =	sshll.u32 s26, $0x1;
	_ =	strace $0x80000049;
	[dreg:$0x1] =	wrdreg $0xFFFFFFFF  }
0xa7: {  	s28 =	simm.s32 $_size_execute0_lowered;
	s2 =	sadd.s32 s2, s4;
	[dreg:$0x0] =	wrdreg $0x0  }
0xa8: {  	s4 =	sshll.u32 s28, $0x1;
	[dreg:$0x2] =	wrdreg s2  }
0xa9: {  	[dreg:$0x3] =	wrdreg s4  }
0xaa: {  	[dreg:$0x4] =	wrdreg $0xC0  }
0xab: {  	_ =	task [dreg:s6], $0x5FFFF  }
0xac: {  	[dreg:$0x1] =	wrdreg $0xFFFFFFFF  }
0xad: {  	[dreg:$0x0] =	wrdreg $0x60  }
0xae: {  	[dreg:$0x2] =	wrdreg s24  }
0xaf: {  	[dreg:$0x3] =	wrdreg $0x82000  }
0xb0: {  	[dreg:$0x4] =	wrdreg $0x9  }
0xb1: {  	_ =	task.clear_ibuf [dreg:s6], $0x5FFFF;
	_ =	strace $0x90000049  }
0xb2: {  	s29 =	simm.s32 $0x9;
	_ =	strace $0x8000004B  }
0xb3: {  	_ =	swait.ge [sflag:s29], $0x1  }
0xb4: {  	[sflag:s29] =	ssyncadd.s32 $0xFFFFFFFF  }
0xb5: {  	_ =	strace $0x9000004B  }
0xb6: {  	_ =	sfence  }
0xb7: {  	s30 =	sld [smem:$0x0];
	_ =	sdelay $0x2  }
0xb8: {  	s31 =	sshll.u32 s1, $0xD;
	s1 =	sshrl.u32 s1, $0x2  }
0xb9: {  	s3 =	sand.u32 $0x4000, s31;
	s1 =	sadd.s32 s1, s30  }
0xba: {  	s0 =	sor.u32 s3, s0;
	s1 =	sshll.u32 s1, $0x11  }
0xbb: {  	s0 =	sor.u32 s1, s0  }
0xbc: {  	s0 =	sadd.s32 $0x8F2B, s0  }
0xbd: {  	[sflag:s0] =	ssyncadd.remote.s32 $0x1  }
0xbe: {  	_ =	sfence.sel $0xFFFF  }
0xbf: {  	[dreg:$0x0] =	wrdreg $0xFFFFFFFF;
	(pc) =	sbr.abs _section_cstart, $3  }
0xc0: {  	[dreg:$0x1] =	wrdreg $0xFFFFFFFF  }
0xc1: {  	_ =	task.clear_ibuf [dreg:s6], $0x2FFFF;
	_ =	strace $0x9FFFFFFF  }
0xc2: {  	(tm) =	ssettm $0x7FFFFFFF  }
0xc3: {  	_ =	shalt  }
tec
execute0_lowered:
.L_overlay_start_1:
0x0: {  	(tag) =	ssettag $0x1  }
0x1: {  	s6 =	rddreg [dreg:$0x0]  }
0x2: {  	s1 =	rddreg [dreg:$0x1];
	s2 =	simm.s32 $0x0  }
0x3: {  	s3 =	srdreg.scid;
	s28 =	simm.s32 $0x4;
	s29 =	simm.s32 $0x0  }
0x4: {  	[smem:$0x7FF] =	sst s2;
	s4 =	sadd.s32 $0x1B200, s6;
	s15 =	sadd.s32 $0x11200, s6  }
0x5: {  	s5 =	sand.u32 $0x1, s3;
	s3 =	stileid.u32;
	s14 =	sadd.s32 $0x2000, s6  }
0x6: {  	_ =	strace $0x8000004A;
	s11 =	smul.u32 $0x28000, s5;
	s7 =	sshll.u32 s5, $0x4  }
0x7: {  	s8 =	ssub.s32 $0x2, s5;
	s12 =	smul.u32 $0x14000, s3;
	s5 =	sadd.s32 $0xC000, s6  }
0x8: {  	s21 =	sshll.u32 s3, $0x6;
	s18 =	smul.u32 $0x2800, s3;
	s19 =	sor.u32 s3, s7  }
0x9: {  	s20 =	sshrl.u32 s8, $0x1;
	s9 =	smul.u32 $0x2800, s19;
	s13 =	sadd.s32 s11, s6  }
0xa: {  	s16 =	ssub.s32 s8, s20;
	s17 =	sadd.s32 s12, s1;
	s8 =	sor.u32 $0x1C05, s21  }
0xb: {  	s25 =	sshrl.u32 s12, $0x3;
	s23 =	sadd.s32 s18, s11;
	s19 =	simm.s32 $0x200  }
0xc: {  	s20 =	simm.s32 $0x1;
	s21 =	simm.s32 $0x100;
	s24 =	sadd.s32 $0x42400, s13  }
0xd: {  	s11 =	smax.u32 s16, $0x1;
	s26 =	sor.u32 $0x180, s23;
	s30 =	sor.u32 $0x80, s23  }
0xe: {  	s18 =	sor.u32 $0x100, s23;
	s23 =	simm.s32 $0x3;
	s22 =	sshrl.u32 s9, $0x3  }
0xf: {  	s13 =	sshrl.u32 s26, $0x3;
	s16 =	sshrl.u32 s30, $0x3;
	s31 =	sshrl.u32 s18, $0x3  }
0x10: {  	s18 =	simm.s32 $0x80;
	s24 =	sadd.s32 s25, s24;
	s25 =	simm.s32 $0x180  }
0x11: {  	s26 =	simm.s32 $0x2;
	s6 =	sadd.s32 s15, s22;
	s7 =	sadd.s32 s14, s22  }
0x12: {  	s12 =	sadd.s32 s13, s15;
	s13 =	sadd.s32 s16, s14;
	s14 =	sadd.s32 s31, s14  }
0x13: {  	s15 =	sadd.s32 s31, s15;
	s16 =	sshrl.u32 s17, $0x3;
	s17 =	simm.s32 $0x5  }
0x14: {  	s22 =	simm.s32 $0x4200;
	s9 =	sadd.s32 $0x10, s6;
	s10 =	sadd.s32 $0x4F0, s7  }
.LBB2_1:
0x15: {  	[spmem:s16], [sflag:s8] =	dma.local [hbm:s5], $0x2800  }
0x16: {  	_ =	swait.ge [sflag:s17], $0x2800  }
0x17: {  	[sflag:s17] =	ssyncset.done $0x0  }
0x18: {  	[sflag:s17] =	ssyncadd.s32 $0xFFFFD800  }
0x19: {  	[bflag:$0x0] =	sbarrier.arrive $0xFFFF  }
0x1a: {  	[tilespmem:s2], [sflag:$0x5] =	stream.linear.gather [hbm4b:s6+s2], $0x80, $0x38;
	[tilespmem:$0x1C200] =	vst v63  }
0x1b: {  	_ =	swait.ge [sflag:s17], $0x80  }
0x1c: {  	[sflag:s17] =	ssyncset.done $0x0  }
0x1d: {  	[sflag:s17] =	ssyncadd.s32 $0xFFFFFF80  }
0x1e: {  	[tilespmem:s19], [sflag:$0x1] =	stream.indirect.gather [hbm4b:s4+s18], $0x80, s2, s18, $0xb8;
	[tilespmem:$0x1C200] =	vst v63  }
0x1f: {  	_ =	swait.ge [sflag:s20], $0x4000  }
0x20: {  	[sflag:s20] =	ssyncset.done $0x0  }
0x21: {  	[sflag:s20] =	ssyncadd.s32 $0xFFFFC000  }
0x22: {  	[tilespmem:s18], [sflag:$0x5] =	stream.linear.gather [hbm4b:s7+s2], $0x80, $0x38;
	[tilespmem:$0x1C200] =	vst v63  }
0x23: {  	_ =	swait.ge [sflag:s17], $0x80  }
0x24: {  	[sflag:s17] =	ssyncset.done $0x0  }
0x25: {  	[sflag:s17] =	ssyncadd.s32 $0xFFFFFF80  }
0x26: {  	[spmem:s1] =	stream.indirect.scatter.add.f32 [tilespmem:s19], [sflag:$0x2], $0x80, s18, s18, $0xb8;
	[tilespmem:$0x1C200] =	vst v63  }
0x27: {  	_ = 	snop  }
0x28: {  	[tilespmem:s21], [sflag:$0x5] =	stream.linear.gather [hbm4b:s9+s2], $0x80, $0x38;
	[tilespmem:$0x1C200] =	vst v63  }
0x29: {  	_ =	swait.ge [sflag:s17], $0x80  }
0x2a: {  	[sflag:s17] =	ssyncset.done $0x0  }
0x2b: {  	[sflag:s17] =	ssyncadd.s32 $0xFFFFFF80  }
0x2c: {  	[tilespmem:s22], [sflag:$0x3] =	stream.indirect.gather [hbm4b:s4+s18], $0x80, s21, s18, $0xb8;
	[tilespmem:$0x1C200] =	vst v63  }
0x2d: {  	_ =	swait.ge [sflag:s23], $0x4000  }
0x2e: {  	[sflag:s23] =	ssyncset.done $0x0  }
0x2f: {  	s30 =	sadd.s32 $0x0, s13;
	[sflag:s23] =	ssyncadd.s32 $0xFFFFC000  }
0x30: {  	[tilespmem:s25], [sflag:$0x5] =	stream.linear.gather [hbm4b:s30+s2], $0x80, $0x38;
	[tilespmem:$0x1C200] =	vst v63  }
0x31: {  	_ =	swait.ge [sflag:s17], $0x80  }
0x32: {  	[sflag:s17] =	ssyncset.done $0x0  }
0x33: {  	[sflag:s17] =	ssyncadd.s32 $0xFFFFFF80  }
0x34: {  	[spmem:s1] =	stream.indirect.scatter.add.f32 [tilespmem:s22], [sflag:$0x4], $0x80, s25, s18, $0xb8;
	[tilespmem:$0x1C200] =	vst v63  }
0x35: {  	_ =	swait.ge [sflag:s26], $0x4000  }
0x36: {  	[sflag:s26] =	ssyncset.done $0x0  }
0x37: {  	s30 =	sadd.s32 $0x0, s15;
	[sflag:s26] =	ssyncadd.s32 $0xFFFFC000  }
0x38: {  	[tilespmem:s2], [sflag:$0x5] =	stream.linear.gather [hbm4b:s30+s2], $0x80, $0x38;
	[tilespmem:$0x1C200] =	vst v63  }
0x39: {  	_ =	swait.ge [sflag:s17], $0x80  }
0x3a: {  	[sflag:s17] =	ssyncset.done $0x0  }
0x3b: {  	[sflag:s17] =	ssyncadd.s32 $0xFFFFFF80  }
0x3c: {  	[tilespmem:s19], [sflag:$0x1] =	stream.indirect.gather [hbm4b:s4+s18], $0x80, s2, s18, $0xb8;
	[tilespmem:$0x1C200] =	vst v63  }
0x3d: {  	_ =	swait.ge [sflag:s20], $0x4000  }
0x3e: {  	[sflag:s20] =	ssyncset.done $0x0  }
0x3f: {  	s30 =	sadd.s32 $0x0, s14;
	[sflag:s20] =	ssyncadd.s32 $0xFFFFC000  }
0x40: {  	[tilespmem:s18], [sflag:$0x5] =	stream.linear.gather [hbm4b:s30+s2], $0x80, $0x38;
	[tilespmem:$0x1C200] =	vst v63  }
0x41: {  	_ =	swait.ge [sflag:s17], $0x80  }
0x42: {  	[sflag:s17] =	ssyncset.done $0x0  }
0x43: {  	[sflag:s17] =	ssyncadd.s32 $0xFFFFFF80  }
0x44: {  	[spmem:s1] =	stream.indirect.scatter.add.f32 [tilespmem:s19], [sflag:$0x2], $0x80, s18, s18, $0xb8;
	[tilespmem:$0x1C200] =	vst v63  }
0x45: {  	_ =	swait.ge [sflag:s28], $0x4000  }
0x46: {  	[sflag:s28] =	ssyncset.done $0x0  }
0x47: {  	s30 =	sadd.s32 $0x0, s12;
	[sflag:s28] =	ssyncadd.s32 $0xFFFFC000  }
0x48: {  	[tilespmem:s21], [sflag:$0x5] =	stream.linear.gather [hbm4b:s30+s2], $0x80, $0x38;
	[tilespmem:$0x1C200] =	vst v63  }
0x49: {  	_ =	swait.ge [sflag:s17], $0x80  }
0x4a: {  	[sflag:s17] =	ssyncset.done $0x0  }
0x4b: {  	s30 =	simm.s32 $0x20;
	[sflag:s17] =	ssyncadd.s32 $0xFFFFFF80  }
.LBB2_2:
0x4c: {  	[tilespmem:s22], [sflag:$0x3] =	stream.indirect.gather [hbm4b:s4+s18], $0x80, s21, s18, $0xb8;
	[tilespmem:$0x1C200] =	vst v63  }
0x4d: {  	s31 =	smov.u32 s30  }
0x4e: {  	p0 =	sne.s32 s30, $0x4C0;
	s30 =	sadd.s32 $0x20, s30;
	_ =	swait.ge [sflag:s23], $0x4000  }
0x4f: {  	[sflag:s23] =	ssyncset.done $0x0  }
0x50: {  	s0 =	sadd.s32 s31, s13;
	[sflag:s23] =	ssyncadd.s32 $0xFFFFC000  }
0x51: {  	[tilespmem:s25], [sflag:$0x5] =	stream.linear.gather [hbm4b:s0+s2], $0x80, $0x38;
	[tilespmem:$0x1C200] =	vst v63  }
0x52: {  	_ =	swait.ge [sflag:s17], $0x80  }
0x53: {  	[sflag:s17] =	ssyncset.done $0x0  }
0x54: {  	[sflag:s17] =	ssyncadd.s32 $0xFFFFFF80  }
0x55: {  	[spmem:s1] =	stream.indirect.scatter.add.f32 [tilespmem:s22], [sflag:$0x4], $0x80, s25, s18, $0xb8;
	[tilespmem:$0x1C200] =	vst v63  }
0x56: {  	_ =	swait.ge [sflag:s26], $0x4000  }
0x57: {  	[sflag:s26] =	ssyncset.done $0x0  }
0x58: {  	s0 =	sadd.s32 s31, s15;
	[sflag:s26] =	ssyncadd.s32 $0xFFFFC000  }
0x59: {  	[tilespmem:s2], [sflag:$0x5] =	stream.linear.gather [hbm4b:s0+s2], $0x80, $0x38;
	[tilespmem:$0x1C200] =	vst v63  }
0x5a: {  	_ =	swait.ge [sflag:s17], $0x80  }
0x5b: {  	[sflag:s17] =	ssyncset.done $0x0  }
0x5c: {  	[sflag:s17] =	ssyncadd.s32 $0xFFFFFF80  }
0x5d: {  	[tilespmem:s19], [sflag:$0x1] =	stream.indirect.gather [hbm4b:s4+s18], $0x80, s2, s18, $0xb8;
	[tilespmem:$0x1C200] =	vst v63  }
0x5e: {  	_ =	swait.ge [sflag:s20], $0x4000  }
0x5f: {  	[sflag:s20] =	ssyncset.done $0x0  }
0x60: {  	s0 =	sadd.s32 s31, s14;
	[sflag:s20] =	ssyncadd.s32 $0xFFFFC000  }
0x61: {  	[tilespmem:s18], [sflag:$0x5] =	stream.linear.gather [hbm4b:s0+s2], $0x80, $0x38;
	[tilespmem:$0x1C200] =	vst v63  }
0x62: {  	_ =	swait.ge [sflag:s17], $0x80  }
0x63: {  	[sflag:s17] =	ssyncset.done $0x0  }
0x64: {  	[sflag:s17] =	ssyncadd.s32 $0xFFFFFF80  }
0x65: {  	[spmem:s1] =	stream.indirect.scatter.add.f32 [tilespmem:s19], [sflag:$0x2], $0x80, s18, s18, $0xb8;
	[tilespmem:$0x1C200] =	vst v63  }
0x66: {  	_ =	swait.ge [sflag:s28], $0x4000  }
0x67: {  	[sflag:s28] =	ssyncset.done $0x0  }
.Ltmp0:
0x68: {  	s0 =	sadd.s32 s31, s12;
	[sflag:s28] =	ssyncadd.s32 $0xFFFFC000;
	(pc) =	sbr.rel @p0 .LBB2_2-.Ltmp0, $4  }
0x69: {  	[tilespmem:s21], [sflag:$0x5] =	stream.linear.gather [hbm4b:s0+s2], $0x80, $0x38;
	[tilespmem:$0x1C200] =	vst v63  }
0x6a: {  	_ =	swait.ge [sflag:s17], $0x80  }
0x6b: {  	[sflag:s17] =	ssyncset.done $0x0  }
0x6c: {  	[sflag:s17] =	ssyncadd.s32 $0xFFFFFF80  }
0x6d: {  	[tilespmem:s22], [sflag:$0x3] =	stream.indirect.gather [hbm4b:s4+s18], $0x80, s21, s18, $0xb8;
	[tilespmem:$0x1C200] =	vst v63  }
0x6e: {  	_ =	swait.ge [sflag:s23], $0x4000  }
0x6f: {  	[sflag:s23] =	ssyncset.done $0x0  }
0x70: {  	[sflag:s23] =	ssyncadd.s32 $0xFFFFC000  }
0x71: {  	[tilespmem:s25], [sflag:$0x5] =	stream.linear.gather [hbm4b:s10+s2], $0x80, $0x38;
	[tilespmem:$0x1C200] =	vst v63  }
0x72: {  	_ =	swait.ge [sflag:s17], $0x80  }
0x73: {  	[sflag:s17] =	ssyncset.done $0x0  }
0x74: {  	[sflag:s17] =	ssyncadd.s32 $0xFFFFFF80  }
0x75: {  	[spmem:s1] =	stream.indirect.scatter.add.f32 [tilespmem:s22], [sflag:$0x4], $0x80, s25, s18, $0xb8;
	[tilespmem:$0x1C200] =	vst v63  }
0x76: {  	_ =	swait.ge [sflag:s26], $0x4000  }
0x77: {  	[sflag:s26] =	ssyncset.done $0x0  }
0x78: {  	[sflag:s26] =	ssyncadd.s32 $0xFFFFC000  }
0x79: {  	_ =	swait.ge [sflag:s28], $0x4000  }
0x7a: {  	s29 =	sadd.s32 $0x1, s29;
	[sflag:s28] =	ssyncset.done $0x0  }
0x7b: {  	p0 =	sne.s32 s29, s11;
	[sflag:s28] =	ssyncadd.s32 $0xFFFFC000  }
.Ltmp1:
0x7c: {  	[bflag:$0x0] =	sbarrier.arrive $0xFFFF;
	(pc) =	sbr.rel @p0 .LBB2_1-.Ltmp1, $4  }
0x7d: {  	[hbm:s24], [sflag:s8] =	dma.local [spmem:s16], $0x2800  }
0x7e: {  	_ =	swait.ge [sflag:s17], $0x2800  }
0x7f: {  	[sflag:s17] =	ssyncset.done $0x0  }
0x80: {  	[sflag:s17] =	ssyncadd.s32 $0xFFFFD800  }
0x81: {  	_ =	sfence.sel $0x180000  }
0x82: {  	[bflag:$0x0] =	sbarrier.arrive $0xFFFF  }
0x83: {  	_ =	strace $0x9000004A  }
0x84: {  	[bflag:$0x2] =	sbarrier.arrive $0xFFFF  }
0x85: {  	p0 =	sne.s32 s3, $0x0;
	s0 =	rddreg [dreg:$0x2]  }
0x86: {  	s0 =	sadd.s32 @!p0 $0x100000, s0  }
0x87: {  	[sflag:s0] =	ssyncadd.tile.s32 @!p0 $0x1;
	_ =	shalt  }
.Lfunc_end2:
_tile_overlayer_lowered:
.L_overlay_start_2:
0x88: {  	(tag) =	ssettag $0x2  }
0x89: {  	s0 =	rddreg [dreg:$0x0];
	s2 =	stileid.u32  }
0x8a: {  	s1 =	rddreg [dreg:$0x1];
	p0 =	sne.s32 s2, $0x0  }
0x8b: {  	s3 =	rddreg [dreg:$0x2];
	[bflag:$0x3] =	sbarrier.arrive $0xFFFF;
	s2 =	simm.s32 @!p0 $0x1C05  }
0x8c: {  	[timem:s3], [sflag:s2] =	dma.local @!p0 [hbm:s0], s1  }
0x8d: {  	s0 =	simm.s32 @!p0 $0x5  }
0x8e: {  	_ =	swait.ge @!p0 [sflag:s0], s1  }
0x8f: {  	s1 =	ssub.s32 @!p0 $0x0, s1;
	[sflag:s0] =	ssyncset.done @!p0 $0x0  }
0x90: {  	[sflag:s0] =	ssyncadd.s32 @!p0 s1  }
0x91: {  	[bflag:$0x3] =	sbarrier.arrive $0xFFFF  }
0x92: {  	_ =	shalt  }

// kernel: kernel.17.cloned.1.call-start
scs
__scs_entry_jumppad:
0x0: {  	(pc) =	sbr.rel $0x88, $3  }
0x1: {  	(tag) =	ssettag $0x0;
	lr =	simm.s32 $0x1  }
0x2: {  	[smem:$0x3F99] =	sst lr;
	_ =	strace $0xD0000000  }
0x3: {  	_ = 	snop  }
0x4: {  	_ = 	snop  }
0x5: {  	_ = 	snop  }
0x6: {  	_ = 	snop  }
0x7: {  	_ = 	snop  }
__scs_overlays_trampoline_lowered:
0x8: {  	[smem:$0x3FA8] =	sst s0  }
0x9: {  	[smem:$0x3FA9] =	sst s1  }
0xa: {  	[smem:$0x3FAA] =	sst s2  }
0xb: {  	[smem:$0x3FAB] =	sst s3  }
0xc: {  	[smem:$0x3FAC] =	sst s4  }
0xd: {  	[smem:$0x3FAD] =	sst s5  }
0xe: {  	[smem:$0x3FAE] =	sst s6  }
0xf: {  	[smem:$0x3FAF] =	sst s7  }
0x10: {  	[smem:$0x3FB0] =	sst s8  }
0x11: {  	[smem:$0x3FB1] =	sst s9;
	s0 =	simm.s32 @!p0 $0x0  }
0x12: {  	s1 =	sld [smem:$0x3F97];
	s0 =	simm.s32 @p0 $0x1  }
0x13: {  	[smem:$0x3FB2] =	sst s0;
	s0 =	simm.s32 @!p1 $0x0  }
0x14: {  	s2 =	sld [smem:$0x3F96];
	s0 =	simm.s32 @p1 $0x1  }
0x15: {  	[smem:$0x3FB3] =	sst s0;
	s0 =	simm.s32 @!p2 $0x0  }
0x16: {  	s3 =	sld [smem:$0x3FDB];
	s0 =	simm.s32 @p2 $0x1  }
0x17: {  	s4 =	simm.s32 $0x1BF5;
	[smem:$0x3FB5] =	sst s0  }
0x18: {  	s0 =	sld [smem:$0x3F98];
	_ =	swait.ge [sflag:s4], $0x0  }
0x19: {  	s7 =	sld [smem:$0x3F99]  }
0x1a: {  	s8 =	sadd.s32 $0xFFFFE003, lr  }
0x1b: {  	s9 =	sadd.s32 $0xFFFFFEF7, lr;
	s5 =	simm.s32 $0xFFFFFFFF;
	p2 =	slt.u32 s8, $0xFFFFF086  }
0x1c: {  	p1 =	slt.u32 s9, $0xF7A;
	s5 =	simm.s32 @!p2 $0x0  }
0x1d: {  	s5 =	simm.s32 @p1 $0x1;
	p0 =	seq.s32 s7, s2  }
0x1e: {  	s7 =	smul.u32 @!p0 $0xF7A, s2;
	p2 =	seq.s32 @!p0 s5, $0x0  }
0x1f: {  	s9 =	smul.u32 $0xF7A, s1;
	s8 =	simm.s32 @!p0 $0x1BF5;
	p2 =	por !p2, p0  }
0x20: {  	[sflag:s8] =	ssyncset.s32 @!p0 $0xFFFFF086;
	s6 =	sadd.s32 @!p0 s3, s7;
	s7 =	simm.s32 @!p0 $0x108  }
0x21: {  	s3 =	sadd.s32 s3, s9;
	s6 =	sadd.s32 @!p0 $0x88, s6;
	s7 =	simm.s32 @p2 $0x1082  }
0x22: {  	[simem:s7], [sflag:s8] =	dma.local @!p0 [hbm:s6], $0xF7A  }
0x23: {  	s9 =	sor.u32 $0xD0000000, s2;
	s6 =	simm.s32 $0x108;
	_ =	swait.ge @!p0 [sflag:s8], $0x0  }
0x24: {  	s3 =	sadd.s32 $0x88, s3;
	s6 =	simm.s32 @!p1 $0x1082;
	[sflag:s4] =	ssyncset.s32 $0xFFFFF086  }
0x25: {  	[simem:s6], [sflag:s4] =	dma.local [hbm:s3], $0xF7A  }
0x26: {  	[smem:$0x3F99] =	sst s1;
	(tag) =	ssettag s2;
	_ =	strace s9  }
0x27: {  	s1 =	sld [smem:$0x3FA9]  }
0x28: {  	s2 =	sld [smem:$0x3FAA]  }
0x29: {  	s4 =	sld [smem:$0x3FAC]  }
0x2a: {  	p0 =	seq.s32 s5, $0x0;
	s5 =	sld [smem:$0x3FAD]  }
0x2b: {  	s6 =	sld [smem:$0x3FAE]  }
0x2c: {  	s7 =	sld [smem:$0x3FAF]  }
0x2d: {  	s3 =	simm.s32 $0x108;
	s8 =	sld [smem:$0x3FB0]  }
0x2e: {  	s3 =	simm.s32 @!p0 $0x1082;
	s9 =	sld [smem:$0x3FB1]  }
0x2f: {  	lr =	sadd.s32 s0, s3;
	s0 =	sld [smem:$0x3FA8]  }
0x30: {  	s3 =	sld [smem:$0x3FAB]  }
0x31: {  	[smem:$0x3FB4] =	sst s10  }
0x32: {  	s10 =	sld [smem:$0x3FB2];
	_ =	sdelay $0x3  }
0x33: {  	p0 =	seq.s32 s10, $0x1;
	s10 =	sld [smem:$0x3FB4];
	_ =	sdelay $0x3  }
0x34: {  	[smem:$0x3FB4] =	sst s10  }
0x35: {  	s10 =	sld [smem:$0x3FB3];
	_ =	sdelay $0x3  }
0x36: {  	p1 =	seq.s32 s10, $0x1;
	s10 =	sld [smem:$0x3FB4];
	_ =	sdelay $0x3  }
0x37: {  	[smem:$0x3FB4] =	sst s10  }
0x38: {  	s10 =	sld [smem:$0x3FB5]  }
0x39: {  	_ = 	snop;
	(pc) =	sbr.ind lr, $3  }
0x3a: {  	_ = 	snop  }
0x3b: {  	_ = 	snop  }
0x3c: {  	p2 =	seq.s32 s10, $0x1;
	s10 =	sld [smem:$0x3FB4]  }
0x3d: {  	_ =	shalt  }
0x3e: {  	_ =	shalt  }
0x3f: {  	_ =	shalt  }
0x40: {  	_ =	shalt  }
0x41: {  	_ =	shalt  }
0x42: {  	_ =	shalt  }
0x43: {  	_ =	shalt  }
0x44: {  	_ =	shalt  }
0x45: {  	_ =	shalt  }
0x46: {  	_ =	shalt  }
0x47: {  	_ =	shalt  }
0x48: {  	_ =	shalt  }
0x49: {  	_ =	shalt  }
0x4a: {  	_ =	shalt  }
0x4b: {  	_ =	shalt  }
0x4c: {  	_ =	shalt  }
0x4d: {  	_ =	shalt  }
0x4e: {  	_ =	shalt  }
0x4f: {  	_ =	shalt  }
0x50: {  	_ =	shalt  }
0x51: {  	_ =	shalt  }
0x52: {  	_ =	shalt  }
0x53: {  	_ =	shalt  }
0x54: {  	_ =	shalt  }
0x55: {  	_ =	shalt  }
0x56: {  	_ =	shalt  }
0x57: {  	_ =	shalt  }
0x58: {  	_ =	shalt  }
0x59: {  	_ =	shalt  }
0x5a: {  	_ =	shalt  }
0x5b: {  	_ =	shalt  }
0x5c: {  	_ =	shalt  }
0x5d: {  	_ =	shalt  }
0x5e: {  	_ =	shalt  }
0x5f: {  	_ =	shalt  }
0x60: {  	_ =	shalt  }
0x61: {  	_ =	shalt  }
0x62: {  	_ =	shalt  }
0x63: {  	_ =	shalt  }
0x64: {  	_ =	shalt  }
0x65: {  	_ =	shalt  }
0x66: {  	_ =	shalt  }
0x67: {  	_ =	shalt  }
0x68: {  	_ =	shalt  }
0x69: {  	_ =	shalt  }
0x6a: {  	_ =	shalt  }
0x6b: {  	_ =	shalt  }
0x6c: {  	_ =	shalt  }
0x6d: {  	_ =	shalt  }
0x6e: {  	_ =	shalt  }
0x6f: {  	_ =	shalt  }
0x70: {  	_ =	shalt  }
0x71: {  	_ =	shalt  }
0x72: {  	_ =	shalt  }
0x73: {  	_ =	shalt  }
0x74: {  	_ =	shalt  }
0x75: {  	_ =	shalt  }
0x76: {  	_ =	shalt  }
0x77: {  	_ =	shalt  }
0x78: {  	_ =	shalt  }
0x79: {  	_ =	shalt  }
0x7a: {  	_ =	shalt  }
0x7b: {  	_ =	shalt  }
0x7c: {  	_ =	shalt  }
0x7d: {  	_ =	shalt  }
0x7e: {  	_ =	shalt  }
0x7f: {  	_ =	shalt  }
0x80: {  	_ =	shalt  }
0x81: {  	_ =	shalt  }
0x82: {  	_ =	shalt  }
0x83: {  	_ =	shalt  }
0x84: {  	_ =	shalt  }
0x85: {  	_ =	shalt  }
0x86: {  	_ =	shalt  }
0x87: {  	_ =	shalt  }
.Lfunc_end0:
.L_simem_size_0:
called_computation.2_lowered:
.L_overlay_start_0:
0x88: {  	s2 =	sld [smem:$0x3FD9]  }
0x89: {  	s3 =	sld [smem:$0x3FFE];
	_ =	sdelay $0x1  }
0x8a: {  	s1 =	srdreg.scid  }
0x8b: {  	s0 =	sand.u32 $0x1, s1  }
0x8c: {  	s16 =	sshll.u32 s0, $0xA;
	s2 =	sadd.s32 s3, s2  }
0x8d: {  	s2 =	sadd.s32 s2, s16  }
0x8e: {  	[smem:$0x3FC0] =	sst s2  }
0x8f: {  	_ = 	snop  }
0x90: {  	(tm) =	ssettm $0x1  }
0x91: {  	s17 =	sld [smem:$0x3FFB];
	_ =	sdelay $0x3  }
0x92: {  	_ =	strace s17  }
0x93: {  	s2 =	sld [smem:$0x3FFC];
	_ =	sdelay $0x3  }
0x94: {  	_ =	strace s2  }
0x95: {  	s2 =	sld [smem:$0x3FFD];
	_ =	sdelay $0x3  }
0x96: {  	_ =	strace s2  }
0x97: {  	_ =	strace $0x8FFFFFFF  }
0x98: {  	s18 =	sld [smem:$0x3FDB];
	_ =	sdelay $0x1  }
0x99: {  	s19 =	simm.s32 $_scs_section_size  }
0x9a: {  	s4 =	simm.s32 $_size__tile_overlayer_lowered;
	s5 =	simm.s32 $_tile_overlayer_lowered  }
0x9b: {  	s22 =	simm.s32 $0x1BFF;
	s21 =	sshll.u32 s5, $0x1;
	s2 =	sadd.s32 s19, s18  }
0x9c: {  	s6 =	simm.s32 $0x0;
	s20 =	sshll.u32 s4, $0x1;
	s4 =	sadd.s32 s21, s2  }
0x9d: {  	[timem:s6], [sflag:s22] =	dma.local [hbm:s4], s20  }
0x9e: {  	_ =	swait.ge [sflag:s22], s20  }
0x9f: {  	s3 =	ssub.s32 $0x0, s20;
	[sflag:s22] =	ssyncset.done $0x0  }
0xa0: {  	[sflag:s22] =	ssyncadd.s32 s3;
	_ =	sdelay $0x1  }
0xa1: {  	s23 =	simm.s32 $0x1B8B  }
0xa2: {  	_ =	swait.ge [sflag:s23], $0x1  }
0xa3: {  	[sflag:s23] =	ssyncset.done $0x0  }
0xa4: {  	s25 =	simm.s32 $0x1B8E;
	s24 =	sld [smem:$0x3FFE];
	[sflag:s23] =	ssyncadd.s32 $0xFFFFFFFF  }
0xa5: {  	s26 =	simm.s32 $execute0_lowered;
	[smem:$0x3FD2] =	sst s25  }
0xa6: {  	s4 =	sshll.u32 s26, $0x1;
	_ =	strace $0x8000004C;
	[dreg:$0x1] =	wrdreg $0xFFFFFFFF  }
0xa7: {  	s28 =	simm.s32 $_size_execute0_lowered;
	s2 =	sadd.s32 s2, s4;
	[dreg:$0x0] =	wrdreg $0x0  }
0xa8: {  	s4 =	sshll.u32 s28, $0x1;
	[dreg:$0x2] =	wrdreg s2  }
0xa9: {  	[dreg:$0x3] =	wrdreg s4  }
0xaa: {  	[dreg:$0x4] =	wrdreg $0xC0  }
0xab: {  	_ =	task [dreg:s6], $0x5FFFF  }
0xac: {  	[dreg:$0x1] =	wrdreg $0xFFFFFFFF  }
0xad: {  	[dreg:$0x0] =	wrdreg $0x60  }
0xae: {  	[dreg:$0x2] =	wrdreg s24  }
0xaf: {  	[dreg:$0x3] =	wrdreg $0x42000  }
0xb0: {  	[dreg:$0x4] =	wrdreg $0x9  }
0xb1: {  	_ =	task.clear_ibuf [dreg:s6], $0x5FFFF;
	_ =	strace $0x9000004C  }
0xb2: {  	s29 =	simm.s32 $0x9;
	_ =	strace $0x8000004E  }
0xb3: {  	_ =	swait.ge [sflag:s29], $0x1  }
0xb4: {  	[sflag:s29] =	ssyncadd.s32 $0xFFFFFFFF  }
0xb5: {  	_ =	strace $0x9000004E  }
0xb6: {  	_ =	sfence  }
0xb7: {  	s30 =	sld [smem:$0x0];
	_ =	sdelay $0x2  }
0xb8: {  	s31 =	sshll.u32 s1, $0xD;
	s1 =	sshrl.u32 s1, $0x2  }
0xb9: {  	s3 =	sand.u32 $0x4000, s31;
	s1 =	sadd.s32 s1, s30  }
0xba: {  	s0 =	sor.u32 s3, s0;
	s1 =	sshll.u32 s1, $0x11  }
0xbb: {  	s0 =	sor.u32 s1, s0  }
0xbc: {  	s0 =	sadd.s32 $0x8F2B, s0  }
0xbd: {  	[sflag:s0] =	ssyncadd.remote.s32 $0x1  }
0xbe: {  	_ =	sfence.sel $0xFFFF  }
0xbf: {  	[dreg:$0x0] =	wrdreg $0xFFFFFFFF;
	(pc) =	sbr.abs _section_cstart, $3  }
0xc0: {  	[dreg:$0x1] =	wrdreg $0xFFFFFFFF  }
0xc1: {  	_ =	task.clear_ibuf [dreg:s6], $0x2FFFF;
	_ =	strace $0x9FFFFFFF  }
0xc2: {  	(tm) =	ssettm $0x7FFFFFFF  }
0xc3: {  	_ =	shalt  }
tec
execute0_lowered:
.L_overlay_start_1:
0x0: {  	(tag) =	ssettag $0x1  }
0x1: {  	s6 =	rddreg [dreg:$0x0]  }
0x2: {  	s1 =	rddreg [dreg:$0x1];
	s2 =	simm.s32 $0x0;
	s4 =	srdreg.scid  }
0x3: {  	s19 =	simm.s32 $0x200;
	s20 =	simm.s32 $0x1;
	s21 =	simm.s32 $0x100  }
0x4: {  	s22 =	simm.s32 $0x2200;
	s23 =	simm.s32 $0x3;
	s28 =	simm.s32 $0x4  }
0x5: {  	s29 =	simm.s32 $0x0;
	[smem:$0x7FF] =	sst s2;
	s7 =	sand.u32 $0x1, s4  }
0x6: {  	s3 =	sadd.s32 $0x1B200, s6;
	s4 =	stileid.u32;
	s8 =	smul.u32 $0x14000, s7  }
0x7: {  	s15 =	sadd.s32 $0x11200, s6;
	s14 =	sadd.s32 $0x2000, s6;
	s11 =	smul.u32 $0xA000, s4  }
0x8: {  	_ =	strace $0x8000004D;
	s5 =	sshll.u32 s7, $0x4;
	s17 =	smul.u32 $0x28000, s7  }
0x9: {  	s9 =	ssub.s32 $0x2, s7;
	s24 =	sshll.u32 s4, $0x6;
	s18 =	smul.u32 $0x2800, s4  }
0xa: {  	s10 =	sor.u32 s4, s5;
	s5 =	sadd.s32 $0xC000, s6;
	s12 =	sshrl.u32 s9, $0x1  }
0xb: {  	s10 =	smul.u32 $0x2800, s10;
	s13 =	sadd.s32 s8, s6;
	s12 =	ssub.s32 s9, s12  }
0xc: {  	s16 =	sadd.s32 s11, s1;
	s8 =	sor.u32 $0x1C05, s24;
	s26 =	sadd.s32 s18, s17  }
0xd: {  	s24 =	sadd.s32 $0x2EC00, s13;
	s30 =	sor.u32 $0x180, s26;
	s17 =	sor.u32 $0x80, s26  }
0xe: {  	s18 =	sor.u32 $0x100, s26;
	s16 =	sshrl.u32 s16, $0x3;
	s26 =	simm.s32 $0x2  }
0xf: {  	s25 =	sshrl.u32 s10, $0x3;
	s17 =	sshrl.u32 s17, $0x3;
	s31 =	sshrl.u32 s18, $0x3  }
0x10: {  	s18 =	simm.s32 $0x80;
	s6 =	sadd.s32 s15, s25;
	s7 =	sadd.s32 s14, s25  }
0x11: {  	s25 =	sshrl.u32 s11, $0x3;
	s11 =	smax.u32 s12, $0x1;
	s12 =	sshrl.u32 s30, $0x3  }
0x12: {  	s13 =	sadd.s32 s17, s14;
	s14 =	sadd.s32 s31, s14;
	s17 =	simm.s32 $0x5  }
0x13: {  	s9 =	sadd.s32 $0x10, s6;
	s10 =	sadd.s32 $0x4F0, s7;
	s12 =	sadd.s32 s12, s15  }
0x14: {  	s15 =	sadd.s32 s31, s15;
	s24 =	sadd.s32 s25, s24;
	s25 =	simm.s32 $0x180  }
.LBB2_1:
0x15: {  	[spmem:s16], [sflag:s8] =	dma.local [hbm:s5], $0x1400  }
0x16: {  	_ =	swait.ge [sflag:s17], $0x1400  }
0x17: {  	[sflag:s17] =	ssyncset.done $0x0  }
0x18: {  	[sflag:s17] =	ssyncadd.s32 $0xFFFFEC00  }
0x19: {  	[bflag:$0x0] =	sbarrier.arrive $0xFFFF  }
0x1a: {  	[tilespmem:s2], [sflag:$0x5] =	stream.linear.gather [hbm4b:s6+s2], $0x80, $0x38;
	[tilespmem:$0xE200] =	vst v63  }
0x1b: {  	_ =	swait.ge [sflag:s17], $0x80  }
0x1c: {  	[sflag:s17] =	ssyncset.done $0x0  }
0x1d: {  	[sflag:s17] =	ssyncadd.s32 $0xFFFFFF80  }
0x1e: {  	[tilespmem:s19], [sflag:$0x1] =	stream.indirect.gather [hbm4b:s3+s18], $0x40, s2, s18, $0xb8;
	[tilespmem:$0xE200] =	vst v63  }
0x1f: {  	_ =	swait.ge [sflag:s20], $0x2000  }
0x20: {  	[sflag:s20] =	ssyncset.done $0x0  }
0x21: {  	[sflag:s20] =	ssyncadd.s32 $0xFFFFE000  }
0x22: {  	[tilespmem:s18], [sflag:$0x5] =	stream.linear.gather [hbm4b:s7+s2], $0x80, $0x38;
	[tilespmem:$0xE200] =	vst v63  }
0x23: {  	_ =	swait.ge [sflag:s17], $0x80  }
0x24: {  	[sflag:s17] =	ssyncset.done $0x0  }
0x25: {  	[sflag:s17] =	ssyncadd.s32 $0xFFFFFF80  }
0x26: {  	[spmem:s1] =	stream.indirect.scatter.add.f32 [tilespmem:s19], [sflag:$0x2], $0x40, s18, s18, $0xb8;
	[tilespmem:$0xE200] =	vst v63  }
0x27: {  	_ = 	snop  }
0x28: {  	[tilespmem:s21], [sflag:$0x5] =	stream.linear.gather [hbm4b:s9+s2], $0x80, $0x38;
	[tilespmem:$0xE200] =	vst v63  }
0x29: {  	_ =	swait.ge [sflag:s17], $0x80  }
0x2a: {  	[sflag:s17] =	ssyncset.done $0x0  }
0x2b: {  	[sflag:s17] =	ssyncadd.s32 $0xFFFFFF80  }
0x2c: {  	[tilespmem:s22], [sflag:$0x3] =	stream.indirect.gather [hbm4b:s3+s18], $0x40, s21, s18, $0xb8;
	[tilespmem:$0xE200] =	vst v63  }
0x2d: {  	_ =	swait.ge [sflag:s23], $0x2000  }
0x2e: {  	[sflag:s23] =	ssyncset.done $0x0  }
0x2f: {  	s30 =	sadd.s32 $0x0, s13;
	[sflag:s23] =	ssyncadd.s32 $0xFFFFE000  }
0x30: {  	[tilespmem:s25], [sflag:$0x5] =	stream.linear.gather [hbm4b:s30+s2], $0x80, $0x38;
	[tilespmem:$0xE200] =	vst v63  }
0x31: {  	_ =	swait.ge [sflag:s17], $0x80  }
0x32: {  	[sflag:s17] =	ssyncset.done $0x0  }
0x33: {  	[sflag:s17] =	ssyncadd.s32 $0xFFFFFF80  }
0x34: {  	[spmem:s1] =	stream.indirect.scatter.add.f32 [tilespmem:s22], [sflag:$0x4], $0x40, s25, s18, $0xb8;
	[tilespmem:$0xE200] =	vst v63  }
0x35: {  	_ =	swait.ge [sflag:s26], $0x2000  }
0x36: {  	[sflag:s26] =	ssyncset.done $0x0  }
0x37: {  	s30 =	sadd.s32 $0x0, s15;
	[sflag:s26] =	ssyncadd.s32 $0xFFFFE000  }
0x38: {  	[tilespmem:s2], [sflag:$0x5] =	stream.linear.gather [hbm4b:s30+s2], $0x80, $0x38;
	[tilespmem:$0xE200] =	vst v63  }
0x39: {  	_ =	swait.ge [sflag:s17], $0x80  }
0x3a: {  	[sflag:s17] =	ssyncset.done $0x0  }
0x3b: {  	[sflag:s17] =	ssyncadd.s32 $0xFFFFFF80  }
0x3c: {  	[tilespmem:s19], [sflag:$0x1] =	stream.indirect.gather [hbm4b:s3+s18], $0x40, s2, s18, $0xb8;
	[tilespmem:$0xE200] =	vst v63  }
0x3d: {  	_ =	swait.ge [sflag:s20], $0x2000  }
0x3e: {  	[sflag:s20] =	ssyncset.done $0x0  }
0x3f: {  	s30 =	sadd.s32 $0x0, s14;
	[sflag:s20] =	ssyncadd.s32 $0xFFFFE000  }
0x40: {  	[tilespmem:s18], [sflag:$0x5] =	stream.linear.gather [hbm4b:s30+s2], $0x80, $0x38;
	[tilespmem:$0xE200] =	vst v63  }
0x41: {  	_ =	swait.ge [sflag:s17], $0x80  }
0x42: {  	[sflag:s17] =	ssyncset.done $0x0  }
0x43: {  	[sflag:s17] =	ssyncadd.s32 $0xFFFFFF80  }
0x44: {  	[spmem:s1] =	stream.indirect.scatter.add.f32 [tilespmem:s19], [sflag:$0x2], $0x40, s18, s18, $0xb8;
	[tilespmem:$0xE200] =	vst v63  }
0x45: {  	_ =	swait.ge [sflag:s28], $0x2000  }
0x46: {  	[sflag:s28] =	ssyncset.done $0x0  }
0x47: {  	s30 =	sadd.s32 $0x0, s12;
	[sflag:s28] =	ssyncadd.s32 $0xFFFFE000  }
0x48: {  	[tilespmem:s21], [sflag:$0x5] =	stream.linear.gather [hbm4b:s30+s2], $0x80, $0x38;
	[tilespmem:$0xE200] =	vst v63  }
0x49: {  	_ =	swait.ge [sflag:s17], $0x80  }
0x4a: {  	[sflag:s17] =	ssyncset.done $0x0  }
0x4b: {  	s30 =	simm.s32 $0x20;
	[sflag:s17] =	ssyncadd.s32 $0xFFFFFF80  }
.LBB2_2:
0x4c: {  	[tilespmem:s22], [sflag:$0x3] =	stream.indirect.gather [hbm4b:s3+s18], $0x40, s21, s18, $0xb8;
	[tilespmem:$0xE200] =	vst v63  }
0x4d: {  	s31 =	smov.u32 s30  }
0x4e: {  	p0 =	sne.s32 s30, $0x4C0;
	s30 =	sadd.s32 $0x20, s30;
	_ =	swait.ge [sflag:s23], $0x2000  }
0x4f: {  	[sflag:s23] =	ssyncset.done $0x0  }
0x50: {  	s0 =	sadd.s32 s31, s13;
	[sflag:s23] =	ssyncadd.s32 $0xFFFFE000  }
0x51: {  	[tilespmem:s25], [sflag:$0x5] =	stream.linear.gather [hbm4b:s0+s2], $0x80, $0x38;
	[tilespmem:$0xE200] =	vst v63  }
0x52: {  	_ =	swait.ge [sflag:s17], $0x80  }
0x53: {  	[sflag:s17] =	ssyncset.done $0x0  }
0x54: {  	[sflag:s17] =	ssyncadd.s32 $0xFFFFFF80  }
0x55: {  	[spmem:s1] =	stream.indirect.scatter.add.f32 [tilespmem:s22], [sflag:$0x4], $0x40, s25, s18, $0xb8;
	[tilespmem:$0xE200] =	vst v63  }
0x56: {  	_ =	swait.ge [sflag:s26], $0x2000  }
0x57: {  	[sflag:s26] =	ssyncset.done $0x0  }
0x58: {  	s0 =	sadd.s32 s31, s15;
	[sflag:s26] =	ssyncadd.s32 $0xFFFFE000  }
0x59: {  	[tilespmem:s2], [sflag:$0x5] =	stream.linear.gather [hbm4b:s0+s2], $0x80, $0x38;
	[tilespmem:$0xE200] =	vst v63  }
0x5a: {  	_ =	swait.ge [sflag:s17], $0x80  }
0x5b: {  	[sflag:s17] =	ssyncset.done $0x0  }
0x5c: {  	[sflag:s17] =	ssyncadd.s32 $0xFFFFFF80  }
0x5d: {  	[tilespmem:s19], [sflag:$0x1] =	stream.indirect.gather [hbm4b:s3+s18], $0x40, s2, s18, $0xb8;
	[tilespmem:$0xE200] =	vst v63  }
0x5e: {  	_ =	swait.ge [sflag:s20], $0x2000  }
0x5f: {  	[sflag:s20] =	ssyncset.done $0x0  }
0x60: {  	s0 =	sadd.s32 s31, s14;
	[sflag:s20] =	ssyncadd.s32 $0xFFFFE000  }
0x61: {  	[tilespmem:s18], [sflag:$0x5] =	stream.linear.gather [hbm4b:s0+s2], $0x80, $0x38;
	[tilespmem:$0xE200] =	vst v63  }
0x62: {  	_ =	swait.ge [sflag:s17], $0x80  }
0x63: {  	[sflag:s17] =	ssyncset.done $0x0  }
0x64: {  	[sflag:s17] =	ssyncadd.s32 $0xFFFFFF80  }
0x65: {  	[spmem:s1] =	stream.indirect.scatter.add.f32 [tilespmem:s19], [sflag:$0x2], $0x40, s18, s18, $0xb8;
	[tilespmem:$0xE200] =	vst v63  }
0x66: {  	_ =	swait.ge [sflag:s28], $0x2000  }
0x67: {  	[sflag:s28] =	ssyncset.done $0x0  }
.Ltmp0:
0x68: {  	s0 =	sadd.s32 s31, s12;
	[sflag:s28] =	ssyncadd.s32 $0xFFFFE000;
	(pc) =	sbr.rel @p0 .LBB2_2-.Ltmp0, $4  }
0x69: {  	[tilespmem:s21], [sflag:$0x5] =	stream.linear.gather [hbm4b:s0+s2], $0x80, $0x38;
	[tilespmem:$0xE200] =	vst v63  }
0x6a: {  	_ =	swait.ge [sflag:s17], $0x80  }
0x6b: {  	[sflag:s17] =	ssyncset.done $0x0  }
0x6c: {  	[sflag:s17] =	ssyncadd.s32 $0xFFFFFF80  }
0x6d: {  	[tilespmem:s22], [sflag:$0x3] =	stream.indirect.gather [hbm4b:s3+s18], $0x40, s21, s18, $0xb8;
	[tilespmem:$0xE200] =	vst v63  }
0x6e: {  	_ =	swait.ge [sflag:s23], $0x2000  }
0x6f: {  	[sflag:s23] =	ssyncset.done $0x0  }
0x70: {  	[sflag:s23] =	ssyncadd.s32 $0xFFFFE000  }
0x71: {  	[tilespmem:s25], [sflag:$0x5] =	stream.linear.gather [hbm4b:s10+s2], $0x80, $0x38;
	[tilespmem:$0xE200] =	vst v63  }
0x72: {  	_ =	swait.ge [sflag:s17], $0x80  }
0x73: {  	[sflag:s17] =	ssyncset.done $0x0  }
0x74: {  	[sflag:s17] =	ssyncadd.s32 $0xFFFFFF80  }
0x75: {  	[spmem:s1] =	stream.indirect.scatter.add.f32 [tilespmem:s22], [sflag:$0x4], $0x40, s25, s18, $0xb8;
	[tilespmem:$0xE200] =	vst v63  }
0x76: {  	_ =	swait.ge [sflag:s26], $0x2000  }
0x77: {  	[sflag:s26] =	ssyncset.done $0x0  }
0x78: {  	[sflag:s26] =	ssyncadd.s32 $0xFFFFE000  }
0x79: {  	_ =	swait.ge [sflag:s28], $0x2000  }
0x7a: {  	s29 =	sadd.s32 $0x1, s29;
	[sflag:s28] =	ssyncset.done $0x0  }
0x7b: {  	p0 =	sne.s32 s29, s11;
	[sflag:s28] =	ssyncadd.s32 $0xFFFFE000  }
.Ltmp1:
0x7c: {  	[bflag:$0x0] =	sbarrier.arrive $0xFFFF;
	(pc) =	sbr.rel @p0 .LBB2_1-.Ltmp1, $4  }
0x7d: {  	[hbm:s24], [sflag:s8] =	dma.local [spmem:s16], $0x1400  }
0x7e: {  	_ =	swait.ge [sflag:s17], $0x1400  }
0x7f: {  	[sflag:s17] =	ssyncset.done $0x0  }
0x80: {  	[sflag:s17] =	ssyncadd.s32 $0xFFFFEC00  }
0x81: {  	_ =	sfence.sel $0x180000  }
0x82: {  	[bflag:$0x0] =	sbarrier.arrive $0xFFFF  }
0x83: {  	_ =	strace $0x9000004D  }
0x84: {  	[bflag:$0x2] =	sbarrier.arrive $0xFFFF  }
0x85: {  	p0 =	sne.s32 s4, $0x0;
	s0 =	rddreg [dreg:$0x2]  }
0x86: {  	s0 =	sadd.s32 @!p0 $0x100000, s0  }
0x87: {  	[sflag:s0] =	ssyncadd.tile.s32 @!p0 $0x1;
	_ =	shalt  }
.Lfunc_end2:
_tile_overlayer_lowered:
.L_overlay_start_2:
0x88: {  	(tag) =	ssettag $0x2  }
0x89: {  	s0 =	rddreg [dreg:$0x0];
	s2 =	stileid.u32  }
0x8a: {  	s1 =	rddreg [dreg:$0x1];
	p0 =	sne.s32 s2, $0x0  }
0x8b: {  	s3 =	rddreg [dreg:$0x2];
	[bflag:$0x3] =	sbarrier.arrive $0xFFFF;
	s2 =	simm.s32 @!p0 $0x1C05  }
0x8c: {  	[timem:s3], [sflag:s2] =	dma.local @!p0 [hbm:s0], s1  }
0x8d: {  	s0 =	simm.s32 @!p0 $0x5  }
0x8e: {  	_ =	swait.ge @!p0 [sflag:s0], s1  }
0x8f: {  	s1 =	ssub.s32 @!p0 $0x0, s1;
	[sflag:s0] =	ssyncset.done @!p0 $0x0  }
0x90: {  	[sflag:s0] =	ssyncadd.s32 @!p0 s1  }
0x91: {  	[bflag:$0x3] =	sbarrier.arrive $0xFFFF  }
0x92: {  	_ =	shalt  }

// kernel: kernel.20.cloned.1.call-start
scs
__scs_entry_jumppad:
0x0: {  	(pc) =	sbr.rel $0x88, $3  }
0x1: {  	(tag) =	ssettag $0x0;
	lr =	simm.s32 $0x1  }
0x2: {  	[smem:$0x3F99] =	sst lr;
	_ =	strace $0xD0000000  }
0x3: {  	_ = 	snop  }
0x4: {  	_ = 	snop  }
0x5: {  	_ = 	snop  }
0x6: {  	_ = 	snop  }
0x7: {  	_ = 	snop  }
__scs_overlays_trampoline_lowered:
0x8: {  	[smem:$0x3FA8] =	sst s0  }
0x9: {  	[smem:$0x3FA9] =	sst s1  }
0xa: {  	[smem:$0x3FAA] =	sst s2  }
0xb: {  	[smem:$0x3FAB] =	sst s3  }
0xc: {  	[smem:$0x3FAC] =	sst s4  }
0xd: {  	[smem:$0x3FAD] =	sst s5  }
0xe: {  	[smem:$0x3FAE] =	sst s6  }
0xf: {  	[smem:$0x3FAF] =	sst s7  }
0x10: {  	[smem:$0x3FB0] =	sst s8  }
0x11: {  	[smem:$0x3FB1] =	sst s9;
	s0 =	simm.s32 @!p0 $0x0  }
0x12: {  	s1 =	sld [smem:$0x3F97];
	s0 =	simm.s32 @p0 $0x1  }
0x13: {  	[smem:$0x3FB2] =	sst s0;
	s0 =	simm.s32 @!p1 $0x0  }
0x14: {  	s2 =	sld [smem:$0x3F96];
	s0 =	simm.s32 @p1 $0x1  }
0x15: {  	[smem:$0x3FB3] =	sst s0;
	s0 =	simm.s32 @!p2 $0x0  }
0x16: {  	s3 =	sld [smem:$0x3FDB];
	s0 =	simm.s32 @p2 $0x1  }
0x17: {  	s4 =	simm.s32 $0x1BF5;
	[smem:$0x3FB5] =	sst s0  }
0x18: {  	s0 =	sld [smem:$0x3F98];
	_ =	swait.ge [sflag:s4], $0x0  }
0x19: {  	s7 =	sld [smem:$0x3F99]  }
0x1a: {  	s8 =	sadd.s32 $0xFFFFE003, lr  }
0x1b: {  	s9 =	sadd.s32 $0xFFFFFEF7, lr;
	s5 =	simm.s32 $0xFFFFFFFF;
	p2 =	slt.u32 s8, $0xFFFFF086  }
0x1c: {  	p1 =	slt.u32 s9, $0xF7A;
	s5 =	simm.s32 @!p2 $0x0  }
0x1d: {  	s5 =	simm.s32 @p1 $0x1;
	p0 =	seq.s32 s7, s2  }
0x1e: {  	s7 =	smul.u32 @!p0 $0xF7A, s2;
	p2 =	seq.s32 @!p0 s5, $0x0  }
0x1f: {  	s9 =	smul.u32 $0xF7A, s1;
	s8 =	simm.s32 @!p0 $0x1BF5;
	p2 =	por !p2, p0  }
0x20: {  	[sflag:s8] =	ssyncset.s32 @!p0 $0xFFFFF086;
	s6 =	sadd.s32 @!p0 s3, s7;
	s7 =	simm.s32 @!p0 $0x108  }
0x21: {  	s3 =	sadd.s32 s3, s9;
	s6 =	sadd.s32 @!p0 $0x88, s6;
	s7 =	simm.s32 @p2 $0x1082  }
0x22: {  	[simem:s7], [sflag:s8] =	dma.local @!p0 [hbm:s6], $0xF7A  }
0x23: {  	s9 =	sor.u32 $0xD0000000, s2;
	s6 =	simm.s32 $0x108;
	_ =	swait.ge @!p0 [sflag:s8], $0x0  }
0x24: {  	s3 =	sadd.s32 $0x88, s3;
	s6 =	simm.s32 @!p1 $0x1082;
	[sflag:s4] =	ssyncset.s32 $0xFFFFF086  }
0x25: {  	[simem:s6], [sflag:s4] =	dma.local [hbm:s3], $0xF7A  }
0x26: {  	[smem:$0x3F99] =	sst s1;
	(tag) =	ssettag s2;
	_ =	strace s9  }
0x27: {  	s1 =	sld [smem:$0x3FA9]  }
0x28: {  	s2 =	sld [smem:$0x3FAA]  }
0x29: {  	s4 =	sld [smem:$0x3FAC]  }
0x2a: {  	p0 =	seq.s32 s5, $0x0;
	s5 =	sld [smem:$0x3FAD]  }
0x2b: {  	s6 =	sld [smem:$0x3FAE]  }
0x2c: {  	s7 =	sld [smem:$0x3FAF]  }
0x2d: {  	s3 =	simm.s32 $0x108;
	s8 =	sld [smem:$0x3FB0]  }
0x2e: {  	s3 =	simm.s32 @!p0 $0x1082;
	s9 =	sld [smem:$0x3FB1]  }
0x2f: {  	lr =	sadd.s32 s0, s3;
	s0 =	sld [smem:$0x3FA8]  }
0x30: {  	s3 =	sld [smem:$0x3FAB]  }
0x31: {  	[smem:$0x3FB4] =	sst s10  }
0x32: {  	s10 =	sld [smem:$0x3FB2];
	_ =	sdelay $0x3  }
0x33: {  	p0 =	seq.s32 s10, $0x1;
	s10 =	sld [smem:$0x3FB4];
	_ =	sdelay $0x3  }
0x34: {  	[smem:$0x3FB4] =	sst s10  }
0x35: {  	s10 =	sld [smem:$0x3FB3];
	_ =	sdelay $0x3  }
0x36: {  	p1 =	seq.s32 s10, $0x1;
	s10 =	sld [smem:$0x3FB4];
	_ =	sdelay $0x3  }
0x37: {  	[smem:$0x3FB4] =	sst s10  }
0x38: {  	s10 =	sld [smem:$0x3FB5]  }
0x39: {  	_ = 	snop;
	(pc) =	sbr.ind lr, $3  }
0x3a: {  	_ = 	snop  }
0x3b: {  	_ = 	snop  }
0x3c: {  	p2 =	seq.s32 s10, $0x1;
	s10 =	sld [smem:$0x3FB4]  }
0x3d: {  	_ =	shalt  }
0x3e: {  	_ =	shalt  }
0x3f: {  	_ =	shalt  }
0x40: {  	_ =	shalt  }
0x41: {  	_ =	shalt  }
0x42: {  	_ =	shalt  }
0x43: {  	_ =	shalt  }
0x44: {  	_ =	shalt  }
0x45: {  	_ =	shalt  }
0x46: {  	_ =	shalt  }
0x47: {  	_ =	shalt  }
0x48: {  	_ =	shalt  }
0x49: {  	_ =	shalt  }
0x4a: {  	_ =	shalt  }
0x4b: {  	_ =	shalt  }
0x4c: {  	_ =	shalt  }
0x4d: {  	_ =	shalt  }
0x4e: {  	_ =	shalt  }
0x4f: {  	_ =	shalt  }
0x50: {  	_ =	shalt  }
0x51: {  	_ =	shalt  }
0x52: {  	_ =	shalt  }
0x53: {  	_ =	shalt  }
0x54: {  	_ =	shalt  }
0x55: {  	_ =	shalt  }
0x56: {  	_ =	shalt  }
0x57: {  	_ =	shalt  }
0x58: {  	_ =	shalt  }
0x59: {  	_ =	shalt  }
0x5a: {  	_ =	shalt  }
0x5b: {  	_ =	shalt  }
0x5c: {  	_ =	shalt  }
0x5d: {  	_ =	shalt  }
0x5e: {  	_ =	shalt  }
0x5f: {  	_ =	shalt  }
0x60: {  	_ =	shalt  }
0x61: {  	_ =	shalt  }
0x62: {  	_ =	shalt  }
0x63: {  	_ =	shalt  }
0x64: {  	_ =	shalt  }
0x65: {  	_ =	shalt  }
0x66: {  	_ =	shalt  }
0x67: {  	_ =	shalt  }
0x68: {  	_ =	shalt  }
0x69: {  	_ =	shalt  }
0x6a: {  	_ =	shalt  }
0x6b: {  	_ =	shalt  }
0x6c: {  	_ =	shalt  }
0x6d: {  	_ =	shalt  }
0x6e: {  	_ =	shalt  }
0x6f: {  	_ =	shalt  }
0x70: {  	_ =	shalt  }
0x71: {  	_ =	shalt  }
0x72: {  	_ =	shalt  }
0x73: {  	_ =	shalt  }
0x74: {  	_ =	shalt  }
0x75: {  	_ =	shalt  }
0x76: {  	_ =	shalt  }
0x77: {  	_ =	shalt  }
0x78: {  	_ =	shalt  }
0x79: {  	_ =	shalt  }
0x7a: {  	_ =	shalt  }
0x7b: {  	_ =	shalt  }
0x7c: {  	_ =	shalt  }
0x7d: {  	_ =	shalt  }
0x7e: {  	_ =	shalt  }
0x7f: {  	_ =	shalt  }
0x80: {  	_ =	shalt  }
0x81: {  	_ =	shalt  }
0x82: {  	_ =	shalt  }
0x83: {  	_ =	shalt  }
0x84: {  	_ =	shalt  }
0x85: {  	_ =	shalt  }
0x86: {  	_ =	shalt  }
0x87: {  	_ =	shalt  }
.Lfunc_end0:
.L_simem_size_0:
called_computation.3_lowered:
.L_overlay_start_0:
0x88: {  	s2 =	sld [smem:$0x3FD9]  }
0x89: {  	s3 =	sld [smem:$0x3FFE];
	_ =	sdelay $0x1  }
0x8a: {  	s1 =	srdreg.scid  }
0x8b: {  	s0 =	sand.u32 $0x1, s1  }
0x8c: {  	s17 =	sshll.u32 s0, $0xA;
	s2 =	sadd.s32 s3, s2  }
0x8d: {  	s2 =	sadd.s32 s2, s17  }
0x8e: {  	[smem:$0x3FC0] =	sst s2  }
0x8f: {  	_ = 	snop  }
0x90: {  	s2 =	sld [smem:$0x3FD0];
	(tm) =	ssettm $0x1  }
0x91: {  	s18 =	sld [smem:$0x3FFB];
	_ =	sdelay $0x3  }
0x92: {  	_ =	strace s18  }
0x93: {  	s3 =	sld [smem:$0x3FFC];
	_ =	sdelay $0x3  }
0x94: {  	_ =	strace s3  }
0x95: {  	s3 =	sld [smem:$0x3FFD];
	_ =	sdelay $0x3  }
0x96: {  	_ =	strace s3  }
0x97: {  	_ =	strace $0x8FFFFFFF  }
0x98: {  	s19 =	sld [smem:$0x3FDB];
	_ =	sdelay $0x1  }
0x99: {  	s4 =	simm.s32 $_scs_section_size  }
0x9a: {  	s5 =	simm.s32 $_size__tile_overlayer_lowered;
	s6 =	simm.s32 $_tile_overlayer_lowered  }
0x9b: {  	s22 =	simm.s32 $0x1BFF;
	s21 =	sshll.u32 s6, $0x1;
	s3 =	sadd.s32 s4, s19  }
0x9c: {  	s7 =	simm.s32 $0x0;
	s20 =	sshll.u32 s5, $0x1;
	s5 =	sadd.s32 s21, s3  }
0x9d: {  	[timem:s7], [sflag:s22] =	dma.local [hbm:s5], s20  }
0x9e: {  	_ =	swait.ge [sflag:s22], s20  }
0x9f: {  	s4 =	ssub.s32 $0x0, s20;
	[sflag:s22] =	ssyncset.done $0x0  }
0xa0: {  	[sflag:s22] =	ssyncadd.s32 s4;
	_ =	sdelay $0x1  }
0xa1: {  	s23 =	simm.s32 $0x1B8B  }
0xa2: {  	_ =	swait.ge [sflag:s23], $0x1  }
0xa3: {  	[sflag:s23] =	ssyncset.done $0x0  }
0xa4: {  	s25 =	simm.s32 $0x1B8E;
	s24 =	sld [smem:$0x3FFE];
	[sflag:s23] =	ssyncadd.s32 $0xFFFFFFFF  }
0xa5: {  	s26 =	simm.s32 $execute0_lowered;
	[smem:$0x3FD2] =	sst s25  }
0xa6: {  	s5 =	sshll.u32 s26, $0x1;
	_ =	strace $0x8000004F;
	[dreg:$0x1] =	wrdreg $0xFFFFFFFF  }
0xa7: {  	s28 =	simm.s32 $_size_execute0_lowered;
	s3 =	sadd.s32 s3, s5;
	[dreg:$0x0] =	wrdreg $0x0  }
0xa8: {  	s5 =	sshll.u32 s28, $0x1;
	[dreg:$0x2] =	wrdreg s3  }
0xa9: {  	[dreg:$0x3] =	wrdreg s5  }
0xaa: {  	[dreg:$0x4] =	wrdreg $0xC0  }
0xab: {  	_ =	task [dreg:s7], $0x5FFFF  }
0xac: {  	[dreg:$0x1] =	wrdreg $0xFFFFFFFF  }
0xad: {  	[dreg:$0x0] =	wrdreg $0x60  }
0xae: {  	[dreg:$0x2] =	wrdreg s24  }
0xaf: {  	[dreg:$0x3] =	wrdreg s2  }
0xb0: {  	[dreg:$0x4] =	wrdreg $0xA000  }
0xb1: {  	[dreg:$0x5] =	wrdreg $0x9  }
0xb2: {  	_ =	task.clear_ibuf [dreg:s7], $0x6FFFF;
	_ =	strace $0x9000004F  }
0xb3: {  	s29 =	simm.s32 $0x9;
	_ =	strace $0x80000051  }
0xb4: {  	_ =	swait.ge [sflag:s29], $0x1  }
0xb5: {  	[sflag:s29] =	ssyncadd.s32 $0xFFFFFFFF  }
0xb6: {  	_ =	strace $0x90000051  }
0xb7: {  	_ =	sfence  }
0xb8: {  	s30 =	sld [smem:$0x0];
	_ =	sdelay $0x2  }
0xb9: {  	s31 =	sshll.u32 s1, $0xD;
	s1 =	sshrl.u32 s1, $0x2  }
0xba: {  	s3 =	sand.u32 $0x4000, s31;
	s1 =	sadd.s32 s1, s30  }
0xbb: {  	s0 =	sor.u32 s3, s0;
	s1 =	sshll.u32 s1, $0x11  }
0xbc: {  	s0 =	sor.u32 s1, s0  }
0xbd: {  	s0 =	sadd.s32 $0x8F2B, s0  }
0xbe: {  	[sflag:s0] =	ssyncadd.remote.s32 $0x1  }
0xbf: {  	_ =	sfence.sel $0xFFFF  }
0xc0: {  	[dreg:$0x0] =	wrdreg $0xFFFFFFFF;
	(pc) =	sbr.abs _section_cstart, $3  }
0xc1: {  	[dreg:$0x1] =	wrdreg $0xFFFFFFFF  }
0xc2: {  	_ =	task.clear_ibuf [dreg:s7], $0x2FFFF;
	_ =	strace $0x9FFFFFFF  }
0xc3: {  	(tm) =	ssettm $0x7FFFFFFF  }
tec
execute0_lowered:
.L_overlay_start_1:
0x0: {  	(tag) =	ssettag $0x1  }
0x1: {  	s6 =	rddreg [dreg:$0x0]  }
0x2: {  	s1 =	rddreg [dreg:$0x1]  }
0x3: {  	s2 =	rddreg [dreg:$0x2];
	s3 =	simm.s32 $0x0  }
0x4: {  	s4 =	srdreg.scid;
	s19 =	simm.s32 $0x200;
	s20 =	simm.s32 $0x1  }
0x5: {  	s21 =	simm.s32 $0x100;
	s22 =	simm.s32 $0x600;
	s23 =	simm.s32 $0x3  }
0x6: {  	s28 =	simm.s32 $0x4;
	s29 =	simm.s32 $0x0;
	[smem:$0x7FF] =	sst s3  }
0x7: {  	s5 =	sadd.s32 $0xC000, s6;
	s15 =	sadd.s32 $0x11200, s6;
	s7 =	sand.u32 $0x1, s4  }
0x8: {  	s4 =	stileid.u32;
	s14 =	sadd.s32 $0x2000, s6;
	s8 =	smul.u32 $0x2800, s7  }
0x9: {  	_ =	strace $0x80000050;
	s9 =	sshll.u32 s7, $0x4;
	s11 =	smul.u32 $0x1400, s4  }
0xa: {  	s10 =	ssub.s32 $0x2, s7;
	s25 =	sshll.u32 s4, $0x6;
	s17 =	smul.u32 $0x28000, s7  }
0xb: {  	s18 =	smul.u32 $0x2800, s4;
	s9 =	sor.u32 s4, s9;
	s12 =	sshrl.u32 s10, $0x1  }
0xc: {  	s9 =	smul.u32 $0x2800, s9;
	s13 =	sadd.s32 s8, s6;
	s12 =	ssub.s32 s10, s12  }
0xd: {  	s16 =	sadd.s32 s11, s2;
	s8 =	sor.u32 $0x1C05, s25;
	s25 =	sshrl.u32 s11, $0x3  }
0xe: {  	s26 =	sadd.s32 s18, s17;
	s24 =	sadd.s32 $0x1B200, s13;
	s11 =	smax.u32 s12, $0x1  }
0xf: {  	s30 =	sor.u32 $0x180, s26;
	s17 =	sor.u32 $0x80, s26;
	s18 =	sor.u32 $0x100, s26  }
0x10: {  	s16 =	sshrl.u32 s16, $0x3;
	s26 =	simm.s32 $0x2;
	s9 =	sshrl.u32 s9, $0x3  }
0x11: {  	s12 =	sshrl.u32 s30, $0x3;
	s17 =	sshrl.u32 s17, $0x3;
	s31 =	sshrl.u32 s18, $0x3  }
0x12: {  	s18 =	simm.s32 $0x80;
	s24 =	sadd.s32 s25, s24;
	s25 =	simm.s32 $0x180  }
0x13: {  	s6 =	sadd.s32 s15, s9;
	s7 =	sadd.s32 s14, s9;
	s12 =	sadd.s32 s12, s15  }
0x14: {  	s13 =	sadd.s32 s17, s14;
	s14 =	sadd.s32 s31, s14;
	s15 =	sadd.s32 s31, s15  }
0x15: {  	s17 =	simm.s32 $0x5;
	s9 =	sadd.s32 $0x10, s6;
	s10 =	sadd.s32 $0x4F0, s7  }
.LBB2_1:
0x16: {  	[spmem:s16], [sflag:s8] =	dma.local [hbm:s1], $0x280  }
0x17: {  	_ =	swait.ge [sflag:s17], $0x280  }
0x18: {  	[sflag:s17] =	ssyncset.done $0x0  }
0x19: {  	[sflag:s17] =	ssyncadd.s32 $0xFFFFFD80  }
0x1a: {  	[bflag:$0x0] =	sbarrier.arrive $0xFFFF  }
0x1b: {  	[tilespmem:s3], [sflag:$0x5] =	stream.linear.gather [hbm4b:s6+s3], $0x80, $0x38;
	[tilespmem:$0x1E00] =	vst v63  }
0x1c: {  	_ =	swait.ge [sflag:s17], $0x80  }
0x1d: {  	[sflag:s17] =	ssyncset.done $0x0  }
0x1e: {  	[sflag:s17] =	ssyncadd.s32 $0xFFFFFF80  }
0x1f: {  	[tilespmem:s19], [sflag:$0x1] =	stream.indirect.gather [hbm4b:s5+s18], $0x8, s3, s18, $0xb8;
	[tilespmem:$0x1E00] =	vst v63  }
0x20: {  	_ =	swait.ge [sflag:s20], $0x400  }
0x21: {  	[sflag:s20] =	ssyncset.done $0x0  }
0x22: {  	[sflag:s20] =	ssyncadd.s32 $0xFFFFFC00  }
0x23: {  	[tilespmem:s18], [sflag:$0x5] =	stream.linear.gather [hbm4b:s7+s3], $0x80, $0x38;
	[tilespmem:$0x1E00] =	vst v63  }
0x24: {  	_ =	swait.ge [sflag:s17], $0x80  }
0x25: {  	[sflag:s17] =	ssyncset.done $0x0  }
0x26: {  	[sflag:s17] =	ssyncadd.s32 $0xFFFFFF80  }
0x27: {  	[spmem:s2] =	stream.indirect.scatter.add.f32 [tilespmem:s19], [sflag:$0x2], $0x8, s18, s18, $0xb8;
	[tilespmem:$0x1E00] =	vst v63  }
0x28: {  	_ = 	snop  }
0x29: {  	[tilespmem:s21], [sflag:$0x5] =	stream.linear.gather [hbm4b:s9+s3], $0x80, $0x38;
	[tilespmem:$0x1E00] =	vst v63  }
0x2a: {  	_ =	swait.ge [sflag:s17], $0x80  }
0x2b: {  	[sflag:s17] =	ssyncset.done $0x0  }
0x2c: {  	[sflag:s17] =	ssyncadd.s32 $0xFFFFFF80  }
0x2d: {  	[tilespmem:s22], [sflag:$0x3] =	stream.indirect.gather [hbm4b:s5+s18], $0x8, s21, s18, $0xb8;
	[tilespmem:$0x1E00] =	vst v63  }
0x2e: {  	_ =	swait.ge [sflag:s23], $0x400  }
0x2f: {  	[sflag:s23] =	ssyncset.done $0x0  }
0x30: {  	s30 =	sadd.s32 $0x0, s13;
	[sflag:s23] =	ssyncadd.s32 $0xFFFFFC00  }
0x31: {  	[tilespmem:s25], [sflag:$0x5] =	stream.linear.gather [hbm4b:s30+s3], $0x80, $0x38;
	[tilespmem:$0x1E00] =	vst v63  }
0x32: {  	_ =	swait.ge [sflag:s17], $0x80  }
0x33: {  	[sflag:s17] =	ssyncset.done $0x0  }
0x34: {  	[sflag:s17] =	ssyncadd.s32 $0xFFFFFF80  }
0x35: {  	[spmem:s2] =	stream.indirect.scatter.add.f32 [tilespmem:s22], [sflag:$0x4], $0x8, s25, s18, $0xb8;
	[tilespmem:$0x1E00] =	vst v63  }
0x36: {  	_ =	swait.ge [sflag:s26], $0x400  }
0x37: {  	[sflag:s26] =	ssyncset.done $0x0  }
0x38: {  	s30 =	sadd.s32 $0x0, s15;
	[sflag:s26] =	ssyncadd.s32 $0xFFFFFC00  }
0x39: {  	[tilespmem:s3], [sflag:$0x5] =	stream.linear.gather [hbm4b:s30+s3], $0x80, $0x38;
	[tilespmem:$0x1E00] =	vst v63  }
0x3a: {  	_ =	swait.ge [sflag:s17], $0x80  }
0x3b: {  	[sflag:s17] =	ssyncset.done $0x0  }
0x3c: {  	[sflag:s17] =	ssyncadd.s32 $0xFFFFFF80  }
0x3d: {  	[tilespmem:s19], [sflag:$0x1] =	stream.indirect.gather [hbm4b:s5+s18], $0x8, s3, s18, $0xb8;
	[tilespmem:$0x1E00] =	vst v63  }
0x3e: {  	_ =	swait.ge [sflag:s20], $0x400  }
0x3f: {  	[sflag:s20] =	ssyncset.done $0x0  }
0x40: {  	s30 =	sadd.s32 $0x0, s14;
	[sflag:s20] =	ssyncadd.s32 $0xFFFFFC00  }
0x41: {  	[tilespmem:s18], [sflag:$0x5] =	stream.linear.gather [hbm4b:s30+s3], $0x80, $0x38;
	[tilespmem:$0x1E00] =	vst v63  }
0x42: {  	_ =	swait.ge [sflag:s17], $0x80  }
0x43: {  	[sflag:s17] =	ssyncset.done $0x0  }
0x44: {  	[sflag:s17] =	ssyncadd.s32 $0xFFFFFF80  }
0x45: {  	[spmem:s2] =	stream.indirect.scatter.add.f32 [tilespmem:s19], [sflag:$0x2], $0x8, s18, s18, $0xb8;
	[tilespmem:$0x1E00] =	vst v63  }
0x46: {  	_ =	swait.ge [sflag:s28], $0x400  }
0x47: {  	[sflag:s28] =	ssyncset.done $0x0  }
0x48: {  	s30 =	sadd.s32 $0x0, s12;
	[sflag:s28] =	ssyncadd.s32 $0xFFFFFC00  }
0x49: {  	[tilespmem:s21], [sflag:$0x5] =	stream.linear.gather [hbm4b:s30+s3], $0x80, $0x38;
	[tilespmem:$0x1E00] =	vst v63  }
0x4a: {  	_ =	swait.ge [sflag:s17], $0x80  }
0x4b: {  	[sflag:s17] =	ssyncset.done $0x0  }
0x4c: {  	s30 =	simm.s32 $0x20;
	[sflag:s17] =	ssyncadd.s32 $0xFFFFFF80  }
.LBB2_2:
0x4d: {  	[tilespmem:s22], [sflag:$0x3] =	stream.indirect.gather [hbm4b:s5+s18], $0x8, s21, s18, $0xb8;
	[tilespmem:$0x1E00] =	vst v63  }
0x4e: {  	s31 =	smov.u32 s30  }
0x4f: {  	p0 =	sne.s32 s30, $0x4C0;
	s30 =	sadd.s32 $0x20, s30;
	_ =	swait.ge [sflag:s23], $0x400  }
0x50: {  	[sflag:s23] =	ssyncset.done $0x0  }
0x51: {  	s0 =	sadd.s32 s31, s13;
	[sflag:s23] =	ssyncadd.s32 $0xFFFFFC00  }
0x52: {  	[tilespmem:s25], [sflag:$0x5] =	stream.linear.gather [hbm4b:s0+s3], $0x80, $0x38;
	[tilespmem:$0x1E00] =	vst v63  }
0x53: {  	_ =	swait.ge [sflag:s17], $0x80  }
0x54: {  	[sflag:s17] =	ssyncset.done $0x0  }
0x55: {  	[sflag:s17] =	ssyncadd.s32 $0xFFFFFF80  }
0x56: {  	[spmem:s2] =	stream.indirect.scatter.add.f32 [tilespmem:s22], [sflag:$0x4], $0x8, s25, s18, $0xb8;
	[tilespmem:$0x1E00] =	vst v63  }
0x57: {  	_ =	swait.ge [sflag:s26], $0x400  }
0x58: {  	[sflag:s26] =	ssyncset.done $0x0  }
0x59: {  	s0 =	sadd.s32 s31, s15;
	[sflag:s26] =	ssyncadd.s32 $0xFFFFFC00  }
0x5a: {  	[tilespmem:s3], [sflag:$0x5] =	stream.linear.gather [hbm4b:s0+s3], $0x80, $0x38;
	[tilespmem:$0x1E00] =	vst v63  }
0x5b: {  	_ =	swait.ge [sflag:s17], $0x80  }
0x5c: {  	[sflag:s17] =	ssyncset.done $0x0  }
0x5d: {  	[sflag:s17] =	ssyncadd.s32 $0xFFFFFF80  }
0x5e: {  	[tilespmem:s19], [sflag:$0x1] =	stream.indirect.gather [hbm4b:s5+s18], $0x8, s3, s18, $0xb8;
	[tilespmem:$0x1E00] =	vst v63  }
0x5f: {  	_ =	swait.ge [sflag:s20], $0x400  }
0x60: {  	[sflag:s20] =	ssyncset.done $0x0  }
0x61: {  	s0 =	sadd.s32 s31, s14;
	[sflag:s20] =	ssyncadd.s32 $0xFFFFFC00  }
0x62: {  	[tilespmem:s18], [sflag:$0x5] =	stream.linear.gather [hbm4b:s0+s3], $0x80, $0x38;
	[tilespmem:$0x1E00] =	vst v63  }
0x63: {  	_ =	swait.ge [sflag:s17], $0x80  }
0x64: {  	[sflag:s17] =	ssyncset.done $0x0  }
0x65: {  	[sflag:s17] =	ssyncadd.s32 $0xFFFFFF80  }
0x66: {  	[spmem:s2] =	stream.indirect.scatter.add.f32 [tilespmem:s19], [sflag:$0x2], $0x8, s18, s18, $0xb8;
	[tilespmem:$0x1E00] =	vst v63  }
0x67: {  	_ =	swait.ge [sflag:s28], $0x400  }
0x68: {  	[sflag:s28] =	ssyncset.done $0x0  }
.Ltmp0:
0x69: {  	s0 =	sadd.s32 s31, s12;
	[sflag:s28] =	ssyncadd.s32 $0xFFFFFC00;
	(pc) =	sbr.rel @p0 .LBB2_2-.Ltmp0, $4  }
0x6a: {  	[tilespmem:s21], [sflag:$0x5] =	stream.linear.gather [hbm4b:s0+s3], $0x80, $0x38;
	[tilespmem:$0x1E00] =	vst v63  }
0x6b: {  	_ =	swait.ge [sflag:s17], $0x80  }
0x6c: {  	[sflag:s17] =	ssyncset.done $0x0  }
0x6d: {  	[sflag:s17] =	ssyncadd.s32 $0xFFFFFF80  }
0x6e: {  	[tilespmem:s22], [sflag:$0x3] =	stream.indirect.gather [hbm4b:s5+s18], $0x8, s21, s18, $0xb8;
	[tilespmem:$0x1E00] =	vst v63  }
0x6f: {  	_ =	swait.ge [sflag:s23], $0x400  }
0x70: {  	[sflag:s23] =	ssyncset.done $0x0  }
0x71: {  	[sflag:s23] =	ssyncadd.s32 $0xFFFFFC00  }
0x72: {  	[tilespmem:s25], [sflag:$0x5] =	stream.linear.gather [hbm4b:s10+s3], $0x80, $0x38;
	[tilespmem:$0x1E00] =	vst v63  }
0x73: {  	_ =	swait.ge [sflag:s17], $0x80  }
0x74: {  	[sflag:s17] =	ssyncset.done $0x0  }
0x75: {  	[sflag:s17] =	ssyncadd.s32 $0xFFFFFF80  }
0x76: {  	[spmem:s2] =	stream.indirect.scatter.add.f32 [tilespmem:s22], [sflag:$0x4], $0x8, s25, s18, $0xb8;
	[tilespmem:$0x1E00] =	vst v63  }
0x77: {  	_ =	swait.ge [sflag:s26], $0x400  }
0x78: {  	[sflag:s26] =	ssyncset.done $0x0  }
0x79: {  	[sflag:s26] =	ssyncadd.s32 $0xFFFFFC00  }
0x7a: {  	_ =	swait.ge [sflag:s28], $0x400  }
0x7b: {  	s29 =	sadd.s32 $0x1, s29;
	[sflag:s28] =	ssyncset.done $0x0  }
0x7c: {  	p0 =	sne.s32 s29, s11;
	[sflag:s28] =	ssyncadd.s32 $0xFFFFFC00  }
.Ltmp1:
0x7d: {  	[bflag:$0x0] =	sbarrier.arrive $0xFFFF;
	(pc) =	sbr.rel @p0 .LBB2_1-.Ltmp1, $4  }
0x7e: {  	[hbm:s24], [sflag:s8] =	dma.local [spmem:s16], $0x280  }
0x7f: {  	_ =	swait.ge [sflag:s17], $0x280  }
0x80: {  	[sflag:s17] =	ssyncset.done $0x0  }
0x81: {  	[sflag:s17] =	ssyncadd.s32 $0xFFFFFD80  }
0x82: {  	_ =	sfence.sel $0x180000  }
0x83: {  	[bflag:$0x0] =	sbarrier.arrive $0xFFFF  }
0x84: {  	_ =	strace $0x90000050  }
0x85: {  	[bflag:$0x2] =	sbarrier.arrive $0xFFFF  }
0x86: {  	p0 =	sne.s32 s4, $0x0;
	s0 =	rddreg [dreg:$0x3]  }
0x87: {  	s0 =	sadd.s32 @!p0 $0x100000, s0  }
0x88: {  	[sflag:s0] =	ssyncadd.tile.s32 @!p0 $0x1;
	_ =	shalt  }
.Lfunc_end2:
_tile_overlayer_lowered:
.L_overlay_start_2:
0x89: {  	(tag) =	ssettag $0x2  }
0x8a: {  	s0 =	rddreg [dreg:$0x0];
	s2 =	stileid.u32  }
0x8b: {  	s1 =	rddreg [dreg:$0x1];
	p0 =	sne.s32 s2, $0x0  }
0x8c: {  	s3 =	rddreg [dreg:$0x2];
	[bflag:$0x3] =	sbarrier.arrive $0xFFFF;
	s2 =	simm.s32 @!p0 $0x1C05  }
0x8d: {  	[timem:s3], [sflag:s2] =	dma.local @!p0 [hbm:s0], s1  }
0x8e: {  	s0 =	simm.s32 @!p0 $0x5  }
0x8f: {  	_ =	swait.ge @!p0 [sflag:s0], s1  }
0x90: {  	s1 =	ssub.s32 @!p0 $0x0, s1;
	[sflag:s0] =	ssyncset.done @!p0 $0x0  }
0x91: {  	[sflag:s0] =	ssyncadd.s32 @!p0 s1  }
0x92: {  	[bflag:$0x3] =	sbarrier.arrive $0xFFFF  }
0x93: {  	_ =	shalt  }

</sc_bundles>
